<compile_context>
chip_gen: v7x
topology: tpu7x:2x2x1
jax: 0.10.2.dev20260603
libtpu: 0.0.44.dev20260713+nightly
codegen_flags: <defaults>
</compile_context>

<pallas_src>
import functools

import jax
import jax.numpy as jnp
from jax import lax
from jax.experimental import pallas as pl
from jax.experimental.pallas import tpu as pltpu
from jax.experimental.pallas import tpu_sc as plsc

_INFO = plsc.get_sparse_core_info()
_NC, _NS = _INFO.num_cores, _INFO.num_subcores
_NW = _NC * _NS
_CHUNK = 50_000


def _stream_range(src, dst, base, total, bufs, isems, osems):
    n = total // _CHUNK

    def icp(k):
        j = k & 1
        return pltpu.make_async_copy(
            src.at[pl.ds(base + k * _CHUNK, _CHUNK)], bufs[j], isems.at[j])

    def ocp(k):
        j = k & 1
        return pltpu.make_async_copy(
            bufs[j], dst.at[pl.ds(base + k * _CHUNK, _CHUNK)], osems.at[j])

    icp(0).start()
    for k in range(n):
        icp(k).wait()
        ocp(k).start()
        if k + 1 < n:
            if k >= 1:
                ocp(k - 1).wait()
            icp(k + 1).start()
    for k in range(max(0, n - 2), n):
        ocp(k).wait()


def _sc_copy(u_flat, i_flat):
    u_n, i_n = u_flat.shape[0], i_flat.shape[0]
    u_per, i_per = u_n // _NW, i_n // _NW
    mesh = plsc.VectorSubcoreMesh(core_axis_name="c", subcore_axis_name="s")

    @functools.partial(
        pl.kernel,
        mesh=mesh,
        out_type=[
            jax.ShapeDtypeStruct((u_n,), jnp.float32),
            jax.ShapeDtypeStruct((i_n,), jnp.float32),
        ],
        scratch_types=[
            pltpu.VMEM((_CHUNK,), jnp.float32),
            pltpu.VMEM((_CHUNK,), jnp.float32),
            pltpu.SemaphoreType.DMA((2,)),
            pltpu.SemaphoreType.DMA((2,)),
        ],
    )
    def k(u_in, i_in, u_out, i_out, buf0, buf1, isems, osems):
        wid = lax.axis_index("s") * _NC + lax.axis_index("c")
        _stream_range(u_in, u_out, wid * u_per, u_per,
                      (buf0, buf1), isems, osems)
        _stream_range(i_in, i_out, wid * i_per, i_per,
                      (buf0, buf1), isems, osems)

    return k(u_flat, i_flat)


def kernel(embed_user, embed_item):
    u_shape, i_shape = embed_user.shape, embed_item.shape
    u_flat = embed_user.T.reshape(-1)
    i_flat = embed_item.T.reshape(-1)
    out_u, out_i = _sc_copy(u_flat, i_flat)
    out_u = out_u.reshape(u_shape[1], u_shape[0]).T
    out_i = out_i.reshape(i_shape[1], i_shape[0]).T
    return (out_u, out_i)

# --- scband reference (transcript-rebuilt; emitter-appended) ---
"""Pipeline reference for scband-rel-graph-embed-46196668236146 (READ-ONLY COPY).

The authoritative reference and input builder live on the scoring server;
editing this copy changes nothing except your own understanding.
"""

import jax, jax.numpy as jnp
import numpy as np

NUM_NODES = {"user": 1000000, "item": 100000}
EMBED_DIM = 64


def _xavier_uniform_relu(key, n, d):
    # torch xavier_uniform_ with gain=calculate_gain('relu')=sqrt(2)
    gain = np.sqrt(2.0)
    bound = gain * np.sqrt(6.0 / (n + d))
    return jax.random.uniform(key, (n, d), minval=-bound, maxval=bound, dtype=jnp.float32)


def setup_inputs(seed: int = 0) -> dict:
    key = jax.random.key(seed)
    k_user, k_item = jax.random.split(key)
    return {
        "embed_user": _xavier_uniform_relu(k_user, NUM_NODES["user"], EMBED_DIM),
        "embed_item": _xavier_uniform_relu(k_item, NUM_NODES["item"], EMBED_DIM),
    }


def reference(embed_user, embed_item):
    # RelGraphEmbed.forward returns {ntype: embedding_weight}; we return the
    # per-ntype weights as an ordered tuple (user, item) for array outputs.
    return (embed_user, embed_item)

if __name__ == "__main__":
    import jax
    _d = setup_inputs()
    print(jax.jit(kernel)(*tuple(_d.values())))

</pallas_src>

<mosaic_0001>
#map = affine_map<(d0, d1) -> (0)>
module attributes {stable_mosaic.version = 14 : i64} {
  func.func @k(%arg0: i32, %arg1: i32, %arg2: memref<64000000xf32, #tpu.memory_space<hbm>>, %arg3: memref<6400000xf32, #tpu.memory_space<hbm>>, %arg4: memref<64000000xf32, #tpu.memory_space<hbm>>, %arg5: memref<6400000xf32, #tpu.memory_space<hbm>>, %arg6: memref<50000xf32, #tpu.memory_space<vmem>>, %arg7: memref<50000xf32, #tpu.memory_space<vmem>>, %arg8: memref<2x!tpu.dma_semaphore, #tpu.memory_space<semaphore_mem>>, %arg9: memref<2x!tpu.dma_semaphore, #tpu.memory_space<semaphore_mem>>) attributes {dimension_semantics = [#tpu.dimension_semantics<core_parallel>, #tpu.dimension_semantics<subcore_parallel>], iteration_bounds = array<i64: 2, 16>, scalar_prefetch = 0 : i64, scratch_operands = 4 : i64, tpu.core_type = #tpu.core_type<sc_vector_subcore>, window_params = [{transform_indices = #map}, {transform_indices = #map}, {transform_indices = #map}, {transform_indices = #map}]} {
    %mul3A = arith.constant 2 : i32
    %mul3A_0 = arith.muli %arg1, %mul3A : i32
    %add3A = arith.addi %mul3A_0, %arg0 : i32
    %mul3A_1 = arith.constant 2000000 : i32
    %mul3A_2 = arith.muli %add3A, %mul3A_1 : i32
    %add3A_3 = arith.constant 0 : i32
    %add3A_4 = arith.addi %mul3A_2, %add3A_3 : i32
    %dma_start3A = arith.constant 0 : i32
    %dma_start3A_5 = tpu.memref_slice %arg2[%add3A_4] : memref<64000000xf32, #tpu.memory_space<hbm>> -> memref<50000xf32, #tpu.memory_space<hbm>>
    %dma_start3A_6 = tpu.memref_slice %arg8[%dma_start3A] : memref<2x!tpu.dma_semaphore, #tpu.memory_space<semaphore_mem>> -> memref<1x!tpu.dma_semaphore, #tpu.memory_space<semaphore_mem>>
    %dma_start3A_7 = tpu.memref_squeeze %dma_start3A_6 : memref<1x!tpu.dma_semaphore, #tpu.memory_space<semaphore_mem>> -> memref<!tpu.dma_semaphore, #tpu.memory_space<semaphore_mem>>
    %dma_start3A_8 = tpu.memref_slice %arg2[%add3A_4] : memref<64000000xf32, #tpu.memory_space<hbm>> -> memref<50000xf32, #tpu.memory_space<hbm>>
    tpu.enqueue_dma source(%dma_start3A_8 : memref<50000xf32, #tpu.memory_space<hbm>>) target(%arg6 : memref<50000xf32, #tpu.memory_space<vmem>>) target_semaphore(%dma_start3A_7 : memref<!tpu.dma_semaphore, #tpu.memory_space<semaphore_mem>>)
    %add3A_9 = arith.constant 0 : i32
    %add3A_10 = arith.addi %mul3A_2, %add3A_9 : i32
    %dma_wait3A = arith.constant 0 : i32
    %dma_wait3A_11 = tpu.memref_slice %arg2[%add3A_10] : memref<64000000xf32, #tpu.memory_space<hbm>> -> memref<50000xf32, #tpu.memory_space<hbm>>
    %dma_wait3A_12 = tpu.memref_slice %arg8[%dma_wait3A] : memref<2x!tpu.dma_semaphore, #tpu.memory_space<semaphore_mem>> -> memref<1x!tpu.dma_semaphore, #tpu.memory_space<semaphore_mem>>
    %dma_wait3A_13 = tpu.memref_squeeze %dma_wait3A_12 : memref<1x!tpu.dma_semaphore, #tpu.memory_space<semaphore_mem>> -> memref<!tpu.dma_semaphore, #tpu.memory_space<semaphore_mem>>
    %dma_wait3A_14 = tpu.memref_slice %arg2[%add3A_10] : memref<64000000xf32, #tpu.memory_space<hbm>> -> memref<50000xf32, #tpu.memory_space<hbm>>
    tpu.wait_dma2 semaphore(%dma_wait3A_13 : memref<!tpu.dma_semaphore, #tpu.memory_space<semaphore_mem>>) src(%dma_wait3A_14 : memref<50000xf32, #tpu.memory_space<hbm>>) dst(%arg6 : memref<50000xf32, #tpu.memory_space<vmem>>)
    %add3A_15 = arith.constant 0 : i32
    %add3A_16 = arith.addi %mul3A_2, %add3A_15 : i32
    %dma_start3A_17 = arith.constant 0 : i32
    %dma_start3A_18 = tpu.memref_slice %arg4[%add3A_16] : memref<64000000xf32, #tpu.memory_space<hbm>> -> memref<50000xf32, #tpu.memory_space<hbm>>
    %dma_start3A_19 = tpu.memref_slice %arg9[%dma_start3A_17] : memref<2x!tpu.dma_semaphore, #tpu.memory_space<semaphore_mem>> -> memref<1x!tpu.dma_semaphore, #tpu.memory_space<semaphore_mem>>
    %dma_start3A_20 = tpu.memref_squeeze %dma_start3A_19 : memref<1x!tpu.dma_semaphore, #tpu.memory_space<semaphore_mem>> -> memref<!tpu.dma_semaphore, #tpu.memory_space<semaphore_mem>>
    %dma_start3A_21 = tpu.memref_slice %arg4[%add3A_16] : memref<64000000xf32, #tpu.memory_space<hbm>> -> memref<50000xf32, #tpu.memory_space<hbm>>
    tpu.enqueue_dma source(%arg6 : memref<50000xf32, #tpu.memory_space<vmem>>) target(%dma_start3A_21 : memref<50000xf32, #tpu.memory_space<hbm>>) target_semaphore(%dma_start3A_20 : memref<!tpu.dma_semaphore, #tpu.memory_space<semaphore_mem>>)
    %add3A_22 = arith.constant 50000 : i32
    %add3A_23 = arith.addi %mul3A_2, %add3A_22 : i32
    %dma_start3A_24 = arith.constant 1 : i32
    %dma_start3A_25 = tpu.memref_slice %arg2[%add3A_23] : memref<64000000xf32, #tpu.memory_space<hbm>> -> memref<50000xf32, #tpu.memory_space<hbm>>
    %dma_start3A_26 = tpu.memref_slice %arg8[%dma_start3A_24] : memref<2x!tpu.dma_semaphore, #tpu.memory_space<semaphore_mem>> -> memref<1x!tpu.dma_semaphore, #tpu.memory_space<semaphore_mem>>
    %dma_start3A_27 = tpu.memref_squeeze %dma_start3A_26 : memref<1x!tpu.dma_semaphore, #tpu.memory_space<semaphore_mem>> -> memref<!tpu.dma_semaphore, #tpu.memory_space<semaphore_mem>>
    %dma_start3A_28 = tpu.memref_slice %arg2[%add3A_23] : memref<64000000xf32, #tpu.memory_space<hbm>> -> memref<50000xf32, #tpu.memory_space<hbm>>
    tpu.enqueue_dma source(%dma_start3A_28 : memref<50000xf32, #tpu.memory_space<hbm>>) target(%arg7 : memref<50000xf32, #tpu.memory_space<vmem>>) target_semaphore(%dma_start3A_27 : memref<!tpu.dma_semaphore, #tpu.memory_space<semaphore_mem>>)
    %add3A_29 = arith.constant 50000 : i32
    %add3A_30 = arith.addi %mul3A_2, %add3A_29 : i32
    %dma_wait3A_31 = arith.constant 1 : i32
    %dma_wait3A_32 = tpu.memref_slice %arg2[%add3A_30] : memref<64000000xf32, #tpu.memory_space<hbm>> -> memref<50000xf32, #tpu.memory_space<hbm>>
    %dma_wait3A_33 = tpu.memref_slice %arg8[%dma_wait3A_31] : memref<2x!tpu.dma_semaphore, #tpu.memory_space<semaphore_mem>> -> memref<1x!tpu.dma_semaphore, #tpu.memory_space<semaphore_mem>>
    %dma_wait3A_34 = tpu.memref_squeeze %dma_wait3A_33 : memref<1x!tpu.dma_semaphore, #tpu.memory_space<semaphore_mem>> -> memref<!tpu.dma_semaphore, #tpu.memory_space<semaphore_mem>>
    %dma_wait3A_35 = tpu.memref_slice %arg2[%add3A_30] : memref<64000000xf32, #tpu.memory_space<hbm>> -> memref<50000xf32, #tpu.memory_space<hbm>>
    tpu.wait_dma2 semaphore(%dma_wait3A_34 : memref<!tpu.dma_semaphore, #tpu.memory_space<semaphore_mem>>) src(%dma_wait3A_35 : memref<50000xf32, #tpu.memory_space<hbm>>) dst(%arg7 : memref<50000xf32, #tpu.memory_space<vmem>>)
    %add3A_36 = arith.constant 50000 : i32
    %add3A_37 = arith.addi %mul3A_2, %add3A_36 : i32
    %dma_start3A_38 = arith.constant 1 : i32
    %dma_start3A_39 = tpu.memref_slice %arg4[%add3A_37] : memref<64000000xf32, #tpu.memory_space<hbm>> -> memref<50000xf32, #tpu.memory_space<hbm>>
    %dma_start3A_40 = tpu.memref_slice %arg9[%dma_start3A_38] : memref<2x!tpu.dma_semaphore, #tpu.memory_space<semaphore_mem>> -> memref<1x!tpu.dma_semaphore, #tpu.memory_space<semaphore_mem>>
    %dma_start3A_41 = tpu.memref_squeeze %dma_start3A_40 : memref<1x!tpu.dma_semaphore, #tpu.memory_space<semaphore_mem>> -> memref<!tpu.dma_semaphore, #tpu.memory_space<semaphore_mem>>
    %dma_start3A_42 = tpu.memref_slice %arg4[%add3A_37] : memref<64000000xf32, #tpu.memory_space<hbm>> -> memref<50000xf32, #tpu.memory_space<hbm>>
    tpu.enqueue_dma source(%arg7 : memref<50000xf32, #tpu.memory_space<vmem>>) target(%dma_start3A_42 : memref<50000xf32, #tpu.memory_space<hbm>>) target_semaphore(%dma_start3A_41 : memref<!tpu.dma_semaphore, #tpu.memory_space<semaphore_mem>>)
    %add3A_43 = arith.constant 0 : i32
    %add3A_44 = arith.addi %mul3A_2, %add3A_43 : i32
    %dma_wait3A_45 = arith.constant 0 : i32
    %dma_wait3A_46 = tpu.memref_slice %arg4[%add3A_44] : memref<64000000xf32, #tpu.memory_space<hbm>> -> memref<50000xf32, #tpu.memory_space<hbm>>
    %dma_wait3A_47 = tpu.memref_slice %arg9[%dma_wait3A_45] : memref<2x!tpu.dma_semaphore, #tpu.memory_space<semaphore_mem>> -> memref<1x!tpu.dma_semaphore, #tpu.memory_space<semaphore_mem>>
    %dma_wait3A_48 = tpu.memref_squeeze %dma_wait3A_47 : memref<1x!tpu.dma_semaphore, #tpu.memory_space<semaphore_mem>> -> memref<!tpu.dma_semaphore, #tpu.memory_space<semaphore_mem>>
    %dma_wait3A_49 = tpu.memref_slice %arg4[%add3A_44] : memref<64000000xf32, #tpu.memory_space<hbm>> -> memref<50000xf32, #tpu.memory_space<hbm>>
    tpu.wait_dma2 semaphore(%dma_wait3A_48 : memref<!tpu.dma_semaphore, #tpu.memory_space<semaphore_mem>>) src(%arg6 : memref<50000xf32, #tpu.memory_space<vmem>>) dst(%dma_wait3A_49 : memref<50000xf32, #tpu.memory_space<hbm>>)
    %add3A_50 = arith.constant 100000 : i32
    %add3A_51 = arith.addi %mul3A_2, %add3A_50 : i32
    %dma_start3A_52 = arith.constant 0 : i32
    %dma_start3A_53 = tpu.memref_slice %arg2[%add3A_51] : memref<64000000xf32, #tpu.memory_space<hbm>> -> memref<50000xf32, #tpu.memory_space<hbm>>
    %dma_start3A_54 = tpu.memref_slice %arg8[%dma_start3A_52] : memref<2x!tpu.dma_semaphore, #tpu.memory_space<semaphore_mem>> -> memref<1x!tpu.dma_semaphore, #tpu.memory_space<semaphore_mem>>
    %dma_start3A_55 = tpu.memref_squeeze %dma_start3A_54 : memref<1x!tpu.dma_semaphore, #tpu.memory_space<semaphore_mem>> -> memref<!tpu.dma_semaphore, #tpu.memory_space<semaphore_mem>>
    %dma_start3A_56 = tpu.memref_slice %arg2[%add3A_51] : memref<64000000xf32, #tpu.memory_space<hbm>> -> memref<50000xf32, #tpu.memory_space<hbm>>
    tpu.enqueue_dma source(%dma_start3A_56 : memref<50000xf32, #tpu.memory_space<hbm>>) target(%arg6 : memref<50000xf32, #tpu.memory_space<vmem>>) target_semaphore(%dma_start3A_55 : memref<!tpu.dma_semaphore, #tpu.memory_space<semaphore_mem>>)
    %add3A_57 = arith.constant 100000 : i32
    %add3A_58 = arith.addi %mul3A_2, %add3A_57 : i32
    %dma_wait3A_59 = arith.constant 0 : i32
    %dma_wait3A_60 = tpu.memref_slice %arg2[%add3A_58] : memref<64000000xf32, #tpu.memory_space<hbm>> -> memref<50000xf32, #tpu.memory_space<hbm>>
    %dma_wait3A_61 = tpu.memref_slice %arg8[%dma_wait3A_59] : memref<2x!tpu.dma_semaphore, #tpu.memory_space<semaphore_mem>> -> memref<1x!tpu.dma_semaphore, #tpu.memory_space<semaphore_mem>>
    %dma_wait3A_62 = tpu.memref_squeeze %dma_wait3A_61 : memref<1x!tpu.dma_semaphore, #tpu.memory_space<semaphore_mem>> -> memref<!tpu.dma_semaphore, #tpu.memory_space<semaphore_mem>>
    %dma_wait3A_63 = tpu.memref_slice %arg2[%add3A_58] : memref<64000000xf32, #tpu.memory_space<hbm>> -> memref<50000xf32, #tpu.memory_space<hbm>>
    tpu.wait_dma2 semaphore(%dma_wait3A_62 : memref<!tpu.dma_semaphore, #tpu.memory_space<semaphore_mem>>) src(%dma_wait3A_63 : memref<50000xf32, #tpu.memory_space<hbm>>) dst(%arg6 : memref<50000xf32, #tpu.memory_space<vmem>>)
    %add3A_64 = arith.constant 100000 : i32
    %add3A_65 = arith.addi %mul3A_2, %add3A_64 : i32
    %dma_start3A_66 = arith.constant 0 : i32
    %dma_start3A_67 = tpu.memref_slice %arg4[%add3A_65] : memref<64000000xf32, #tpu.memory_space<hbm>> -> memref<50000xf32, #tpu.memory_space<hbm>>
    %dma_start3A_68 = tpu.memref_slice %arg9[%dma_start3A_66] : memref<2x!tpu.dma_semaphore, #tpu.memory_space<semaphore_mem>> -> memref<1x!tpu.dma_semaphore, #tpu.memory_space<semaphore_mem>>
    %dma_start3A_69 = tpu.memref_squeeze %dma_start3A_68 : memref<1x!tpu.dma_semaphore, #tpu.memory_space<semaphore_mem>> -> memref<!tpu.dma_semaphore, #tpu.memory_space<semaphore_mem>>
    %dma_start3A_70 = tpu.memref_slice %arg4[%add3A_65] : memref<64000000xf32, #tpu.memory_space<hbm>> -> memref<50000xf32, #tpu.memory_space<hbm>>
    tpu.enqueue_dma source(%arg6 : memref<50000xf32, #tpu.memory_space<vmem>>) target(%dma_start3A_70 : memref<50000xf32, #tpu.memory_space<hbm>>) target_semaphore(%dma_start3A_69 : memref<!tpu.dma_semaphore, #tpu.memory_space<semaphore_mem>>)
    %add3A_71 = arith.constant 50000 : i32
    %add3A_72 = arith.addi %mul3A_2, %add3A_71 : i32
    %dma_wait3A_73 = arith.constant 1 : i32
    %dma_wait3A_74 = tpu.memref_slice %arg4[%add3A_72] : memref<64000000xf32, #tpu.memory_space<hbm>> -> memref<50000xf32, #tpu.memory_space<hbm>>
    %dma_wait3A_75 = tpu.memref_slice %arg9[%dma_wait3A_73] : memref<2x!tpu.dma_semaphore, #tpu.memory_space<semaphore_mem>> -> memref<1x!tpu.dma_semaphore, #tpu.memory_space<semaphore_mem>>
    %dma_wait3A_76 = tpu.memref_squeeze %dma_wait3A_75 : memref<1x!tpu.dma_semaphore, #tpu.memory_space<semaphore_mem>> -> memref<!tpu.dma_semaphore, #tpu.memory_space<semaphore_mem>>
    %dma_wait3A_77 = tpu.memref_slice %arg4[%add3A_72] : memref<64000000xf32, #tpu.memory_space<hbm>> -> memref<50000xf32, #tpu.memory_space<hbm>>
    tpu.wait_dma2 semaphore(%dma_wait3A_76 : memref<!tpu.dma_semaphore, #tpu.memory_space<semaphore_mem>>) src(%arg7 : memref<50000xf32, #tpu.memory_space<vmem>>) dst(%dma_wait3A_77 : memref<50000xf32, #tpu.memory_space<hbm>>)
    %add3A_78 = arith.constant 150000 : i32
    %add3A_79 = arith.addi %mul3A_2, %add3A_78 : i32
    %dma_start3A_80 = arith.constant 1 : i32
    %dma_start3A_81 = tpu.memref_slice %arg2[%add3A_79] : memref<64000000xf32, #tpu.memory_space<hbm>> -> memref<50000xf32, #tpu.memory_space<hbm>>
    %dma_start3A_82 = tpu.memref_slice %arg8[%dma_start3A_80] : memref<2x!tpu.dma_semaphore, #tpu.memory_space<semaphore_mem>> -> memref<1x!tpu.dma_semaphore, #tpu.memory_space<semaphore_mem>>
    %dma_start3A_83 = tpu.memref_squeeze %dma_start3A_82 : memref<1x!tpu.dma_semaphore, #tpu.memory_space<semaphore_mem>> -> memref<!tpu.dma_semaphore, #tpu.memory_space<semaphore_mem>>
    %dma_start3A_84 = tpu.memref_slice %arg2[%add3A_79] : memref<64000000xf32, #tpu.memory_space<hbm>> -> memref<50000xf32, #tpu.memory_space<hbm>>
    tpu.enqueue_dma source(%dma_start3A_84 : memref<50000xf32, #tpu.memory_space<hbm>>) target(%arg7 : memref<50000xf32, #tpu.memory_space<vmem>>) target_semaphore(%dma_start3A_83 : memref<!tpu.dma_semaphore, #tpu.memory_space<semaphore_mem>>)
    %add3A_85 = arith.constant 150000 : i32
    %add3A_86 = arith.addi %mul3A_2, %add3A_85 : i32
    %dma_wait3A_87 = arith.constant 1 : i32
    %dma_wait3A_88 = tpu.memref_slice %arg2[%add3A_86] : memref<64000000xf32, #tpu.memory_space<hbm>> -> memref<50000xf32, #tpu.memory_space<hbm>>
    %dma_wait3A_89 = tpu.memref_slice %arg8[%dma_wait3A_87] : memref<2x!tpu.dma_semaphore, #tpu.memory_space<semaphore_mem>> -> memref<1x!tpu.dma_semaphore, #tpu.memory_space<semaphore_mem>>
    %dma_wait3A_90 = tpu.memref_squeeze %dma_wait3A_89 : memref<1x!tpu.dma_semaphore, #tpu.memory_space<semaphore_mem>> -> memref<!tpu.dma_semaphore, #tpu.memory_space<semaphore_mem>>
    %dma_wait3A_91 = tpu.memref_slice %arg2[%add3A_86] : memref<64000000xf32, #tpu.memory_space<hbm>> -> memref<50000xf32, #tpu.memory_space<hbm>>
    tpu.wait_dma2 semaphore(%dma_wait3A_90 : memref<!tpu.dma_semaphore, #tpu.memory_space<semaphore_mem>>) src(%dma_wait3A_91 : memref<50000xf32, #tpu.memory_space<hbm>>) dst(%arg7 : memref<50000xf32, #tpu.memory_space<vmem>>)
    %add3A_92 = arith.constant 150000 : i32
    %add3A_93 = arith.addi %mul3A_2, %add3A_92 : i32
    %dma_start3A_94 = arith.constant 1 : i32
    %dma_start3A_95 = tpu.memref_slice %arg4[%add3A_93] : memref<64000000xf32, #tpu.memory_space<hbm>> -> memref<50000xf32, #tpu.memory_space<hbm>>
    %dma_start3A_96 = tpu.memref_slice %arg9[%dma_start3A_94] : memref<2x!tpu.dma_semaphore, #tpu.memory_space<semaphore_mem>> -> memref<1x!tpu.dma_semaphore, #tpu.memory_space<semaphore_mem>>
    %dma_start3A_97 = tpu.memref_squeeze %dma_start3A_96 : memref<1x!tpu.dma_semaphore, #tpu.memory_space<semaphore_mem>> -> memref<!tpu.dma_semaphore, #tpu.memory_space<semaphore_mem>>
    %dma_start3A_98 = tpu.memref_slice %arg4[%add3A_93] : memref<64000000xf32, #tpu.memory_space<hbm>> -> memref<50000xf32, #tpu.memory_space<hbm>>
    tpu.enqueue_dma source(%arg7 : memref<50000xf32, #tpu.memory_space<vmem>>) target(%dma_start3A_98 : memref<50000xf32, #tpu.memory_space<hbm>>) target_semaphore(%dma_start3A_97 : memref<!tpu.dma_semaphore, #tpu.memory_space<semaphore_mem>>)
    %add3A_99 = arith.constant 100000 : i32
    %add3A_100 = arith.addi %mul3A_2, %add3A_99 : i32
    %dma_wait3A_101 = arith.constant 0 : i32
    %dma_wait3A_102 = tpu.memref_slice %arg4[%add3A_100] : memref<64000000xf32, #tpu.memory_space<hbm>> -> memref<50000xf32, #tpu.memory_space<hbm>>
    %dma_wait3A_103 = tpu.memref_slice %arg9[%dma_wait3A_101] : memref<2x!tpu.dma_semaphore, #tpu.memory_space<semaphore_mem>> -> memref<1x!tpu.dma_semaphore, #tpu.memory_space<semaphore_mem>>
    %dma_wait3A_104 = tpu.memref_squeeze %dma_wait3A_103 : memref<1x!tpu.dma_semaphore, #tpu.memory_space<semaphore_mem>> -> memref<!tpu.dma_semaphore, #tpu.memory_space<semaphore_mem>>
    %dma_wait3A_105 = tpu.memref_slice %arg4[%add3A_100] : memref<64000000xf32, #tpu.memory_space<hbm>> -> memref<50000xf32, #tpu.memory_space<hbm>>
    tpu.wait_dma2 semaphore(%dma_wait3A_104 : memref<!tpu.dma_semaphore, #tpu.memory_space<semaphore_mem>>) src(%arg6 : memref<50000xf32, #tpu.memory_space<vmem>>) dst(%dma_wait3A_105 : memref<50000xf32, #tpu.memory_space<hbm>>)
    %add3A_106 = arith.constant 200000 : i32
    %add3A_107 = arith.addi %mul3A_2, %add3A_106 : i32
    %dma_start3A_108 = arith.constant 0 : i32
    %dma_start3A_109 = tpu.memref_slice %arg2[%add3A_107] : memref<64000000xf32, #tpu.memory_space<hbm>> -> memref<50000xf32, #tpu.memory_space<hbm>>
    %dma_start3A_110 = tpu.memref_slice %arg8[%dma_start3A_108] : memref<2x!tpu.dma_semaphore, #tpu.memory_space<semaphore_mem>> -> memref<1x!tpu.dma_semaphore, #tpu.memory_space<semaphore_mem>>
    %dma_start3A_111 = tpu.memref_squeeze %dma_start3A_110 : memref<1x!tpu.dma_semaphore, #tpu.memory_space<semaphore_mem>> -> memref<!tpu.dma_semaphore, #tpu.memory_space<semaphore_mem>>
    %dma_start3A_112 = tpu.memref_slice %arg2[%add3A_107] : memref<64000000xf32, #tpu.memory_space<hbm>> -> memref<50000xf32, #tpu.memory_space<hbm>>
    tpu.enqueue_dma source(%dma_start3A_112 : memref<50000xf32, #tpu.memory_space<hbm>>) target(%arg6 : memref<50000xf32, #tpu.memory_space<vmem>>) target_semaphore(%dma_start3A_111 : memref<!tpu.dma_semaphore, #tpu.memory_space<semaphore_mem>>)
    %add3A_113 = arith.constant 200000 : i32
    %add3A_114 = arith.addi %mul3A_2, %add3A_113 : i32
    %dma_wait3A_115 = arith.constant 0 : i32
    %dma_wait3A_116 = tpu.memref_slice %arg2[%add3A_114] : memref<64000000xf32, #tpu.memory_space<hbm>> -> memref<50000xf32, #tpu.memory_space<hbm>>
    %dma_wait3A_117 = tpu.memref_slice %arg8[%dma_wait3A_115] : memref<2x!tpu.dma_semaphore, #tpu.memory_space<semaphore_mem>> -> memref<1x!tpu.dma_semaphore, #tpu.memory_space<semaphore_mem>>
    %dma_wait3A_118 = tpu.memref_squeeze %dma_wait3A_117 : memref<1x!tpu.dma_semaphore, #tpu.memory_space<semaphore_mem>> -> memref<!tpu.dma_semaphore, #tpu.memory_space<semaphore_mem>>
    %dma_wait3A_119 = tpu.memref_slice %arg2[%add3A_114] : memref<64000000xf32, #tpu.memory_space<hbm>> -> memref<50000xf32, #tpu.memory_space<hbm>>
    tpu.wait_dma2 semaphore(%dma_wait3A_118 : memref<!tpu.dma_semaphore, #tpu.memory_space<semaphore_mem>>) src(%dma_wait3A_119 : memref<50000xf32, #tpu.memory_space<hbm>>) dst(%arg6 : memref<50000xf32, #tpu.memory_space<vmem>>)
    %add3A_120 = arith.constant 200000 : i32
    %add3A_121 = arith.addi %mul3A_2, %add3A_120 : i32
    %dma_start3A_122 = arith.constant 0 : i32
    %dma_start3A_123 = tpu.memref_slice %arg4[%add3A_121] : memref<64000000xf32, #tpu.memory_space<hbm>> -> memref<50000xf32, #tpu.memory_space<hbm>>
    %dma_start3A_124 = tpu.memref_slice %arg9[%dma_start3A_122] : memref<2x!tpu.dma_semaphore, #tpu.memory_space<semaphore_mem>> -> memref<1x!tpu.dma_semaphore, #tpu.memory_space<semaphore_mem>>
    %dma_start3A_125 = tpu.memref_squeeze %dma_start3A_124 : memref<1x!tpu.dma_semaphore, #tpu.memory_space<semaphore_mem>> -> memref<!tpu.dma_semaphore, #tpu.memory_space<semaphore_mem>>
    %dma_start3A_126 = tpu.memref_slice %arg4[%add3A_121] : memref<64000000xf32, #tpu.memory_space<hbm>> -> memref<50000xf32, #tpu.memory_space<hbm>>
    tpu.enqueue_dma source(%arg6 : memref<50000xf32, #tpu.memory_space<vmem>>) target(%dma_start3A_126 : memref<50000xf32, #tpu.memory_space<hbm>>) target_semaphore(%dma_start3A_125 : memref<!tpu.dma_semaphore, #tpu.memory_space<semaphore_mem>>)
    %add3A_127 = arith.constant 150000 : i32
    %add3A_128 = arith.addi %mul3A_2, %add3A_127 : i32
    %dma_wait3A_129 = arith.constant 1 : i32
    %dma_wait3A_130 = tpu.memref_slice %arg4[%add3A_128] : memref<64000000xf32, #tpu.memory_space<hbm>> -> memref<50000xf32, #tpu.memory_space<hbm>>
    %dma_wait3A_131 = tpu.memref_slice %arg9[%dma_wait3A_129] : memref<2x!tpu.dma_semaphore, #tpu.memory_space<semaphore_mem>> -> memref<1x!tpu.dma_semaphore, #tpu.memory_space<semaphore_mem>>
    %dma_wait3A_132 = tpu.memref_squeeze %dma_wait3A_131 : memref<1x!tpu.dma_semaphore, #tpu.memory_space<semaphore_mem>> -> memref<!tpu.dma_semaphore, #tpu.memory_space<semaphore_mem>>
    %dma_wait3A_133 = tpu.memref_slice %arg4[%add3A_128] : memref<64000000xf32, #tpu.memory_space<hbm>> -> memref<50000xf32, #tpu.memory_space<hbm>>
    tpu.wait_dma2 semaphore(%dma_wait3A_132 : memref<!tpu.dma_semaphore, #tpu.memory_space<semaphore_mem>>) src(%arg7 : memref<50000xf32, #tpu.memory_space<vmem>>) dst(%dma_wait3A_133 : memref<50000xf32, #tpu.memory_space<hbm>>)
    %add3A_134 = arith.constant 250000 : i32
    %add3A_135 = arith.addi %mul3A_2, %add3A_134 : i32
    %dma_start3A_136 = arith.constant 1 : i32
    %dma_start3A_137 = tpu.memref_slice %arg2[%add3A_135] : memref<64000000xf32, #tpu.memory_space<hbm>> -> memref<50000xf32, #tpu.memory_space<hbm>>
    %dma_start3A_138 = tpu.memref_slice %arg8[%dma_start3A_136] : memref<2x!tpu.dma_semaphore, #tpu.memory_space<semaphore_mem>> -> memref<1x!tpu.dma_semaphore, #tpu.memory_space<semaphore_mem>>
    %dma_start3A_139 = tpu.memref_squeeze %dma_start3A_138 : memref<1x!tpu.dma_semaphore, #tpu.memory_space<semaphore_mem>> -> memref<!tpu.dma_semaphore, #tpu.memory_space<semaphore_mem>>
    %dma_start3A_140 = tpu.memref_slice %arg2[%add3A_135] : memref<64000000xf32, #tpu.memory_space<hbm>> -> memref<50000xf32, #tpu.memory_space<hbm>>
    tpu.enqueue_dma source(%dma_start3A_140 : memref<50000xf32, #tpu.memory_space<hbm>>) target(%arg7 : memref<50000xf32, #tpu.memory_space<vmem>>) target_semaphore(%dma_start3A_139 : memref<!tpu.dma_semaphore, #tpu.memory_space<semaphore_mem>>)
    %add3A_141 = arith.constant 250000 : i32
    %add3A_142 = arith.addi %mul3A_2, %add3A_141 : i32
    %dma_wait3A_143 = arith.constant 1 : i32
    %dma_wait3A_144 = tpu.memref_slice %arg2[%add3A_142] : memref<64000000xf32, #tpu.memory_space<hbm>> -> memref<50000xf32, #tpu.memory_space<hbm>>
    %dma_wait3A_145 = tpu.memref_slice %arg8[%dma_wait3A_143] : memref<2x!tpu.dma_semaphore, #tpu.memory_space<semaphore_mem>> -> memref<1x!tpu.dma_semaphore, #tpu.memory_space<semaphore_mem>>
    %dma_wait3A_146 = tpu.memref_squeeze %dma_wait3A_145 : memref<1x!tpu.dma_semaphore, #tpu.memory_space<semaphore_mem>> -> memref<!tpu.dma_semaphore, #tpu.memory_space<semaphore_mem>>
    %dma_wait3A_147 = tpu.memref_slice %arg2[%add3A_142] : memref<64000000xf32, #tpu.memory_space<hbm>> -> memref<50000xf32, #tpu.memory_space<hbm>>
    tpu.wait_dma2 semaphore(%dma_wait3A_146 : memref<!tpu.dma_semaphore, #tpu.memory_space<semaphore_mem>>) src(%dma_wait3A_147 : memref<50000xf32, #tpu.memory_space<hbm>>) dst(%arg7 : memref<50000xf32, #tpu.memory_space<vmem>>)
    %add3A_148 = arith.constant 250000 : i32
    %add3A_149 = arith.addi %mul3A_2, %add3A_148 : i32
    %dma_start3A_150 = arith.constant 1 : i32
    %dma_start3A_151 = tpu.memref_slice %arg4[%add3A_149] : memref<64000000xf32, #tpu.memory_space<hbm>> -> memref<50000xf32, #tpu.memory_space<hbm>>
    %dma_start3A_152 = tpu.memref_slice %arg9[%dma_start3A_150] : memref<2x!tpu.dma_semaphore, #tpu.memory_space<semaphore_mem>> -> memref<1x!tpu.dma_semaphore, #tpu.memory_space<semaphore_mem>>
    %dma_start3A_153 = tpu.memref_squeeze %dma_start3A_152 : memref<1x!tpu.dma_semaphore, #tpu.memory_space<semaphore_mem>> -> memref<!tpu.dma_semaphore, #tpu.memory_space<semaphore_mem>>
    %dma_start3A_154 = tpu.memref_slice %arg4[%add3A_149] : memref<64000000xf32, #tpu.memory_space<hbm>> -> memref<50000xf32, #tpu.memory_space<hbm>>
    tpu.enqueue_dma source(%arg7 : memref<50000xf32, #tpu.memory_space<vmem>>) target(%dma_start3A_154 : memref<50000xf32, #tpu.memory_space<hbm>>) target_semaphore(%dma_start3A_153 : memref<!tpu.dma_semaphore, #tpu.memory_space<semaphore_mem>>)
    %add3A_155 = arith.constant 200000 : i32
    %add3A_156 = arith.addi %mul3A_2, %add3A_155 : i32
    %dma_wait3A_157 = arith.constant 0 : i32
    %dma_wait3A_158 = tpu.memref_slice %arg4[%add3A_156] : memref<64000000xf32, #tpu.memory_space<hbm>> -> memref<50000xf32, #tpu.memory_space<hbm>>
    %dma_wait3A_159 = tpu.memref_slice %arg9[%dma_wait3A_157] : memref<2x!tpu.dma_semaphore, #tpu.memory_space<semaphore_mem>> -> memref<1x!tpu.dma_semaphore, #tpu.memory_space<semaphore_mem>>
    %dma_wait3A_160 = tpu.memref_squeeze %dma_wait3A_159 : memref<1x!tpu.dma_semaphore, #tpu.memory_space<semaphore_mem>> -> memref<!tpu.dma_semaphore, #tpu.memory_space<semaphore_mem>>
    %dma_wait3A_161 = tpu.memref_slice %arg4[%add3A_156] : memref<64000000xf32, #tpu.memory_space<hbm>> -> memref<50000xf32, #tpu.memory_space<hbm>>
    tpu.wait_dma2 semaphore(%dma_wait3A_160 : memref<!tpu.dma_semaphore, #tpu.memory_space<semaphore_mem>>) src(%arg6 : memref<50000xf32, #tpu.memory_space<vmem>>) dst(%dma_wait3A_161 : memref<50000xf32, #tpu.memory_space<hbm>>)
    %add3A_162 = arith.constant 300000 : i32
    %add3A_163 = arith.addi %mul3A_2, %add3A_162 : i32
    %dma_start3A_164 = arith.constant 0 : i32
    %dma_start3A_165 = tpu.memref_slice %arg2[%add3A_163] : memref<64000000xf32, #tpu.memory_space<hbm>> -> memref<50000xf32, #tpu.memory_space<hbm>>
    %dma_start3A_166 = tpu.memref_slice %arg8[%dma_start3A_164] : memref<2x!tpu.dma_semaphore, #tpu.memory_space<semaphore_mem>> -> memref<1x!tpu.dma_semaphore, #tpu.memory_space<semaphore_mem>>
    %dma_start3A_167 = tpu.memref_squeeze %dma_start3A_166 : memref<1x!tpu.dma_semaphore, #tpu.memory_space<semaphore_mem>> -> memref<!tpu.dma_semaphore, #tpu.memory_space<semaphore_mem>>
    %dma_start3A_168 = tpu.memref_slice %arg2[%add3A_163] : memref<64000000xf32, #tpu.memory_space<hbm>> -> memref<50000xf32, #tpu.memory_space<hbm>>
    tpu.enqueue_dma source(%dma_start3A_168 : memref<50000xf32, #tpu.memory_space<hbm>>) target(%arg6 : memref<50000xf32, #tpu.memory_space<vmem>>) target_semaphore(%dma_start3A_167 : memref<!tpu.dma_semaphore, #tpu.memory_space<semaphore_mem>>)
    %add3A_169 = arith.constant 300000 : i32
    %add3A_170 = arith.addi %mul3A_2, %add3A_169 : i32
    %dma_wait3A_171 = arith.constant 0 : i32
    %dma_wait3A_172 = tpu.memref_slice %arg2[%add3A_170] : memref<64000000xf32, #tpu.memory_space<hbm>> -> memref<50000xf32, #tpu.memory_space<hbm>>
    %dma_wait3A_173 = tpu.memref_slice %arg8[%dma_wait3A_171] : memref<2x!tpu.dma_semaphore, #tpu.memory_space<semaphore_mem>> -> memref<1x!tpu.dma_semaphore, #tpu.memory_space<semaphore_mem>>
    %dma_wait3A_174 = tpu.memref_squeeze %dma_wait3A_173 : memref<1x!tpu.dma_semaphore, #tpu.memory_space<semaphore_mem>> -> memref<!tpu.dma_semaphore, #tpu.memory_space<semaphore_mem>>
    %dma_wait3A_175 = tpu.memref_slice %arg2[%add3A_170] : memref<64000000xf32, #tpu.memory_space<hbm>> -> memref<50000xf32, #tpu.memory_space<hbm>>
    tpu.wait_dma2 semaphore(%dma_wait3A_174 : memref<!tpu.dma_semaphore, #tpu.memory_space<semaphore_mem>>) src(%dma_wait3A_175 : memref<50000xf32, #tpu.memory_space<hbm>>) dst(%arg6 : memref<50000xf32, #tpu.memory_space<vmem>>)
    %add3A_176 = arith.constant 300000 : i32
    %add3A_177 = arith.addi %mul3A_2, %add3A_176 : i32
    %dma_start3A_178 = arith.constant 0 : i32
    %dma_start3A_179 = tpu.memref_slice %arg4[%add3A_177] : memref<64000000xf32, #tpu.memory_space<hbm>> -> memref<50000xf32, #tpu.memory_space<hbm>>
    %dma_start3A_180 = tpu.memref_slice %arg9[%dma_start3A_178] : memref<2x!tpu.dma_semaphore, #tpu.memory_space<semaphore_mem>> -> memref<1x!tpu.dma_semaphore, #tpu.memory_space<semaphore_mem>>
    %dma_start3A_181 = tpu.memref_squeeze %dma_start3A_180 : memref<1x!tpu.dma_semaphore, #tpu.memory_space<semaphore_mem>> -> memref<!tpu.dma_semaphore, #tpu.memory_space<semaphore_mem>>
    %dma_start3A_182 = tpu.memref_slice %arg4[%add3A_177] : memref<64000000xf32, #tpu.memory_space<hbm>> -> memref<50000xf32, #tpu.memory_space<hbm>>
    tpu.enqueue_dma source(%arg6 : memref<50000xf32, #tpu.memory_space<vmem>>) target(%dma_start3A_182 : memref<50000xf32, #tpu.memory_space<hbm>>) target_semaphore(%dma_start3A_181 : memref<!tpu.dma_semaphore, #tpu.memory_space<semaphore_mem>>)
    %add3A_183 = arith.constant 250000 : i32
    %add3A_184 = arith.addi %mul3A_2, %add3A_183 : i32
    %dma_wait3A_185 = arith.constant 1 : i32
    %dma_wait3A_186 = tpu.memref_slice %arg4[%add3A_184] : memref<64000000xf32, #tpu.memory_space<hbm>> -> memref<50000xf32, #tpu.memory_space<hbm>>
    %dma_wait3A_187 = tpu.memref_slice %arg9[%dma_wait3A_185] : memref<2x!tpu.dma_semaphore, #tpu.memory_space<semaphore_mem>> -> memref<1x!tpu.dma_semaphore, #tpu.memory_space<semaphore_mem>>
    %dma_wait3A_188 = tpu.memref_squeeze %dma_wait3A_187 : memref<1x!tpu.dma_semaphore, #tpu.memory_space<semaphore_mem>> -> memref<!tpu.dma_semaphore, #tpu.memory_space<semaphore_mem>>
    %dma_wait3A_189 = tpu.memref_slice %arg4[%add3A_184] : memref<64000000xf32, #tpu.memory_space<hbm>> -> memref<50000xf32, #tpu.memory_space<hbm>>
    tpu.wait_dma2 semaphore(%dma_wait3A_188 : memref<!tpu.dma_semaphore, #tpu.memory_space<semaphore_mem>>) src(%arg7 : memref<50000xf32, #tpu.memory_space<vmem>>) dst(%dma_wait3A_189 : memref<50000xf32, #tpu.memory_space<hbm>>)
    %add3A_190 = arith.constant 350000 : i32
    %add3A_191 = arith.addi %mul3A_2, %add3A_190 : i32
    %dma_start3A_192 = arith.constant 1 : i32
    %dma_start3A_193 = tpu.memref_slice %arg2[%add3A_191] : memref<64000000xf32, #tpu.memory_space<hbm>> -> memref<50000xf32, #tpu.memory_space<hbm>>
    %dma_start3A_194 = tpu.memref_slice %arg8[%dma_start3A_192] : memref<2x!tpu.dma_semaphore, #tpu.memory_space<semaphore_mem>> -> memref<1x!tpu.dma_semaphore, #tpu.memory_space<semaphore_mem>>
    %dma_start3A_195 = tpu.memref_squeeze %dma_start3A_194 : memref<1x!tpu.dma_semaphore, #tpu.memory_space<semaphore_mem>> -> memref<!tpu.dma_semaphore, #tpu.memory_space<semaphore_mem>>
    %dma_start3A_196 = tpu.memref_slice %arg2[%add3A_191] : memref<64000000xf32, #tpu.memory_space<hbm>> -> memref<50000xf32, #tpu.memory_space<hbm>>
    tpu.enqueue_dma source(%dma_start3A_196 : memref<50000xf32, #tpu.memory_space<hbm>>) target(%arg7 : memref<50000xf32, #tpu.memory_space<vmem>>) target_semaphore(%dma_start3A_195 : memref<!tpu.dma_semaphore, #tpu.memory_space<semaphore_mem>>)
    %add3A_197 = arith.constant 350000 : i32
    %add3A_198 = arith.addi %mul3A_2, %add3A_197 : i32
    %dma_wait3A_199 = arith.constant 1 : i32
    %dma_wait3A_200 = tpu.memref_slice %arg2[%add3A_198] : memref<64000000xf32, #tpu.memory_space<hbm>> -> memref<50000xf32, #tpu.memory_space<hbm>>
    %dma_wait3A_201 = tpu.memref_slice %arg8[%dma_wait3A_199] : memref<2x!tpu.dma_semaphore, #tpu.memory_space<semaphore_mem>> -> memref<1x!tpu.dma_semaphore, #tpu.memory_space<semaphore_mem>>
    %dma_wait3A_202 = tpu.memref_squeeze %dma_wait3A_201 : memref<1x!tpu.dma_semaphore, #tpu.memory_space<semaphore_mem>> -> memref<!tpu.dma_semaphore, #tpu.memory_space<semaphore_mem>>
    %dma_wait3A_203 = tpu.memref_slice %arg2[%add3A_198] : memref<64000000xf32, #tpu.memory_space<hbm>> -> memref<50000xf32, #tpu.memory_space<hbm>>
    tpu.wait_dma2 semaphore(%dma_wait3A_202 : memref<!tpu.dma_semaphore, #tpu.memory_space<semaphore_mem>>) src(%dma_wait3A_203 : memref<50000xf32, #tpu.memory_space<hbm>>) dst(%arg7 : memref<50000xf32, #tpu.memory_space<vmem>>)
    %add3A_204 = arith.constant 350000 : i32
    %add3A_205 = arith.addi %mul3A_2, %add3A_204 : i32
    %dma_start3A_206 = arith.constant 1 : i32
    %dma_start3A_207 = tpu.memref_slice %arg4[%add3A_205] : memref<64000000xf32, #tpu.memory_space<hbm>> -> memref<50000xf32, #tpu.memory_space<hbm>>
    %dma_start3A_208 = tpu.memref_slice %arg9[%dma_start3A_206] : memref<2x!tpu.dma_semaphore, #tpu.memory_space<semaphore_mem>> -> memref<1x!tpu.dma_semaphore, #tpu.memory_space<semaphore_mem>>
    %dma_start3A_209 = tpu.memref_squeeze %dma_start3A_208 : memref<1x!tpu.dma_semaphore, #tpu.memory_space<semaphore_mem>> -> memref<!tpu.dma_semaphore, #tpu.memory_space<semaphore_mem>>
    %dma_start3A_210 = tpu.memref_slice %arg4[%add3A_205] : memref<64000000xf32, #tpu.memory_space<hbm>> -> memref<50000xf32, #tpu.memory_space<hbm>>
    tpu.enqueue_dma source(%arg7 : memref<50000xf32, #tpu.memory_space<vmem>>) target(%dma_start3A_210 : memref<50000xf32, #tpu.memory_space<hbm>>) target_semaphore(%dma_start3A_209 : memref<!tpu.dma_semaphore, #tpu.memory_space<semaphore_mem>>)
    %add3A_211 = arith.constant 300000 : i32
    %add3A_212 = arith.addi %mul3A_2, %add3A_211 : i32
    %dma_wait3A_213 = arith.constant 0 : i32
    %dma_wait3A_214 = tpu.memref_slice %arg4[%add3A_212] : memref<64000000xf32, #tpu.memory_space<hbm>> -> memref<50000xf32, #tpu.memory_space<hbm>>
    %dma_wait3A_215 = tpu.memref_slice %arg9[%dma_wait3A_213] : memref<2x!tpu.dma_semaphore, #tpu.memory_space<semaphore_mem>> -> memref<1x!tpu.dma_semaphore, #tpu.memory_space<semaphore_mem>>
    %dma_wait3A_216 = tpu.memref_squeeze %dma_wait3A_215 : memref<1x!tpu.dma_semaphore, #tpu.memory_space<semaphore_mem>> -> memref<!tpu.dma_semaphore, #tpu.memory_space<semaphore_mem>>
    %dma_wait3A_217 = tpu.memref_slice %arg4[%add3A_212] : memref<64000000xf32, #tpu.memory_space<hbm>> -> memref<50000xf32, #tpu.memory_space<hbm>>
    tpu.wait_dma2 semaphore(%dma_wait3A_216 : memref<!tpu.dma_semaphore, #tpu.memory_space<semaphore_mem>>) src(%arg6 : memref<50000xf32, #tpu.memory_space<vmem>>) dst(%dma_wait3A_217 : memref<50000xf32, #tpu.memory_space<hbm>>)
    %add3A_218 = arith.constant 400000 : i32
    %add3A_219 = arith.addi %mul3A_2, %add3A_218 : i32
    %dma_start3A_220 = arith.constant 0 : i32
    %dma_start3A_221 = tpu.memref_slice %arg2[%add3A_219] : memref<64000000xf32, #tpu.memory_space<hbm>> -> memref<50000xf32, #tpu.memory_space<hbm>>
    %dma_start3A_222 = tpu.memref_slice %arg8[%dma_start3A_220] : memref<2x!tpu.dma_semaphore, #tpu.memory_space<semaphore_mem>> -> memref<1x!tpu.dma_semaphore, #tpu.memory_space<semaphore_mem>>
    %dma_start3A_223 = tpu.memref_squeeze %dma_start3A_222 : memref<1x!tpu.dma_semaphore, #tpu.memory_space<semaphore_mem>> -> memref<!tpu.dma_semaphore, #tpu.memory_space<semaphore_mem>>
    %dma_start3A_224 = tpu.memref_slice %arg2[%add3A_219] : memref<64000000xf32, #tpu.memory_space<hbm>> -> memref<50000xf32, #tpu.memory_space<hbm>>
    tpu.enqueue_dma source(%dma_start3A_224 : memref<50000xf32, #tpu.memory_space<hbm>>) target(%arg6 : memref<50000xf32, #tpu.memory_space<vmem>>) target_semaphore(%dma_start3A_223 : memref<!tpu.dma_semaphore, #tpu.memory_space<semaphore_mem>>)
    %add3A_225 = arith.constant 400000 : i32
    %add3A_226 = arith.addi %mul3A_2, %add3A_225 : i32
    %dma_wait3A_227 = arith.constant 0 : i32
    %dma_wait3A_228 = tpu.memref_slice %arg2[%add3A_226] : memref<64000000xf32, #tpu.memory_space<hbm>> -> memref<50000xf32, #tpu.memory_space<hbm>>
    %dma_wait3A_229 = tpu.memref_slice %arg8[%dma_wait3A_227] : memref<2x!tpu.dma_semaphore, #tpu.memory_space<semaphore_mem>> -> memref<1x!tpu.dma_semaphore, #tpu.memory_space<semaphore_mem>>
    %dma_wait3A_230 = tpu.memref_squeeze %dma_wait3A_229 : memref<1x!tpu.dma_semaphore, #tpu.memory_space<semaphore_mem>> -> memref<!tpu.dma_semaphore, #tpu.memory_space<semaphore_mem>>
    %dma_wait3A_231 = tpu.memref_slice %arg2[%add3A_226] : memref<64000000xf32, #tpu.memory_space<hbm>> -> memref<50000xf32, #tpu.memory_space<hbm>>
    tpu.wait_dma2 semaphore(%dma_wait3A_230 : memref<!tpu.dma_semaphore, #tpu.memory_space<semaphore_mem>>) src(%dma_wait3A_231 : memref<50000xf32, #tpu.memory_space<hbm>>) dst(%arg6 : memref<50000xf32, #tpu.memory_space<vmem>>)
    %add3A_232 = arith.constant 400000 : i32
    %add3A_233 = arith.addi %mul3A_2, %add3A_232 : i32
    %dma_start3A_234 = arith.constant 0 : i32
    %dma_start3A_235 = tpu.memref_slice %arg4[%add3A_233] : memref<64000000xf32, #tpu.memory_space<hbm>> -> memref<50000xf32, #tpu.memory_space<hbm>>
    %dma_start3A_236 = tpu.memref_slice %arg9[%dma_start3A_234] : memref<2x!tpu.dma_semaphore, #tpu.memory_space<semaphore_mem>> -> memref<1x!tpu.dma_semaphore, #tpu.memory_space<semaphore_mem>>
    %dma_start3A_237 = tpu.memref_squeeze %dma_start3A_236 : memref<1x!tpu.dma_semaphore, #tpu.memory_space<semaphore_mem>> -> memref<!tpu.dma_semaphore, #tpu.memory_space<semaphore_mem>>
    %dma_start3A_238 = tpu.memref_slice %arg4[%add3A_233] : memref<64000000xf32, #tpu.memory_space<hbm>> -> memref<50000xf32, #tpu.memory_space<hbm>>
    tpu.enqueue_dma source(%arg6 : memref<50000xf32, #tpu.memory_space<vmem>>) target(%dma_start3A_238 : memref<50000xf32, #tpu.memory_space<hbm>>) target_semaphore(%dma_start3A_237 : memref<!tpu.dma_semaphore, #tpu.memory_space<semaphore_mem>>)
    %add3A_239 = arith.constant 350000 : i32
    %add3A_240 = arith.addi %mul3A_2, %add3A_239 : i32
    %dma_wait3A_241 = arith.constant 1 : i32
    %dma_wait3A_242 = tpu.memref_slice %arg4[%add3A_240] : memref<64000000xf32, #tpu.memory_space<hbm>> -> memref<50000xf32, #tpu.memory_space<hbm>>
    %dma_wait3A_243 = tpu.memref_slice %arg9[%dma_wait3A_241] : memref<2x!tpu.dma_semaphore, #tpu.memory_space<semaphore_mem>> -> memref<1x!tpu.dma_semaphore, #tpu.memory_space<semaphore_mem>>
    %dma_wait3A_244 = tpu.memref_squeeze %dma_wait3A_243 : memref<1x!tpu.dma_semaphore, #tpu.memory_space<semaphore_mem>> -> memref<!tpu.dma_semaphore, #tpu.memory_space<semaphore_mem>>
    %dma_wait3A_245 = tpu.memref_slice %arg4[%add3A_240] : memref<64000000xf32, #tpu.memory_space<hbm>> -> memref<50000xf32, #tpu.memory_space<hbm>>
    tpu.wait_dma2 semaphore(%dma_wait3A_244 : memref<!tpu.dma_semaphore, #tpu.memory_space<semaphore_mem>>) src(%arg7 : memref<50000xf32, #tpu.memory_space<vmem>>) dst(%dma_wait3A_245 : memref<50000xf32, #tpu.memory_space<hbm>>)
    %add3A_246 = arith.constant 450000 : i32
    %add3A_247 = arith.addi %mul3A_2, %add3A_246 : i32
    %dma_start3A_248 = arith.constant 1 : i32
    %dma_start3A_249 = tpu.memref_slice %arg2[%add3A_247] : memref<64000000xf32, #tpu.memory_space<hbm>> -> memref<50000xf32, #tpu.memory_space<hbm>>
    %dma_start3A_250 = tpu.memref_slice %arg8[%dma_start3A_248] : memref<2x!tpu.dma_semaphore, #tpu.memory_space<semaphore_mem>> -> memref<1x!tpu.dma_semaphore, #tpu.memory_space<semaphore_mem>>
    %dma_start3A_251 = tpu.memref_squeeze %dma_start3A_250 : memref<1x!tpu.dma_semaphore, #tpu.memory_space<semaphore_mem>> -> memref<!tpu.dma_semaphore, #tpu.memory_space<semaphore_mem>>
    %dma_start3A_252 = tpu.memref_slice %arg2[%add3A_247] : memref<64000000xf32, #tpu.memory_space<hbm>> -> memref<50000xf32, #tpu.memory_space<hbm>>
    tpu.enqueue_dma source(%dma_start3A_252 : memref<50000xf32, #tpu.memory_space<hbm>>) target(%arg7 : memref<50000xf32, #tpu.memory_space<vmem>>) target_semaphore(%dma_start3A_251 : memref<!tpu.dma_semaphore, #tpu.memory_space<semaphore_mem>>)
    %add3A_253 = arith.constant 450000 : i32
    %add3A_254 = arith.addi %mul3A_2, %add3A_253 : i32
    %dma_wait3A_255 = arith.constant 1 : i32
    %dma_wait3A_256 = tpu.memref_slice %arg2[%add3A_254] : memref<64000000xf32, #tpu.memory_space<hbm>> -> memref<50000xf32, #tpu.memory_space<hbm>>
    %dma_wait3A_257 = tpu.memref_slice %arg8[%dma_wait3A_255] : memref<2x!tpu.dma_semaphore, #tpu.memory_space<semaphore_mem>> -> memref<1x!tpu.dma_semaphore, #tpu.memory_space<semaphore_mem>>
    %dma_wait3A_258 = tpu.memref_squeeze %dma_wait3A_257 : memref<1x!tpu.dma_semaphore, #tpu.memory_space<semaphore_mem>> -> memref<!tpu.dma_semaphore, #tpu.memory_space<semaphore_mem>>
    %dma_wait3A_259 = tpu.memref_slice %arg2[%add3A_254] : memref<64000000xf32, #tpu.memory_space<hbm>> -> memref<50000xf32, #tpu.memory_space<hbm>>
    tpu.wait_dma2 semaphore(%dma_wait3A_258 : memref<!tpu.dma_semaphore, #tpu.memory_space<semaphore_mem>>) src(%dma_wait3A_259 : memref<50000xf32, #tpu.memory_space<hbm>>) dst(%arg7 : memref<50000xf32, #tpu.memory_space<vmem>>)
    %add3A_260 = arith.constant 450000 : i32
    %add3A_261 = arith.addi %mul3A_2, %add3A_260 : i32
    %dma_start3A_262 = arith.constant 1 : i32
    %dma_start3A_263 = tpu.memref_slice %arg4[%add3A_261] : memref<64000000xf32, #tpu.memory_space<hbm>> -> memref<50000xf32, #tpu.memory_space<hbm>>
    %dma_start3A_264 = tpu.memref_slice %arg9[%dma_start3A_262] : memref<2x!tpu.dma_semaphore, #tpu.memory_space<semaphore_mem>> -> memref<1x!tpu.dma_semaphore, #tpu.memory_space<semaphore_mem>>
    %dma_start3A_265 = tpu.memref_squeeze %dma_start3A_264 : memref<1x!tpu.dma_semaphore, #tpu.memory_space<semaphore_mem>> -> memref<!tpu.dma_semaphore, #tpu.memory_space<semaphore_mem>>
    %dma_start3A_266 = tpu.memref_slice %arg4[%add3A_261] : memref<64000000xf32, #tpu.memory_space<hbm>> -> memref<50000xf32, #tpu.memory_space<hbm>>
    tpu.enqueue_dma source(%arg7 : memref<50000xf32, #tpu.memory_space<vmem>>) target(%dma_start3A_266 : memref<50000xf32, #tpu.memory_space<hbm>>) target_semaphore(%dma_start3A_265 : memref<!tpu.dma_semaphore, #tpu.memory_space<semaphore_mem>>)
    %add3A_267 = arith.constant 400000 : i32
    %add3A_268 = arith.addi %mul3A_2, %add3A_267 : i32
    %dma_wait3A_269 = arith.constant 0 : i32
    %dma_wait3A_270 = tpu.memref_slice %arg4[%add3A_268] : memref<64000000xf32, #tpu.memory_space<hbm>> -> memref<50000xf32, #tpu.memory_space<hbm>>
    %dma_wait3A_271 = tpu.memref_slice %arg9[%dma_wait3A_269] : memref<2x!tpu.dma_semaphore, #tpu.memory_space<semaphore_mem>> -> memref<1x!tpu.dma_semaphore, #tpu.memory_space<semaphore_mem>>
    %dma_wait3A_272 = tpu.memref_squeeze %dma_wait3A_271 : memref<1x!tpu.dma_semaphore, #tpu.memory_space<semaphore_mem>> -> memref<!tpu.dma_semaphore, #tpu.memory_space<semaphore_mem>>
    %dma_wait3A_273 = tpu.memref_slice %arg4[%add3A_268] : memref<64000000xf32, #tpu.memory_space<hbm>> -> memref<50000xf32, #tpu.memory_space<hbm>>
    tpu.wait_dma2 semaphore(%dma_wait3A_272 : memref<!tpu.dma_semaphore, #tpu.memory_space<semaphore_mem>>) src(%arg6 : memref<50000xf32, #tpu.memory_space<vmem>>) dst(%dma_wait3A_273 : memref<50000xf32, #tpu.memory_space<hbm>>)
    %add3A_274 = arith.constant 500000 : i32
    %add3A_275 = arith.addi %mul3A_2, %add3A_274 : i32
    %dma_start3A_276 = arith.constant 0 : i32
    %dma_start3A_277 = tpu.memref_slice %arg2[%add3A_275] : memref<64000000xf32, #tpu.memory_space<hbm>> -> memref<50000xf32, #tpu.memory_space<hbm>>
    %dma_start3A_278 = tpu.memref_slice %arg8[%dma_start3A_276] : memref<2x!tpu.dma_semaphore, #tpu.memory_space<semaphore_mem>> -> memref<1x!tpu.dma_semaphore, #tpu.memory_space<semaphore_mem>>
    %dma_start3A_279 = tpu.memref_squeeze %dma_start3A_278 : memref<1x!tpu.dma_semaphore, #tpu.memory_space<semaphore_mem>> -> memref<!tpu.dma_semaphore, #tpu.memory_space<semaphore_mem>>
    %dma_start3A_280 = tpu.memref_slice %arg2[%add3A_275] : memref<64000000xf32, #tpu.memory_space<hbm>> -> memref<50000xf32, #tpu.memory_space<hbm>>
    tpu.enqueue_dma source(%dma_start3A_280 : memref<50000xf32, #tpu.memory_space<hbm>>) target(%arg6 : memref<50000xf32, #tpu.memory_space<vmem>>) target_semaphore(%dma_start3A_279 : memref<!tpu.dma_semaphore, #tpu.memory_space<semaphore_mem>>)
    %add3A_281 = arith.constant 500000 : i32
    %add3A_282 = arith.addi %mul3A_2, %add3A_281 : i32
    %dma_wait3A_283 = arith.constant 0 : i32
    %dma_wait3A_284 = tpu.memref_slice %arg2[%add3A_282] : memref<64000000xf32, #tpu.memory_space<hbm>> -> memref<50000xf32, #tpu.memory_space<hbm>>
    %dma_wait3A_285 = tpu.memref_slice %arg8[%dma_wait3A_283] : memref<2x!tpu.dma_semaphore, #tpu.memory_space<semaphore_mem>> -> memref<1x!tpu.dma_semaphore, #tpu.memory_space<semaphore_mem>>
    %dma_wait3A_286 = tpu.memref_squeeze %dma_wait3A_285 : memref<1x!tpu.dma_semaphore, #tpu.memory_space<semaphore_mem>> -> memref<!tpu.dma_semaphore, #tpu.memory_space<semaphore_mem>>
    %dma_wait3A_287 = tpu.memref_slice %arg2[%add3A_282] : memref<64000000xf32, #tpu.memory_space<hbm>> -> memref<50000xf32, #tpu.memory_space<hbm>>
    tpu.wait_dma2 semaphore(%dma_wait3A_286 : memref<!tpu.dma_semaphore, #tpu.memory_space<semaphore_mem>>) src(%dma_wait3A_287 : memref<50000xf32, #tpu.memory_space<hbm>>) dst(%arg6 : memref<50000xf32, #tpu.memory_space<vmem>>)
    %add3A_288 = arith.constant 500000 : i32
    %add3A_289 = arith.addi %mul3A_2, %add3A_288 : i32
    %dma_start3A_290 = arith.constant 0 : i32
    %dma_start3A_291 = tpu.memref_slice %arg4[%add3A_289] : memref<64000000xf32, #tpu.memory_space<hbm>> -> memref<50000xf32, #tpu.memory_space<hbm>>
    %dma_start3A_292 = tpu.memref_slice %arg9[%dma_start3A_290] : memref<2x!tpu.dma_semaphore, #tpu.memory_space<semaphore_mem>> -> memref<1x!tpu.dma_semaphore, #tpu.memory_space<semaphore_mem>>
    %dma_start3A_293 = tpu.memref_squeeze %dma_start3A_292 : memref<1x!tpu.dma_semaphore, #tpu.memory_space<semaphore_mem>> -> memref<!tpu.dma_semaphore, #tpu.memory_space<semaphore_mem>>
    %dma_start3A_294 = tpu.memref_slice %arg4[%add3A_289] : memref<64000000xf32, #tpu.memory_space<hbm>> -> memref<50000xf32, #tpu.memory_space<hbm>>
    tpu.enqueue_dma source(%arg6 : memref<50000xf32, #tpu.memory_space<vmem>>) target(%dma_start3A_294 : memref<50000xf32, #tpu.memory_space<hbm>>) target_semaphore(%dma_start3A_293 : memref<!tpu.dma_semaphore, #tpu.memory_space<semaphore_mem>>)
    %add3A_295 = arith.constant 450000 : i32
    %add3A_296 = arith.addi %mul3A_2, %add3A_295 : i32
    %dma_wait3A_297 = arith.constant 1 : i32
    %dma_wait3A_298 = tpu.memref_slice %arg4[%add3A_296] : memref<64000000xf32, #tpu.memory_space<hbm>> -> memref<50000xf32, #tpu.memory_space<hbm>>
    %dma_wait3A_299 = tpu.memref_slice %arg9[%dma_wait3A_297] : memref<2x!tpu.dma_semaphore, #tpu.memory_space<semaphore_mem>> -> memref<1x!tpu.dma_semaphore, #tpu.memory_space<semaphore_mem>>
    %dma_wait3A_300 = tpu.memref_squeeze %dma_wait3A_299 : memref<1x!tpu.dma_semaphore, #tpu.memory_space<semaphore_mem>> -> memref<!tpu.dma_semaphore, #tpu.memory_space<semaphore_mem>>
    %dma_wait3A_301 = tpu.memref_slice %arg4[%add3A_296] : memref<64000000xf32, #tpu.memory_space<hbm>> -> memref<50000xf32, #tpu.memory_space<hbm>>
    tpu.wait_dma2 semaphore(%dma_wait3A_300 : memref<!tpu.dma_semaphore, #tpu.memory_space<semaphore_mem>>) src(%arg7 : memref<50000xf32, #tpu.memory_space<vmem>>) dst(%dma_wait3A_301 : memref<50000xf32, #tpu.memory_space<hbm>>)
    %add3A_302 = arith.constant 550000 : i32
    %add3A_303 = arith.addi %mul3A_2, %add3A_302 : i32
    %dma_start3A_304 = arith.constant 1 : i32
    %dma_start3A_305 = tpu.memref_slice %arg2[%add3A_303] : memref<64000000xf32, #tpu.memory_space<hbm>> -> memref<50000xf32, #tpu.memory_space<hbm>>
    %dma_start3A_306 = tpu.memref_slice %arg8[%dma_start3A_304] : memref<2x!tpu.dma_semaphore, #tpu.memory_space<semaphore_mem>> -> memref<1x!tpu.dma_semaphore, #tpu.memory_space<semaphore_mem>>
    %dma_start3A_307 = tpu.memref_squeeze %dma_start3A_306 : memref<1x!tpu.dma_semaphore, #tpu.memory_space<semaphore_mem>> -> memref<!tpu.dma_semaphore, #tpu.memory_space<semaphore_mem>>
    %dma_start3A_308 = tpu.memref_slice %arg2[%add3A_303] : memref<64000000xf32, #tpu.memory_space<hbm>> -> memref<50000xf32, #tpu.memory_space<hbm>>
    tpu.enqueue_dma source(%dma_start3A_308 : memref<50000xf32, #tpu.memory_space<hbm>>) target(%arg7 : memref<50000xf32, #tpu.memory_space<vmem>>) target_semaphore(%dma_start3A_307 : memref<!tpu.dma_semaphore, #tpu.memory_space<semaphore_mem>>)
    %add3A_309 = arith.constant 550000 : i32
    %add3A_310 = arith.addi %mul3A_2, %add3A_309 : i32
    %dma_wait3A_311 = arith.constant 1 : i32
    %dma_wait3A_312 = tpu.memref_slice %arg2[%add3A_310] : memref<64000000xf32, #tpu.memory_space<hbm>> -> memref<50000xf32, #tpu.memory_space<hbm>>
    %dma_wait3A_313 = tpu.memref_slice %arg8[%dma_wait3A_311] : memref<2x!tpu.dma_semaphore, #tpu.memory_space<semaphore_mem>> -> memref<1x!tpu.dma_semaphore, #tpu.memory_space<semaphore_mem>>
    %dma_wait3A_314 = tpu.memref_squeeze %dma_wait3A_313 : memref<1x!tpu.dma_semaphore, #tpu.memory_space<semaphore_mem>> -> memref<!tpu.dma_semaphore, #tpu.memory_space<semaphore_mem>>
    %dma_wait3A_315 = tpu.memref_slice %arg2[%add3A_310] : memref<64000000xf32, #tpu.memory_space<hbm>> -> memref<50000xf32, #tpu.memory_space<hbm>>
    tpu.wait_dma2 semaphore(%dma_wait3A_314 : memref<!tpu.dma_semaphore, #tpu.memory_space<semaphore_mem>>) src(%dma_wait3A_315 : memref<50000xf32, #tpu.memory_space<hbm>>) dst(%arg7 : memref<50000xf32, #tpu.memory_space<vmem>>)
    %add3A_316 = arith.constant 550000 : i32
    %add3A_317 = arith.addi %mul3A_2, %add3A_316 : i32
    %dma_start3A_318 = arith.constant 1 : i32
    %dma_start3A_319 = tpu.memref_slice %arg4[%add3A_317] : memref<64000000xf32, #tpu.memory_space<hbm>> -> memref<50000xf32, #tpu.memory_space<hbm>>
    %dma_start3A_320 = tpu.memref_slice %arg9[%dma_start3A_318] : memref<2x!tpu.dma_semaphore, #tpu.memory_space<semaphore_mem>> -> memref<1x!tpu.dma_semaphore, #tpu.memory_space<semaphore_mem>>
    %dma_start3A_321 = tpu.memref_squeeze %dma_start3A_320 : memref<1x!tpu.dma_semaphore, #tpu.memory_space<semaphore_mem>> -> memref<!tpu.dma_semaphore, #tpu.memory_space<semaphore_mem>>
    %dma_start3A_322 = tpu.memref_slice %arg4[%add3A_317] : memref<64000000xf32, #tpu.memory_space<hbm>> -> memref<50000xf32, #tpu.memory_space<hbm>>
    tpu.enqueue_dma source(%arg7 : memref<50000xf32, #tpu.memory_space<vmem>>) target(%dma_start3A_322 : memref<50000xf32, #tpu.memory_space<hbm>>) target_semaphore(%dma_start3A_321 : memref<!tpu.dma_semaphore, #tpu.memory_space<semaphore_mem>>)
    %add3A_323 = arith.constant 500000 : i32
    %add3A_324 = arith.addi %mul3A_2, %add3A_323 : i32
    %dma_wait3A_325 = arith.constant 0 : i32
    %dma_wait3A_326 = tpu.memref_slice %arg4[%add3A_324] : memref<64000000xf32, #tpu.memory_space<hbm>> -> memref<50000xf32, #tpu.memory_space<hbm>>
    %dma_wait3A_327 = tpu.memref_slice %arg9[%dma_wait3A_325] : memref<2x!tpu.dma_semaphore, #tpu.memory_space<semaphore_mem>> -> memref<1x!tpu.dma_semaphore, #tpu.memory_space<semaphore_mem>>
    %dma_wait3A_328 = tpu.memref_squeeze %dma_wait3A_327 : memref<1x!tpu.dma_semaphore, #tpu.memory_space<semaphore_mem>> -> memref<!tpu.dma_semaphore, #tpu.memory_space<semaphore_mem>>
    %dma_wait3A_329 = tpu.memref_slice %arg4[%add3A_324] : memref<64000000xf32, #tpu.memory_space<hbm>> -> memref<50000xf32, #tpu.memory_space<hbm>>
    tpu.wait_dma2 semaphore(%dma_wait3A_328 : memref<!tpu.dma_semaphore, #tpu.memory_space<semaphore_mem>>) src(%arg6 : memref<50000xf32, #tpu.memory_space<vmem>>) dst(%dma_wait3A_329 : memref<50000xf32, #tpu.memory_space<hbm>>)
    %add3A_330 = arith.constant 600000 : i32
    %add3A_331 = arith.addi %mul3A_2, %add3A_330 : i32
    %dma_start3A_332 = arith.constant 0 : i32
    %dma_start3A_333 = tpu.memref_slice %arg2[%add3A_331] : memref<64000000xf32, #tpu.memory_space<hbm>> -> memref<50000xf32, #tpu.memory_space<hbm>>
    %dma_start3A_334 = tpu.memref_slice %arg8[%dma_start3A_332] : memref<2x!tpu.dma_semaphore, #tpu.memory_space<semaphore_mem>> -> memref<1x!tpu.dma_semaphore, #tpu.memory_space<semaphore_mem>>
    %dma_start3A_335 = tpu.memref_squeeze %dma_start3A_334 : memref<1x!tpu.dma_semaphore, #tpu.memory_space<semaphore_mem>> -> memref<!tpu.dma_semaphore, #tpu.memory_space<semaphore_mem>>
    %dma_start3A_336 = tpu.memref_slice %arg2[%add3A_331] : memref<64000000xf32, #tpu.memory_space<hbm>> -> memref<50000xf32, #tpu.memory_space<hbm>>
    tpu.enqueue_dma source(%dma_start3A_336 : memref<50000xf32, #tpu.memory_space<hbm>>) target(%arg6 : memref<50000xf32, #tpu.memory_space<vmem>>) target_semaphore(%dma_start3A_335 : memref<!tpu.dma_semaphore, #tpu.memory_space<semaphore_mem>>)
    %add3A_337 = arith.constant 600000 : i32
    %add3A_338 = arith.addi %mul3A_2, %add3A_337 : i32
    %dma_wait3A_339 = arith.constant 0 : i32
    %dma_wait3A_340 = tpu.memref_slice %arg2[%add3A_338] : memref<64000000xf32, #tpu.memory_space<hbm>> -> memref<50000xf32, #tpu.memory_space<hbm>>
    %dma_wait3A_341 = tpu.memref_slice %arg8[%dma_wait3A_339] : memref<2x!tpu.dma_semaphore, #tpu.memory_space<semaphore_mem>> -> memref<1x!tpu.dma_semaphore, #tpu.memory_space<semaphore_mem>>
    %dma_wait3A_342 = tpu.memref_squeeze %dma_wait3A_341 : memref<1x!tpu.dma_semaphore, #tpu.memory_space<semaphore_mem>> -> memref<!tpu.dma_semaphore, #tpu.memory_space<semaphore_mem>>
    %dma_wait3A_343 = tpu.memref_slice %arg2[%add3A_338] : memref<64000000xf32, #tpu.memory_space<hbm>> -> memref<50000xf32, #tpu.memory_space<hbm>>
    tpu.wait_dma2 semaphore(%dma_wait3A_342 : memref<!tpu.dma_semaphore, #tpu.memory_space<semaphore_mem>>) src(%dma_wait3A_343 : memref<50000xf32, #tpu.memory_space<hbm>>) dst(%arg6 : memref<50000xf32, #tpu.memory_space<vmem>>)
    %add3A_344 = arith.constant 600000 : i32
    %add3A_345 = arith.addi %mul3A_2, %add3A_344 : i32
    %dma_start3A_346 = arith.constant 0 : i32
    %dma_start3A_347 = tpu.memref_slice %arg4[%add3A_345] : memref<64000000xf32, #tpu.memory_space<hbm>> -> memref<50000xf32, #tpu.memory_space<hbm>>
    %dma_start3A_348 = tpu.memref_slice %arg9[%dma_start3A_346] : memref<2x!tpu.dma_semaphore, #tpu.memory_space<semaphore_mem>> -> memref<1x!tpu.dma_semaphore, #tpu.memory_space<semaphore_mem>>
    %dma_start3A_349 = tpu.memref_squeeze %dma_start3A_348 : memref<1x!tpu.dma_semaphore, #tpu.memory_space<semaphore_mem>> -> memref<!tpu.dma_semaphore, #tpu.memory_space<semaphore_mem>>
    %dma_start3A_350 = tpu.memref_slice %arg4[%add3A_345] : memref<64000000xf32, #tpu.memory_space<hbm>> -> memref<50000xf32, #tpu.memory_space<hbm>>
    tpu.enqueue_dma source(%arg6 : memref<50000xf32, #tpu.memory_space<vmem>>) target(%dma_start3A_350 : memref<50000xf32, #tpu.memory_space<hbm>>) target_semaphore(%dma_start3A_349 : memref<!tpu.dma_semaphore, #tpu.memory_space<semaphore_mem>>)
    %add3A_351 = arith.constant 550000 : i32
    %add3A_352 = arith.addi %mul3A_2, %add3A_351 : i32
    %dma_wait3A_353 = arith.constant 1 : i32
    %dma_wait3A_354 = tpu.memref_slice %arg4[%add3A_352] : memref<64000000xf32, #tpu.memory_space<hbm>> -> memref<50000xf32, #tpu.memory_space<hbm>>
    %dma_wait3A_355 = tpu.memref_slice %arg9[%dma_wait3A_353] : memref<2x!tpu.dma_semaphore, #tpu.memory_space<semaphore_mem>> -> memref<1x!tpu.dma_semaphore, #tpu.memory_space<semaphore_mem>>
    %dma_wait3A_356 = tpu.memref_squeeze %dma_wait3A_355 : memref<1x!tpu.dma_semaphore, #tpu.memory_space<semaphore_mem>> -> memref<!tpu.dma_semaphore, #tpu.memory_space<semaphore_mem>>
    %dma_wait3A_357 = tpu.memref_slice %arg4[%add3A_352] : memref<64000000xf32, #tpu.memory_space<hbm>> -> memref<50000xf32, #tpu.memory_space<hbm>>
    tpu.wait_dma2 semaphore(%dma_wait3A_356 : memref<!tpu.dma_semaphore, #tpu.memory_space<semaphore_mem>>) src(%arg7 : memref<50000xf32, #tpu.memory_space<vmem>>) dst(%dma_wait3A_357 : memref<50000xf32, #tpu.memory_space<hbm>>)
    %add3A_358 = arith.constant 650000 : i32
    %add3A_359 = arith.addi %mul3A_2, %add3A_358 : i32
    %dma_start3A_360 = arith.constant 1 : i32
    %dma_start3A_361 = tpu.memref_slice %arg2[%add3A_359] : memref<64000000xf32, #tpu.memory_space<hbm>> -> memref<50000xf32, #tpu.memory_space<hbm>>
    %dma_start3A_362 = tpu.memref_slice %arg8[%dma_start3A_360] : memref<2x!tpu.dma_semaphore, #tpu.memory_space<semaphore_mem>> -> memref<1x!tpu.dma_semaphore, #tpu.memory_space<semaphore_mem>>
    %dma_start3A_363 = tpu.memref_squeeze %dma_start3A_362 : memref<1x!tpu.dma_semaphore, #tpu.memory_space<semaphore_mem>> -> memref<!tpu.dma_semaphore, #tpu.memory_space<semaphore_mem>>
    %dma_start3A_364 = tpu.memref_slice %arg2[%add3A_359] : memref<64000000xf32, #tpu.memory_space<hbm>> -> memref<50000xf32, #tpu.memory_space<hbm>>
    tpu.enqueue_dma source(%dma_start3A_364 : memref<50000xf32, #tpu.memory_space<hbm>>) target(%arg7 : memref<50000xf32, #tpu.memory_space<vmem>>) target_semaphore(%dma_start3A_363 : memref<!tpu.dma_semaphore, #tpu.memory_space<semaphore_mem>>)
    %add3A_365 = arith.constant 650000 : i32
    %add3A_366 = arith.addi %mul3A_2, %add3A_365 : i32
    %dma_wait3A_367 = arith.constant 1 : i32
    %dma_wait3A_368 = tpu.memref_slice %arg2[%add3A_366] : memref<64000000xf32, #tpu.memory_space<hbm>> -> memref<50000xf32, #tpu.memory_space<hbm>>
    %dma_wait3A_369 = tpu.memref_slice %arg8[%dma_wait3A_367] : memref<2x!tpu.dma_semaphore, #tpu.memory_space<semaphore_mem>> -> memref<1x!tpu.dma_semaphore, #tpu.memory_space<semaphore_mem>>
    %dma_wait3A_370 = tpu.memref_squeeze %dma_wait3A_369 : memref<1x!tpu.dma_semaphore, #tpu.memory_space<semaphore_mem>> -> memref<!tpu.dma_semaphore, #tpu.memory_space<semaphore_mem>>
    %dma_wait3A_371 = tpu.memref_slice %arg2[%add3A_366] : memref<64000000xf32, #tpu.memory_space<hbm>> -> memref<50000xf32, #tpu.memory_space<hbm>>
    tpu.wait_dma2 semaphore(%dma_wait3A_370 : memref<!tpu.dma_semaphore, #tpu.memory_space<semaphore_mem>>) src(%dma_wait3A_371 : memref<50000xf32, #tpu.memory_space<hbm>>) dst(%arg7 : memref<50000xf32, #tpu.memory_space<vmem>>)
    %add3A_372 = arith.constant 650000 : i32
    %add3A_373 = arith.addi %mul3A_2, %add3A_372 : i32
    %dma_start3A_374 = arith.constant 1 : i32
    %dma_start3A_375 = tpu.memref_slice %arg4[%add3A_373] : memref<64000000xf32, #tpu.memory_space<hbm>> -> memref<50000xf32, #tpu.memory_space<hbm>>
    %dma_start3A_376 = tpu.memref_slice %arg9[%dma_start3A_374] : memref<2x!tpu.dma_semaphore, #tpu.memory_space<semaphore_mem>> -> memref<1x!tpu.dma_semaphore, #tpu.memory_space<semaphore_mem>>
    %dma_start3A_377 = tpu.memref_squeeze %dma_start3A_376 : memref<1x!tpu.dma_semaphore, #tpu.memory_space<semaphore_mem>> -> memref<!tpu.dma_semaphore, #tpu.memory_space<semaphore_mem>>
    %dma_start3A_378 = tpu.memref_slice %arg4[%add3A_373] : memref<64000000xf32, #tpu.memory_space<hbm>> -> memref<50000xf32, #tpu.memory_space<hbm>>
    tpu.enqueue_dma source(%arg7 : memref<50000xf32, #tpu.memory_space<vmem>>) target(%dma_start3A_378 : memref<50000xf32, #tpu.memory_space<hbm>>) target_semaphore(%dma_start3A_377 : memref<!tpu.dma_semaphore, #tpu.memory_space<semaphore_mem>>)
    %add3A_379 = arith.constant 600000 : i32
    %add3A_380 = arith.addi %mul3A_2, %add3A_379 : i32
    %dma_wait3A_381 = arith.constant 0 : i32
    %dma_wait3A_382 = tpu.memref_slice %arg4[%add3A_380] : memref<64000000xf32, #tpu.memory_space<hbm>> -> memref<50000xf32, #tpu.memory_space<hbm>>
    %dma_wait3A_383 = tpu.memref_slice %arg9[%dma_wait3A_381] : memref<2x!tpu.dma_semaphore, #tpu.memory_space<semaphore_mem>> -> memref<1x!tpu.dma_semaphore, #tpu.memory_space<semaphore_mem>>
    %dma_wait3A_384 = tpu.memref_squeeze %dma_wait3A_383 : memref<1x!tpu.dma_semaphore, #tpu.memory_space<semaphore_mem>> -> memref<!tpu.dma_semaphore, #tpu.memory_space<semaphore_mem>>
    %dma_wait3A_385 = tpu.memref_slice %arg4[%add3A_380] : memref<64000000xf32, #tpu.memory_space<hbm>> -> memref<50000xf32, #tpu.memory_space<hbm>>
    tpu.wait_dma2 semaphore(%dma_wait3A_384 : memref<!tpu.dma_semaphore, #tpu.memory_space<semaphore_mem>>) src(%arg6 : memref<50000xf32, #tpu.memory_space<vmem>>) dst(%dma_wait3A_385 : memref<50000xf32, #tpu.memory_space<hbm>>)
    %add3A_386 = arith.constant 700000 : i32
    %add3A_387 = arith.addi %mul3A_2, %add3A_386 : i32
    %dma_start3A_388 = arith.constant 0 : i32
    %dma_start3A_389 = tpu.memref_slice %arg2[%add3A_387] : memref<64000000xf32, #tpu.memory_space<hbm>> -> memref<50000xf32, #tpu.memory_space<hbm>>
    %dma_start3A_390 = tpu.memref_slice %arg8[%dma_start3A_388] : memref<2x!tpu.dma_semaphore, #tpu.memory_space<semaphore_mem>> -> memref<1x!tpu.dma_semaphore, #tpu.memory_space<semaphore_mem>>
    %dma_start3A_391 = tpu.memref_squeeze %dma_start3A_390 : memref<1x!tpu.dma_semaphore, #tpu.memory_space<semaphore_mem>> -> memref<!tpu.dma_semaphore, #tpu.memory_space<semaphore_mem>>
    %dma_start3A_392 = tpu.memref_slice %arg2[%add3A_387] : memref<64000000xf32, #tpu.memory_space<hbm>> -> memref<50000xf32, #tpu.memory_space<hbm>>
    tpu.enqueue_dma source(%dma_start3A_392 : memref<50000xf32, #tpu.memory_space<hbm>>) target(%arg6 : memref<50000xf32, #tpu.memory_space<vmem>>) target_semaphore(%dma_start3A_391 : memref<!tpu.dma_semaphore, #tpu.memory_space<semaphore_mem>>)
    %add3A_393 = arith.constant 700000 : i32
    %add3A_394 = arith.addi %mul3A_2, %add3A_393 : i32
    %dma_wait3A_395 = arith.constant 0 : i32
    %dma_wait3A_396 = tpu.memref_slice %arg2[%add3A_394] : memref<64000000xf32, #tpu.memory_space<hbm>> -> memref<50000xf32, #tpu.memory_space<hbm>>
    %dma_wait3A_397 = tpu.memref_slice %arg8[%dma_wait3A_395] : memref<2x!tpu.dma_semaphore, #tpu.memory_space<semaphore_mem>> -> memref<1x!tpu.dma_semaphore, #tpu.memory_space<semaphore_mem>>
    %dma_wait3A_398 = tpu.memref_squeeze %dma_wait3A_397 : memref<1x!tpu.dma_semaphore, #tpu.memory_space<semaphore_mem>> -> memref<!tpu.dma_semaphore, #tpu.memory_space<semaphore_mem>>
    %dma_wait3A_399 = tpu.memref_slice %arg2[%add3A_394] : memref<64000000xf32, #tpu.memory_space<hbm>> -> memref<50000xf32, #tpu.memory_space<hbm>>
    tpu.wait_dma2 semaphore(%dma_wait3A_398 : memref<!tpu.dma_semaphore, #tpu.memory_space<semaphore_mem>>) src(%dma_wait3A_399 : memref<50000xf32, #tpu.memory_space<hbm>>) dst(%arg6 : memref<50000xf32, #tpu.memory_space<vmem>>)
    %add3A_400 = arith.constant 700000 : i32
    %add3A_401 = arith.addi %mul3A_2, %add3A_400 : i32
    %dma_start3A_402 = arith.constant 0 : i32
    %dma_start3A_403 = tpu.memref_slice %arg4[%add3A_401] : memref<64000000xf32, #tpu.memory_space<hbm>> -> memref<50000xf32, #tpu.memory_space<hbm>>
    %dma_start3A_404 = tpu.memref_slice %arg9[%dma_start3A_402] : memref<2x!tpu.dma_semaphore, #tpu.memory_space<semaphore_mem>> -> memref<1x!tpu.dma_semaphore, #tpu.memory_space<semaphore_mem>>
    %dma_start3A_405 = tpu.memref_squeeze %dma_start3A_404 : memref<1x!tpu.dma_semaphore, #tpu.memory_space<semaphore_mem>> -> memref<!tpu.dma_semaphore, #tpu.memory_space<semaphore_mem>>
    %dma_start3A_406 = tpu.memref_slice %arg4[%add3A_401] : memref<64000000xf32, #tpu.memory_space<hbm>> -> memref<50000xf32, #tpu.memory_space<hbm>>
    tpu.enqueue_dma source(%arg6 : memref<50000xf32, #tpu.memory_space<vmem>>) target(%dma_start3A_406 : memref<50000xf32, #tpu.memory_space<hbm>>) target_semaphore(%dma_start3A_405 : memref<!tpu.dma_semaphore, #tpu.memory_space<semaphore_mem>>)
    %add3A_407 = arith.constant 650000 : i32
    %add3A_408 = arith.addi %mul3A_2, %add3A_407 : i32
    %dma_wait3A_409 = arith.constant 1 : i32
    %dma_wait3A_410 = tpu.memref_slice %arg4[%add3A_408] : memref<64000000xf32, #tpu.memory_space<hbm>> -> memref<50000xf32, #tpu.memory_space<hbm>>
    %dma_wait3A_411 = tpu.memref_slice %arg9[%dma_wait3A_409] : memref<2x!tpu.dma_semaphore, #tpu.memory_space<semaphore_mem>> -> memref<1x!tpu.dma_semaphore, #tpu.memory_space<semaphore_mem>>
    %dma_wait3A_412 = tpu.memref_squeeze %dma_wait3A_411 : memref<1x!tpu.dma_semaphore, #tpu.memory_space<semaphore_mem>> -> memref<!tpu.dma_semaphore, #tpu.memory_space<semaphore_mem>>
    %dma_wait3A_413 = tpu.memref_slice %arg4[%add3A_408] : memref<64000000xf32, #tpu.memory_space<hbm>> -> memref<50000xf32, #tpu.memory_space<hbm>>
    tpu.wait_dma2 semaphore(%dma_wait3A_412 : memref<!tpu.dma_semaphore, #tpu.memory_space<semaphore_mem>>) src(%arg7 : memref<50000xf32, #tpu.memory_space<vmem>>) dst(%dma_wait3A_413 : memref<50000xf32, #tpu.memory_space<hbm>>)
    %add3A_414 = arith.constant 750000 : i32
    %add3A_415 = arith.addi %mul3A_2, %add3A_414 : i32
    %dma_start3A_416 = arith.constant 1 : i32
    %dma_start3A_417 = tpu.memref_slice %arg2[%add3A_415] : memref<64000000xf32, #tpu.memory_space<hbm>> -> memref<50000xf32, #tpu.memory_space<hbm>>
    %dma_start3A_418 = tpu.memref_slice %arg8[%dma_start3A_416] : memref<2x!tpu.dma_semaphore, #tpu.memory_space<semaphore_mem>> -> memref<1x!tpu.dma_semaphore, #tpu.memory_space<semaphore_mem>>
    %dma_start3A_419 = tpu.memref_squeeze %dma_start3A_418 : memref<1x!tpu.dma_semaphore, #tpu.memory_space<semaphore_mem>> -> memref<!tpu.dma_semaphore, #tpu.memory_space<semaphore_mem>>
    %dma_start3A_420 = tpu.memref_slice %arg2[%add3A_415] : memref<64000000xf32, #tpu.memory_space<hbm>> -> memref<50000xf32, #tpu.memory_space<hbm>>
    tpu.enqueue_dma source(%dma_start3A_420 : memref<50000xf32, #tpu.memory_space<hbm>>) target(%arg7 : memref<50000xf32, #tpu.memory_space<vmem>>) target_semaphore(%dma_start3A_419 : memref<!tpu.dma_semaphore, #tpu.memory_space<semaphore_mem>>)
    %add3A_421 = arith.constant 750000 : i32
    %add3A_422 = arith.addi %mul3A_2, %add3A_421 : i32
    %dma_wait3A_423 = arith.constant 1 : i32
    %dma_wait3A_424 = tpu.memref_slice %arg2[%add3A_422] : memref<64000000xf32, #tpu.memory_space<hbm>> -> memref<50000xf32, #tpu.memory_space<hbm>>
    %dma_wait3A_425 = tpu.memref_slice %arg8[%dma_wait3A_423] : memref<2x!tpu.dma_semaphore, #tpu.memory_space<semaphore_mem>> -> memref<1x!tpu.dma_semaphore, #tpu.memory_space<semaphore_mem>>
    %dma_wait3A_426 = tpu.memref_squeeze %dma_wait3A_425 : memref<1x!tpu.dma_semaphore, #tpu.memory_space<semaphore_mem>> -> memref<!tpu.dma_semaphore, #tpu.memory_space<semaphore_mem>>
    %dma_wait3A_427 = tpu.memref_slice %arg2[%add3A_422] : memref<64000000xf32, #tpu.memory_space<hbm>> -> memref<50000xf32, #tpu.memory_space<hbm>>
    tpu.wait_dma2 semaphore(%dma_wait3A_426 : memref<!tpu.dma_semaphore, #tpu.memory_space<semaphore_mem>>) src(%dma_wait3A_427 : memref<50000xf32, #tpu.memory_space<hbm>>) dst(%arg7 : memref<50000xf32, #tpu.memory_space<vmem>>)
    %add3A_428 = arith.constant 750000 : i32
    %add3A_429 = arith.addi %mul3A_2, %add3A_428 : i32
    %dma_start3A_430 = arith.constant 1 : i32
    %dma_start3A_431 = tpu.memref_slice %arg4[%add3A_429] : memref<64000000xf32, #tpu.memory_space<hbm>> -> memref<50000xf32, #tpu.memory_space<hbm>>
    %dma_start3A_432 = tpu.memref_slice %arg9[%dma_start3A_430] : memref<2x!tpu.dma_semaphore, #tpu.memory_space<semaphore_mem>> -> memref<1x!tpu.dma_semaphore, #tpu.memory_space<semaphore_mem>>
    %dma_start3A_433 = tpu.memref_squeeze %dma_start3A_432 : memref<1x!tpu.dma_semaphore, #tpu.memory_space<semaphore_mem>> -> memref<!tpu.dma_semaphore, #tpu.memory_space<semaphore_mem>>
    %dma_start3A_434 = tpu.memref_slice %arg4[%add3A_429] : memref<64000000xf32, #tpu.memory_space<hbm>> -> memref<50000xf32, #tpu.memory_space<hbm>>
    tpu.enqueue_dma source(%arg7 : memref<50000xf32, #tpu.memory_space<vmem>>) target(%dma_start3A_434 : memref<50000xf32, #tpu.memory_space<hbm>>) target_semaphore(%dma_start3A_433 : memref<!tpu.dma_semaphore, #tpu.memory_space<semaphore_mem>>)
    %add3A_435 = arith.constant 700000 : i32
    %add3A_436 = arith.addi %mul3A_2, %add3A_435 : i32
    %dma_wait3A_437 = arith.constant 0 : i32
    %dma_wait3A_438 = tpu.memref_slice %arg4[%add3A_436] : memref<64000000xf32, #tpu.memory_space<hbm>> -> memref<50000xf32, #tpu.memory_space<hbm>>
    %dma_wait3A_439 = tpu.memref_slice %arg9[%dma_wait3A_437] : memref<2x!tpu.dma_semaphore, #tpu.memory_space<semaphore_mem>> -> memref<1x!tpu.dma_semaphore, #tpu.memory_space<semaphore_mem>>
    %dma_wait3A_440 = tpu.memref_squeeze %dma_wait3A_439 : memref<1x!tpu.dma_semaphore, #tpu.memory_space<semaphore_mem>> -> memref<!tpu.dma_semaphore, #tpu.memory_space<semaphore_mem>>
    %dma_wait3A_441 = tpu.memref_slice %arg4[%add3A_436] : memref<64000000xf32, #tpu.memory_space<hbm>> -> memref<50000xf32, #tpu.memory_space<hbm>>
    tpu.wait_dma2 semaphore(%dma_wait3A_440 : memref<!tpu.dma_semaphore, #tpu.memory_space<semaphore_mem>>) src(%arg6 : memref<50000xf32, #tpu.memory_space<vmem>>) dst(%dma_wait3A_441 : memref<50000xf32, #tpu.memory_space<hbm>>)
    %add3A_442 = arith.constant 800000 : i32
    %add3A_443 = arith.addi %mul3A_2, %add3A_442 : i32
    %dma_start3A_444 = arith.constant 0 : i32
    %dma_start3A_445 = tpu.memref_slice %arg2[%add3A_443] : memref<64000000xf32, #tpu.memory_space<hbm>> -> memref<50000xf32, #tpu.memory_space<hbm>>
    %dma_start3A_446 = tpu.memref_slice %arg8[%dma_start3A_444] : memref<2x!tpu.dma_semaphore, #tpu.memory_space<semaphore_mem>> -> memref<1x!tpu.dma_semaphore, #tpu.memory_space<semaphore_mem>>
    %dma_start3A_447 = tpu.memref_squeeze %dma_start3A_446 : memref<1x!tpu.dma_semaphore, #tpu.memory_space<semaphore_mem>> -> memref<!tpu.dma_semaphore, #tpu.memory_space<semaphore_mem>>
    %dma_start3A_448 = tpu.memref_slice %arg2[%add3A_443] : memref<64000000xf32, #tpu.memory_space<hbm>> -> memref<50000xf32, #tpu.memory_space<hbm>>
    tpu.enqueue_dma source(%dma_start3A_448 : memref<50000xf32, #tpu.memory_space<hbm>>) target(%arg6 : memref<50000xf32, #tpu.memory_space<vmem>>) target_semaphore(%dma_start3A_447 : memref<!tpu.dma_semaphore, #tpu.memory_space<semaphore_mem>>)
    %add3A_449 = arith.constant 800000 : i32
    %add3A_450 = arith.addi %mul3A_2, %add3A_449 : i32
    %dma_wait3A_451 = arith.constant 0 : i32
    %dma_wait3A_452 = tpu.memref_slice %arg2[%add3A_450] : memref<64000000xf32, #tpu.memory_space<hbm>> -> memref<50000xf32, #tpu.memory_space<hbm>>
    %dma_wait3A_453 = tpu.memref_slice %arg8[%dma_wait3A_451] : memref<2x!tpu.dma_semaphore, #tpu.memory_space<semaphore_mem>> -> memref<1x!tpu.dma_semaphore, #tpu.memory_space<semaphore_mem>>
    %dma_wait3A_454 = tpu.memref_squeeze %dma_wait3A_453 : memref<1x!tpu.dma_semaphore, #tpu.memory_space<semaphore_mem>> -> memref<!tpu.dma_semaphore, #tpu.memory_space<semaphore_mem>>
    %dma_wait3A_455 = tpu.memref_slice %arg2[%add3A_450] : memref<64000000xf32, #tpu.memory_space<hbm>> -> memref<50000xf32, #tpu.memory_space<hbm>>
    tpu.wait_dma2 semaphore(%dma_wait3A_454 : memref<!tpu.dma_semaphore, #tpu.memory_space<semaphore_mem>>) src(%dma_wait3A_455 : memref<50000xf32, #tpu.memory_space<hbm>>) dst(%arg6 : memref<50000xf32, #tpu.memory_space<vmem>>)
    %add3A_456 = arith.constant 800000 : i32
    %add3A_457 = arith.addi %mul3A_2, %add3A_456 : i32
    %dma_start3A_458 = arith.constant 0 : i32
    %dma_start3A_459 = tpu.memref_slice %arg4[%add3A_457] : memref<64000000xf32, #tpu.memory_space<hbm>> -> memref<50000xf32, #tpu.memory_space<hbm>>
    %dma_start3A_460 = tpu.memref_slice %arg9[%dma_start3A_458] : memref<2x!tpu.dma_semaphore, #tpu.memory_space<semaphore_mem>> -> memref<1x!tpu.dma_semaphore, #tpu.memory_space<semaphore_mem>>
    %dma_start3A_461 = tpu.memref_squeeze %dma_start3A_460 : memref<1x!tpu.dma_semaphore, #tpu.memory_space<semaphore_mem>> -> memref<!tpu.dma_semaphore, #tpu.memory_space<semaphore_mem>>
    %dma_start3A_462 = tpu.memref_slice %arg4[%add3A_457] : memref<64000000xf32, #tpu.memory_space<hbm>> -> memref<50000xf32, #tpu.memory_space<hbm>>
    tpu.enqueue_dma source(%arg6 : memref<50000xf32, #tpu.memory_space<vmem>>) target(%dma_start3A_462 : memref<50000xf32, #tpu.memory_space<hbm>>) target_semaphore(%dma_start3A_461 : memref<!tpu.dma_semaphore, #tpu.memory_space<semaphore_mem>>)
    %add3A_463 = arith.constant 750000 : i32
    %add3A_464 = arith.addi %mul3A_2, %add3A_463 : i32
    %dma_wait3A_465 = arith.constant 1 : i32
    %dma_wait3A_466 = tpu.memref_slice %arg4[%add3A_464] : memref<64000000xf32, #tpu.memory_space<hbm>> -> memref<50000xf32, #tpu.memory_space<hbm>>
    %dma_wait3A_467 = tpu.memref_slice %arg9[%dma_wait3A_465] : memref<2x!tpu.dma_semaphore, #tpu.memory_space<semaphore_mem>> -> memref<1x!tpu.dma_semaphore, #tpu.memory_space<semaphore_mem>>
    %dma_wait3A_468 = tpu.memref_squeeze %dma_wait3A_467 : memref<1x!tpu.dma_semaphore, #tpu.memory_space<semaphore_mem>> -> memref<!tpu.dma_semaphore, #tpu.memory_space<semaphore_mem>>
    %dma_wait3A_469 = tpu.memref_slice %arg4[%add3A_464] : memref<64000000xf32, #tpu.memory_space<hbm>> -> memref<50000xf32, #tpu.memory_space<hbm>>
    tpu.wait_dma2 semaphore(%dma_wait3A_468 : memref<!tpu.dma_semaphore, #tpu.memory_space<semaphore_mem>>) src(%arg7 : memref<50000xf32, #tpu.memory_space<vmem>>) dst(%dma_wait3A_469 : memref<50000xf32, #tpu.memory_space<hbm>>)
    %add3A_470 = arith.constant 850000 : i32
    %add3A_471 = arith.addi %mul3A_2, %add3A_470 : i32
    %dma_start3A_472 = arith.constant 1 : i32
    %dma_start3A_473 = tpu.memref_slice %arg2[%add3A_471] : memref<64000000xf32, #tpu.memory_space<hbm>> -> memref<50000xf32, #tpu.memory_space<hbm>>
    %dma_start3A_474 = tpu.memref_slice %arg8[%dma_start3A_472] : memref<2x!tpu.dma_semaphore, #tpu.memory_space<semaphore_mem>> -> memref<1x!tpu.dma_semaphore, #tpu.memory_space<semaphore_mem>>
    %dma_start3A_475 = tpu.memref_squeeze %dma_start3A_474 : memref<1x!tpu.dma_semaphore, #tpu.memory_space<semaphore_mem>> -> memref<!tpu.dma_semaphore, #tpu.memory_space<semaphore_mem>>
    %dma_start3A_476 = tpu.memref_slice %arg2[%add3A_471] : memref<64000000xf32, #tpu.memory_space<hbm>> -> memref<50000xf32, #tpu.memory_space<hbm>>
    tpu.enqueue_dma source(%dma_start3A_476 : memref<50000xf32, #tpu.memory_space<hbm>>) target(%arg7 : memref<50000xf32, #tpu.memory_space<vmem>>) target_semaphore(%dma_start3A_475 : memref<!tpu.dma_semaphore, #tpu.memory_space<semaphore_mem>>)
    %add3A_477 = arith.constant 850000 : i32
    %add3A_478 = arith.addi %mul3A_2, %add3A_477 : i32
    %dma_wait3A_479 = arith.constant 1 : i32
    %dma_wait3A_480 = tpu.memref_slice %arg2[%add3A_478] : memref<64000000xf32, #tpu.memory_space<hbm>> -> memref<50000xf32, #tpu.memory_space<hbm>>
    %dma_wait3A_481 = tpu.memref_slice %arg8[%dma_wait3A_479] : memref<2x!tpu.dma_semaphore, #tpu.memory_space<semaphore_mem>> -> memref<1x!tpu.dma_semaphore, #tpu.memory_space<semaphore_mem>>
    %dma_wait3A_482 = tpu.memref_squeeze %dma_wait3A_481 : memref<1x!tpu.dma_semaphore, #tpu.memory_space<semaphore_mem>> -> memref<!tpu.dma_semaphore, #tpu.memory_space<semaphore_mem>>
    %dma_wait3A_483 = tpu.memref_slice %arg2[%add3A_478] : memref<64000000xf32, #tpu.memory_space<hbm>> -> memref<50000xf32, #tpu.memory_space<hbm>>
    tpu.wait_dma2 semaphore(%dma_wait3A_482 : memref<!tpu.dma_semaphore, #tpu.memory_space<semaphore_mem>>) src(%dma_wait3A_483 : memref<50000xf32, #tpu.memory_space<hbm>>) dst(%arg7 : memref<50000xf32, #tpu.memory_space<vmem>>)
    %add3A_484 = arith.constant 850000 : i32
    %add3A_485 = arith.addi %mul3A_2, %add3A_484 : i32
    %dma_start3A_486 = arith.constant 1 : i32
    %dma_start3A_487 = tpu.memref_slice %arg4[%add3A_485] : memref<64000000xf32, #tpu.memory_space<hbm>> -> memref<50000xf32, #tpu.memory_space<hbm>>
    %dma_start3A_488 = tpu.memref_slice %arg9[%dma_start3A_486] : memref<2x!tpu.dma_semaphore, #tpu.memory_space<semaphore_mem>> -> memref<1x!tpu.dma_semaphore, #tpu.memory_space<semaphore_mem>>
    %dma_start3A_489 = tpu.memref_squeeze %dma_start3A_488 : memref<1x!tpu.dma_semaphore, #tpu.memory_space<semaphore_mem>> -> memref<!tpu.dma_semaphore, #tpu.memory_space<semaphore_mem>>
    %dma_start3A_490 = tpu.memref_slice %arg4[%add3A_485] : memref<64000000xf32, #tpu.memory_space<hbm>> -> memref<50000xf32, #tpu.memory_space<hbm>>
    tpu.enqueue_dma source(%arg7 : memref<50000xf32, #tpu.memory_space<vmem>>) target(%dma_start3A_490 : memref<50000xf32, #tpu.memory_space<hbm>>) target_semaphore(%dma_start3A_489 : memref<!tpu.dma_semaphore, #tpu.memory_space<semaphore_mem>>)
    %add3A_491 = arith.constant 800000 : i32
    %add3A_492 = arith.addi %mul3A_2, %add3A_491 : i32
    %dma_wait3A_493 = arith.constant 0 : i32
    %dma_wait3A_494 = tpu.memref_slice %arg4[%add3A_492] : memref<64000000xf32, #tpu.memory_space<hbm>> -> memref<50000xf32, #tpu.memory_space<hbm>>
    %dma_wait3A_495 = tpu.memref_slice %arg9[%dma_wait3A_493] : memref<2x!tpu.dma_semaphore, #tpu.memory_space<semaphore_mem>> -> memref<1x!tpu.dma_semaphore, #tpu.memory_space<semaphore_mem>>
    %dma_wait3A_496 = tpu.memref_squeeze %dma_wait3A_495 : memref<1x!tpu.dma_semaphore, #tpu.memory_space<semaphore_mem>> -> memref<!tpu.dma_semaphore, #tpu.memory_space<semaphore_mem>>
    %dma_wait3A_497 = tpu.memref_slice %arg4[%add3A_492] : memref<64000000xf32, #tpu.memory_space<hbm>> -> memref<50000xf32, #tpu.memory_space<hbm>>
    tpu.wait_dma2 semaphore(%dma_wait3A_496 : memref<!tpu.dma_semaphore, #tpu.memory_space<semaphore_mem>>) src(%arg6 : memref<50000xf32, #tpu.memory_space<vmem>>) dst(%dma_wait3A_497 : memref<50000xf32, #tpu.memory_space<hbm>>)
    %add3A_498 = arith.constant 900000 : i32
    %add3A_499 = arith.addi %mul3A_2, %add3A_498 : i32
    %dma_start3A_500 = arith.constant 0 : i32
    %dma_start3A_501 = tpu.memref_slice %arg2[%add3A_499] : memref<64000000xf32, #tpu.memory_space<hbm>> -> memref<50000xf32, #tpu.memory_space<hbm>>
    %dma_start3A_502 = tpu.memref_slice %arg8[%dma_start3A_500] : memref<2x!tpu.dma_semaphore, #tpu.memory_space<semaphore_mem>> -> memref<1x!tpu.dma_semaphore, #tpu.memory_space<semaphore_mem>>
    %dma_start3A_503 = tpu.memref_squeeze %dma_start3A_502 : memref<1x!tpu.dma_semaphore, #tpu.memory_space<semaphore_mem>> -> memref<!tpu.dma_semaphore, #tpu.memory_space<semaphore_mem>>
    %dma_start3A_504 = tpu.memref_slice %arg2[%add3A_499] : memref<64000000xf32, #tpu.memory_space<hbm>> -> memref<50000xf32, #tpu.memory_space<hbm>>
    tpu.enqueue_dma source(%dma_start3A_504 : memref<50000xf32, #tpu.memory_space<hbm>>) target(%arg6 : memref<50000xf32, #tpu.memory_space<vmem>>) target_semaphore(%dma_start3A_503 : memref<!tpu.dma_semaphore, #tpu.memory_space<semaphore_mem>>)
    %add3A_505 = arith.constant 900000 : i32
    %add3A_506 = arith.addi %mul3A_2, %add3A_505 : i32
    %dma_wait3A_507 = arith.constant 0 : i32
    %dma_wait3A_508 = tpu.memref_slice %arg2[%add3A_506] : memref<64000000xf32, #tpu.memory_space<hbm>> -> memref<50000xf32, #tpu.memory_space<hbm>>
    %dma_wait3A_509 = tpu.memref_slice %arg8[%dma_wait3A_507] : memref<2x!tpu.dma_semaphore, #tpu.memory_space<semaphore_mem>> -> memref<1x!tpu.dma_semaphore, #tpu.memory_space<semaphore_mem>>
    %dma_wait3A_510 = tpu.memref_squeeze %dma_wait3A_509 : memref<1x!tpu.dma_semaphore, #tpu.memory_space<semaphore_mem>> -> memref<!tpu.dma_semaphore, #tpu.memory_space<semaphore_mem>>
    %dma_wait3A_511 = tpu.memref_slice %arg2[%add3A_506] : memref<64000000xf32, #tpu.memory_space<hbm>> -> memref<50000xf32, #tpu.memory_space<hbm>>
    tpu.wait_dma2 semaphore(%dma_wait3A_510 : memref<!tpu.dma_semaphore, #tpu.memory_space<semaphore_mem>>) src(%dma_wait3A_511 : memref<50000xf32, #tpu.memory_space<hbm>>) dst(%arg6 : memref<50000xf32, #tpu.memory_space<vmem>>)
    %add3A_512 = arith.constant 900000 : i32
    %add3A_513 = arith.addi %mul3A_2, %add3A_512 : i32
    %dma_start3A_514 = arith.constant 0 : i32
    %dma_start3A_515 = tpu.memref_slice %arg4[%add3A_513] : memref<64000000xf32, #tpu.memory_space<hbm>> -> memref<50000xf32, #tpu.memory_space<hbm>>
    %dma_start3A_516 = tpu.memref_slice %arg9[%dma_start3A_514] : memref<2x!tpu.dma_semaphore, #tpu.memory_space<semaphore_mem>> -> memref<1x!tpu.dma_semaphore, #tpu.memory_space<semaphore_mem>>
    %dma_start3A_517 = tpu.memref_squeeze %dma_start3A_516 : memref<1x!tpu.dma_semaphore, #tpu.memory_space<semaphore_mem>> -> memref<!tpu.dma_semaphore, #tpu.memory_space<semaphore_mem>>
    %dma_start3A_518 = tpu.memref_slice %arg4[%add3A_513] : memref<64000000xf32, #tpu.memory_space<hbm>> -> memref<50000xf32, #tpu.memory_space<hbm>>
    tpu.enqueue_dma source(%arg6 : memref<50000xf32, #tpu.memory_space<vmem>>) target(%dma_start3A_518 : memref<50000xf32, #tpu.memory_space<hbm>>) target_semaphore(%dma_start3A_517 : memref<!tpu.dma_semaphore, #tpu.memory_space<semaphore_mem>>)
    %add3A_519 = arith.constant 850000 : i32
    %add3A_520 = arith.addi %mul3A_2, %add3A_519 : i32
    %dma_wait3A_521 = arith.constant 1 : i32
    %dma_wait3A_522 = tpu.memref_slice %arg4[%add3A_520] : memref<64000000xf32, #tpu.memory_space<hbm>> -> memref<50000xf32, #tpu.memory_space<hbm>>
    %dma_wait3A_523 = tpu.memref_slice %arg9[%dma_wait3A_521] : memref<2x!tpu.dma_semaphore, #tpu.memory_space<semaphore_mem>> -> memref<1x!tpu.dma_semaphore, #tpu.memory_space<semaphore_mem>>
    %dma_wait3A_524 = tpu.memref_squeeze %dma_wait3A_523 : memref<1x!tpu.dma_semaphore, #tpu.memory_space<semaphore_mem>> -> memref<!tpu.dma_semaphore, #tpu.memory_space<semaphore_mem>>
    %dma_wait3A_525 = tpu.memref_slice %arg4[%add3A_520] : memref<64000000xf32, #tpu.memory_space<hbm>> -> memref<50000xf32, #tpu.memory_space<hbm>>
    tpu.wait_dma2 semaphore(%dma_wait3A_524 : memref<!tpu.dma_semaphore, #tpu.memory_space<semaphore_mem>>) src(%arg7 : memref<50000xf32, #tpu.memory_space<vmem>>) dst(%dma_wait3A_525 : memref<50000xf32, #tpu.memory_space<hbm>>)
    %add3A_526 = arith.constant 950000 : i32
    %add3A_527 = arith.addi %mul3A_2, %add3A_526 : i32
    %dma_start3A_528 = arith.constant 1 : i32
    %dma_start3A_529 = tpu.memref_slice %arg2[%add3A_527] : memref<64000000xf32, #tpu.memory_space<hbm>> -> memref<50000xf32, #tpu.memory_space<hbm>>
    %dma_start3A_530 = tpu.memref_slice %arg8[%dma_start3A_528] : memref<2x!tpu.dma_semaphore, #tpu.memory_space<semaphore_mem>> -> memref<1x!tpu.dma_semaphore, #tpu.memory_space<semaphore_mem>>
    %dma_start3A_531 = tpu.memref_squeeze %dma_start3A_530 : memref<1x!tpu.dma_semaphore, #tpu.memory_space<semaphore_mem>> -> memref<!tpu.dma_semaphore, #tpu.memory_space<semaphore_mem>>
    %dma_start3A_532 = tpu.memref_slice %arg2[%add3A_527] : memref<64000000xf32, #tpu.memory_space<hbm>> -> memref<50000xf32, #tpu.memory_space<hbm>>
    tpu.enqueue_dma source(%dma_start3A_532 : memref<50000xf32, #tpu.memory_space<hbm>>) target(%arg7 : memref<50000xf32, #tpu.memory_space<vmem>>) target_semaphore(%dma_start3A_531 : memref<!tpu.dma_semaphore, #tpu.memory_space<semaphore_mem>>)
    %add3A_533 = arith.constant 950000 : i32
    %add3A_534 = arith.addi %mul3A_2, %add3A_533 : i32
    %dma_wait3A_535 = arith.constant 1 : i32
    %dma_wait3A_536 = tpu.memref_slice %arg2[%add3A_534] : memref<64000000xf32, #tpu.memory_space<hbm>> -> memref<50000xf32, #tpu.memory_space<hbm>>
    %dma_wait3A_537 = tpu.memref_slice %arg8[%dma_wait3A_535] : memref<2x!tpu.dma_semaphore, #tpu.memory_space<semaphore_mem>> -> memref<1x!tpu.dma_semaphore, #tpu.memory_space<semaphore_mem>>
    %dma_wait3A_538 = tpu.memref_squeeze %dma_wait3A_537 : memref<1x!tpu.dma_semaphore, #tpu.memory_space<semaphore_mem>> -> memref<!tpu.dma_semaphore, #tpu.memory_space<semaphore_mem>>
    %dma_wait3A_539 = tpu.memref_slice %arg2[%add3A_534] : memref<64000000xf32, #tpu.memory_space<hbm>> -> memref<50000xf32, #tpu.memory_space<hbm>>
    tpu.wait_dma2 semaphore(%dma_wait3A_538 : memref<!tpu.dma_semaphore, #tpu.memory_space<semaphore_mem>>) src(%dma_wait3A_539 : memref<50000xf32, #tpu.memory_space<hbm>>) dst(%arg7 : memref<50000xf32, #tpu.memory_space<vmem>>)
    %add3A_540 = arith.constant 950000 : i32
    %add3A_541 = arith.addi %mul3A_2, %add3A_540 : i32
    %dma_start3A_542 = arith.constant 1 : i32
    %dma_start3A_543 = tpu.memref_slice %arg4[%add3A_541] : memref<64000000xf32, #tpu.memory_space<hbm>> -> memref<50000xf32, #tpu.memory_space<hbm>>
    %dma_start3A_544 = tpu.memref_slice %arg9[%dma_start3A_542] : memref<2x!tpu.dma_semaphore, #tpu.memory_space<semaphore_mem>> -> memref<1x!tpu.dma_semaphore, #tpu.memory_space<semaphore_mem>>
    %dma_start3A_545 = tpu.memref_squeeze %dma_start3A_544 : memref<1x!tpu.dma_semaphore, #tpu.memory_space<semaphore_mem>> -> memref<!tpu.dma_semaphore, #tpu.memory_space<semaphore_mem>>
    %dma_start3A_546 = tpu.memref_slice %arg4[%add3A_541] : memref<64000000xf32, #tpu.memory_space<hbm>> -> memref<50000xf32, #tpu.memory_space<hbm>>
    tpu.enqueue_dma source(%arg7 : memref<50000xf32, #tpu.memory_space<vmem>>) target(%dma_start3A_546 : memref<50000xf32, #tpu.memory_space<hbm>>) target_semaphore(%dma_start3A_545 : memref<!tpu.dma_semaphore, #tpu.memory_space<semaphore_mem>>)
    %add3A_547 = arith.constant 900000 : i32
    %add3A_548 = arith.addi %mul3A_2, %add3A_547 : i32
    %dma_wait3A_549 = arith.constant 0 : i32
    %dma_wait3A_550 = tpu.memref_slice %arg4[%add3A_548] : memref<64000000xf32, #tpu.memory_space<hbm>> -> memref<50000xf32, #tpu.memory_space<hbm>>
    %dma_wait3A_551 = tpu.memref_slice %arg9[%dma_wait3A_549] : memref<2x!tpu.dma_semaphore, #tpu.memory_space<semaphore_mem>> -> memref<1x!tpu.dma_semaphore, #tpu.memory_space<semaphore_mem>>
    %dma_wait3A_552 = tpu.memref_squeeze %dma_wait3A_551 : memref<1x!tpu.dma_semaphore, #tpu.memory_space<semaphore_mem>> -> memref<!tpu.dma_semaphore, #tpu.memory_space<semaphore_mem>>
    %dma_wait3A_553 = tpu.memref_slice %arg4[%add3A_548] : memref<64000000xf32, #tpu.memory_space<hbm>> -> memref<50000xf32, #tpu.memory_space<hbm>>
    tpu.wait_dma2 semaphore(%dma_wait3A_552 : memref<!tpu.dma_semaphore, #tpu.memory_space<semaphore_mem>>) src(%arg6 : memref<50000xf32, #tpu.memory_space<vmem>>) dst(%dma_wait3A_553 : memref<50000xf32, #tpu.memory_space<hbm>>)
    %add3A_554 = arith.constant 1000000 : i32
    %add3A_555 = arith.addi %mul3A_2, %add3A_554 : i32
    %dma_start3A_556 = arith.constant 0 : i32
    %dma_start3A_557 = tpu.memref_slice %arg2[%add3A_555] : memref<64000000xf32, #tpu.memory_space<hbm>> -> memref<50000xf32, #tpu.memory_space<hbm>>
    %dma_start3A_558 = tpu.memref_slice %arg8[%dma_start3A_556] : memref<2x!tpu.dma_semaphore, #tpu.memory_space<semaphore_mem>> -> memref<1x!tpu.dma_semaphore, #tpu.memory_space<semaphore_mem>>
    %dma_start3A_559 = tpu.memref_squeeze %dma_start3A_558 : memref<1x!tpu.dma_semaphore, #tpu.memory_space<semaphore_mem>> -> memref<!tpu.dma_semaphore, #tpu.memory_space<semaphore_mem>>
    %dma_start3A_560 = tpu.memref_slice %arg2[%add3A_555] : memref<64000000xf32, #tpu.memory_space<hbm>> -> memref<50000xf32, #tpu.memory_space<hbm>>
    tpu.enqueue_dma source(%dma_start3A_560 : memref<50000xf32, #tpu.memory_space<hbm>>) target(%arg6 : memref<50000xf32, #tpu.memory_space<vmem>>) target_semaphore(%dma_start3A_559 : memref<!tpu.dma_semaphore, #tpu.memory_space<semaphore_mem>>)
    %add3A_561 = arith.constant 1000000 : i32
    %add3A_562 = arith.addi %mul3A_2, %add3A_561 : i32
    %dma_wait3A_563 = arith.constant 0 : i32
    %dma_wait3A_564 = tpu.memref_slice %arg2[%add3A_562] : memref<64000000xf32, #tpu.memory_space<hbm>> -> memref<50000xf32, #tpu.memory_space<hbm>>
    %dma_wait3A_565 = tpu.memref_slice %arg8[%dma_wait3A_563] : memref<2x!tpu.dma_semaphore, #tpu.memory_space<semaphore_mem>> -> memref<1x!tpu.dma_semaphore, #tpu.memory_space<semaphore_mem>>
    %dma_wait3A_566 = tpu.memref_squeeze %dma_wait3A_565 : memref<1x!tpu.dma_semaphore, #tpu.memory_space<semaphore_mem>> -> memref<!tpu.dma_semaphore, #tpu.memory_space<semaphore_mem>>
    %dma_wait3A_567 = tpu.memref_slice %arg2[%add3A_562] : memref<64000000xf32, #tpu.memory_space<hbm>> -> memref<50000xf32, #tpu.memory_space<hbm>>
    tpu.wait_dma2 semaphore(%dma_wait3A_566 : memref<!tpu.dma_semaphore, #tpu.memory_space<semaphore_mem>>) src(%dma_wait3A_567 : memref<50000xf32, #tpu.memory_space<hbm>>) dst(%arg6 : memref<50000xf32, #tpu.memory_space<vmem>>)
    %add3A_568 = arith.constant 1000000 : i32
    %add3A_569 = arith.addi %mul3A_2, %add3A_568 : i32
    %dma_start3A_570 = arith.constant 0 : i32
    %dma_start3A_571 = tpu.memref_slice %arg4[%add3A_569] : memref<64000000xf32, #tpu.memory_space<hbm>> -> memref<50000xf32, #tpu.memory_space<hbm>>
    %dma_start3A_572 = tpu.memref_slice %arg9[%dma_start3A_570] : memref<2x!tpu.dma_semaphore, #tpu.memory_space<semaphore_mem>> -> memref<1x!tpu.dma_semaphore, #tpu.memory_space<semaphore_mem>>
    %dma_start3A_573 = tpu.memref_squeeze %dma_start3A_572 : memref<1x!tpu.dma_semaphore, #tpu.memory_space<semaphore_mem>> -> memref<!tpu.dma_semaphore, #tpu.memory_space<semaphore_mem>>
    %dma_start3A_574 = tpu.memref_slice %arg4[%add3A_569] : memref<64000000xf32, #tpu.memory_space<hbm>> -> memref<50000xf32, #tpu.memory_space<hbm>>
    tpu.enqueue_dma source(%arg6 : memref<50000xf32, #tpu.memory_space<vmem>>) target(%dma_start3A_574 : memref<50000xf32, #tpu.memory_space<hbm>>) target_semaphore(%dma_start3A_573 : memref<!tpu.dma_semaphore, #tpu.memory_space<semaphore_mem>>)
    %add3A_575 = arith.constant 950000 : i32
    %add3A_576 = arith.addi %mul3A_2, %add3A_575 : i32
    %dma_wait3A_577 = arith.constant 1 : i32
    %dma_wait3A_578 = tpu.memref_slice %arg4[%add3A_576] : memref<64000000xf32, #tpu.memory_space<hbm>> -> memref<50000xf32, #tpu.memory_space<hbm>>
    %dma_wait3A_579 = tpu.memref_slice %arg9[%dma_wait3A_577] : memref<2x!tpu.dma_semaphore, #tpu.memory_space<semaphore_mem>> -> memref<1x!tpu.dma_semaphore, #tpu.memory_space<semaphore_mem>>
    %dma_wait3A_580 = tpu.memref_squeeze %dma_wait3A_579 : memref<1x!tpu.dma_semaphore, #tpu.memory_space<semaphore_mem>> -> memref<!tpu.dma_semaphore, #tpu.memory_space<semaphore_mem>>
    %dma_wait3A_581 = tpu.memref_slice %arg4[%add3A_576] : memref<64000000xf32, #tpu.memory_space<hbm>> -> memref<50000xf32, #tpu.memory_space<hbm>>
    tpu.wait_dma2 semaphore(%dma_wait3A_580 : memref<!tpu.dma_semaphore, #tpu.memory_space<semaphore_mem>>) src(%arg7 : memref<50000xf32, #tpu.memory_space<vmem>>) dst(%dma_wait3A_581 : memref<50000xf32, #tpu.memory_space<hbm>>)
    %add3A_582 = arith.constant 1050000 : i32
    %add3A_583 = arith.addi %mul3A_2, %add3A_582 : i32
    %dma_start3A_584 = arith.constant 1 : i32
    %dma_start3A_585 = tpu.memref_slice %arg2[%add3A_583] : memref<64000000xf32, #tpu.memory_space<hbm>> -> memref<50000xf32, #tpu.memory_space<hbm>>
    %dma_start3A_586 = tpu.memref_slice %arg8[%dma_start3A_584] : memref<2x!tpu.dma_semaphore, #tpu.memory_space<semaphore_mem>> -> memref<1x!tpu.dma_semaphore, #tpu.memory_space<semaphore_mem>>
    %dma_start3A_587 = tpu.memref_squeeze %dma_start3A_586 : memref<1x!tpu.dma_semaphore, #tpu.memory_space<semaphore_mem>> -> memref<!tpu.dma_semaphore, #tpu.memory_space<semaphore_mem>>
    %dma_start3A_588 = tpu.memref_slice %arg2[%add3A_583] : memref<64000000xf32, #tpu.memory_space<hbm>> -> memref<50000xf32, #tpu.memory_space<hbm>>
    tpu.enqueue_dma source(%dma_start3A_588 : memref<50000xf32, #tpu.memory_space<hbm>>) target(%arg7 : memref<50000xf32, #tpu.memory_space<vmem>>) target_semaphore(%dma_start3A_587 : memref<!tpu.dma_semaphore, #tpu.memory_space<semaphore_mem>>)
    %add3A_589 = arith.constant 1050000 : i32
    %add3A_590 = arith.addi %mul3A_2, %add3A_589 : i32
    %dma_wait3A_591 = arith.constant 1 : i32
    %dma_wait3A_592 = tpu.memref_slice %arg2[%add3A_590] : memref<64000000xf32, #tpu.memory_space<hbm>> -> memref<50000xf32, #tpu.memory_space<hbm>>
    %dma_wait3A_593 = tpu.memref_slice %arg8[%dma_wait3A_591] : memref<2x!tpu.dma_semaphore, #tpu.memory_space<semaphore_mem>> -> memref<1x!tpu.dma_semaphore, #tpu.memory_space<semaphore_mem>>
    %dma_wait3A_594 = tpu.memref_squeeze %dma_wait3A_593 : memref<1x!tpu.dma_semaphore, #tpu.memory_space<semaphore_mem>> -> memref<!tpu.dma_semaphore, #tpu.memory_space<semaphore_mem>>
    %dma_wait3A_595 = tpu.memref_slice %arg2[%add3A_590] : memref<64000000xf32, #tpu.memory_space<hbm>> -> memref<50000xf32, #tpu.memory_space<hbm>>
    tpu.wait_dma2 semaphore(%dma_wait3A_594 : memref<!tpu.dma_semaphore, #tpu.memory_space<semaphore_mem>>) src(%dma_wait3A_595 : memref<50000xf32, #tpu.memory_space<hbm>>) dst(%arg7 : memref<50000xf32, #tpu.memory_space<vmem>>)
    %add3A_596 = arith.constant 1050000 : i32
    %add3A_597 = arith.addi %mul3A_2, %add3A_596 : i32
    %dma_start3A_598 = arith.constant 1 : i32
    %dma_start3A_599 = tpu.memref_slice %arg4[%add3A_597] : memref<64000000xf32, #tpu.memory_space<hbm>> -> memref<50000xf32, #tpu.memory_space<hbm>>
    %dma_start3A_600 = tpu.memref_slice %arg9[%dma_start3A_598] : memref<2x!tpu.dma_semaphore, #tpu.memory_space<semaphore_mem>> -> memref<1x!tpu.dma_semaphore, #tpu.memory_space<semaphore_mem>>
    %dma_start3A_601 = tpu.memref_squeeze %dma_start3A_600 : memref<1x!tpu.dma_semaphore, #tpu.memory_space<semaphore_mem>> -> memref<!tpu.dma_semaphore, #tpu.memory_space<semaphore_mem>>
    %dma_start3A_602 = tpu.memref_slice %arg4[%add3A_597] : memref<64000000xf32, #tpu.memory_space<hbm>> -> memref<50000xf32, #tpu.memory_space<hbm>>
    tpu.enqueue_dma source(%arg7 : memref<50000xf32, #tpu.memory_space<vmem>>) target(%dma_start3A_602 : memref<50000xf32, #tpu.memory_space<hbm>>) target_semaphore(%dma_start3A_601 : memref<!tpu.dma_semaphore, #tpu.memory_space<semaphore_mem>>)
    %add3A_603 = arith.constant 1000000 : i32
    %add3A_604 = arith.addi %mul3A_2, %add3A_603 : i32
    %dma_wait3A_605 = arith.constant 0 : i32
    %dma_wait3A_606 = tpu.memref_slice %arg4[%add3A_604] : memref<64000000xf32, #tpu.memory_space<hbm>> -> memref<50000xf32, #tpu.memory_space<hbm>>
    %dma_wait3A_607 = tpu.memref_slice %arg9[%dma_wait3A_605] : memref<2x!tpu.dma_semaphore, #tpu.memory_space<semaphore_mem>> -> memref<1x!tpu.dma_semaphore, #tpu.memory_space<semaphore_mem>>
    %dma_wait3A_608 = tpu.memref_squeeze %dma_wait3A_607 : memref<1x!tpu.dma_semaphore, #tpu.memory_space<semaphore_mem>> -> memref<!tpu.dma_semaphore, #tpu.memory_space<semaphore_mem>>
    %dma_wait3A_609 = tpu.memref_slice %arg4[%add3A_604] : memref<64000000xf32, #tpu.memory_space<hbm>> -> memref<50000xf32, #tpu.memory_space<hbm>>
    tpu.wait_dma2 semaphore(%dma_wait3A_608 : memref<!tpu.dma_semaphore, #tpu.memory_space<semaphore_mem>>) src(%arg6 : memref<50000xf32, #tpu.memory_space<vmem>>) dst(%dma_wait3A_609 : memref<50000xf32, #tpu.memory_space<hbm>>)
    %add3A_610 = arith.constant 1100000 : i32
    %add3A_611 = arith.addi %mul3A_2, %add3A_610 : i32
    %dma_start3A_612 = arith.constant 0 : i32
    %dma_start3A_613 = tpu.memref_slice %arg2[%add3A_611] : memref<64000000xf32, #tpu.memory_space<hbm>> -> memref<50000xf32, #tpu.memory_space<hbm>>
    %dma_start3A_614 = tpu.memref_slice %arg8[%dma_start3A_612] : memref<2x!tpu.dma_semaphore, #tpu.memory_space<semaphore_mem>> -> memref<1x!tpu.dma_semaphore, #tpu.memory_space<semaphore_mem>>
    %dma_start3A_615 = tpu.memref_squeeze %dma_start3A_614 : memref<1x!tpu.dma_semaphore, #tpu.memory_space<semaphore_mem>> -> memref<!tpu.dma_semaphore, #tpu.memory_space<semaphore_mem>>
    %dma_start3A_616 = tpu.memref_slice %arg2[%add3A_611] : memref<64000000xf32, #tpu.memory_space<hbm>> -> memref<50000xf32, #tpu.memory_space<hbm>>
    tpu.enqueue_dma source(%dma_start3A_616 : memref<50000xf32, #tpu.memory_space<hbm>>) target(%arg6 : memref<50000xf32, #tpu.memory_space<vmem>>) target_semaphore(%dma_start3A_615 : memref<!tpu.dma_semaphore, #tpu.memory_space<semaphore_mem>>)
    %add3A_617 = arith.constant 1100000 : i32
    %add3A_618 = arith.addi %mul3A_2, %add3A_617 : i32
    %dma_wait3A_619 = arith.constant 0 : i32
    %dma_wait3A_620 = tpu.memref_slice %arg2[%add3A_618] : memref<64000000xf32, #tpu.memory_space<hbm>> -> memref<50000xf32, #tpu.memory_space<hbm>>
    %dma_wait3A_621 = tpu.memref_slice %arg8[%dma_wait3A_619] : memref<2x!tpu.dma_semaphore, #tpu.memory_space<semaphore_mem>> -> memref<1x!tpu.dma_semaphore, #tpu.memory_space<semaphore_mem>>
    %dma_wait3A_622 = tpu.memref_squeeze %dma_wait3A_621 : memref<1x!tpu.dma_semaphore, #tpu.memory_space<semaphore_mem>> -> memref<!tpu.dma_semaphore, #tpu.memory_space<semaphore_mem>>
    %dma_wait3A_623 = tpu.memref_slice %arg2[%add3A_618] : memref<64000000xf32, #tpu.memory_space<hbm>> -> memref<50000xf32, #tpu.memory_space<hbm>>
    tpu.wait_dma2 semaphore(%dma_wait3A_622 : memref<!tpu.dma_semaphore, #tpu.memory_space<semaphore_mem>>) src(%dma_wait3A_623 : memref<50000xf32, #tpu.memory_space<hbm>>) dst(%arg6 : memref<50000xf32, #tpu.memory_space<vmem>>)
    %add3A_624 = arith.constant 1100000 : i32
    %add3A_625 = arith.addi %mul3A_2, %add3A_624 : i32
    %dma_start3A_626 = arith.constant 0 : i32
    %dma_start3A_627 = tpu.memref_slice %arg4[%add3A_625] : memref<64000000xf32, #tpu.memory_space<hbm>> -> memref<50000xf32, #tpu.memory_space<hbm>>
    %dma_start3A_628 = tpu.memref_slice %arg9[%dma_start3A_626] : memref<2x!tpu.dma_semaphore, #tpu.memory_space<semaphore_mem>> -> memref<1x!tpu.dma_semaphore, #tpu.memory_space<semaphore_mem>>
    %dma_start3A_629 = tpu.memref_squeeze %dma_start3A_628 : memref<1x!tpu.dma_semaphore, #tpu.memory_space<semaphore_mem>> -> memref<!tpu.dma_semaphore, #tpu.memory_space<semaphore_mem>>
    %dma_start3A_630 = tpu.memref_slice %arg4[%add3A_625] : memref<64000000xf32, #tpu.memory_space<hbm>> -> memref<50000xf32, #tpu.memory_space<hbm>>
    tpu.enqueue_dma source(%arg6 : memref<50000xf32, #tpu.memory_space<vmem>>) target(%dma_start3A_630 : memref<50000xf32, #tpu.memory_space<hbm>>) target_semaphore(%dma_start3A_629 : memref<!tpu.dma_semaphore, #tpu.memory_space<semaphore_mem>>)
    %add3A_631 = arith.constant 1050000 : i32
    %add3A_632 = arith.addi %mul3A_2, %add3A_631 : i32
    %dma_wait3A_633 = arith.constant 1 : i32
    %dma_wait3A_634 = tpu.memref_slice %arg4[%add3A_632] : memref<64000000xf32, #tpu.memory_space<hbm>> -> memref<50000xf32, #tpu.memory_space<hbm>>
    %dma_wait3A_635 = tpu.memref_slice %arg9[%dma_wait3A_633] : memref<2x!tpu.dma_semaphore, #tpu.memory_space<semaphore_mem>> -> memref<1x!tpu.dma_semaphore, #tpu.memory_space<semaphore_mem>>
    %dma_wait3A_636 = tpu.memref_squeeze %dma_wait3A_635 : memref<1x!tpu.dma_semaphore, #tpu.memory_space<semaphore_mem>> -> memref<!tpu.dma_semaphore, #tpu.memory_space<semaphore_mem>>
    %dma_wait3A_637 = tpu.memref_slice %arg4[%add3A_632] : memref<64000000xf32, #tpu.memory_space<hbm>> -> memref<50000xf32, #tpu.memory_space<hbm>>
    tpu.wait_dma2 semaphore(%dma_wait3A_636 : memref<!tpu.dma_semaphore, #tpu.memory_space<semaphore_mem>>) src(%arg7 : memref<50000xf32, #tpu.memory_space<vmem>>) dst(%dma_wait3A_637 : memref<50000xf32, #tpu.memory_space<hbm>>)
    %add3A_638 = arith.constant 1150000 : i32
    %add3A_639 = arith.addi %mul3A_2, %add3A_638 : i32
    %dma_start3A_640 = arith.constant 1 : i32
    %dma_start3A_641 = tpu.memref_slice %arg2[%add3A_639] : memref<64000000xf32, #tpu.memory_space<hbm>> -> memref<50000xf32, #tpu.memory_space<hbm>>
    %dma_start3A_642 = tpu.memref_slice %arg8[%dma_start3A_640] : memref<2x!tpu.dma_semaphore, #tpu.memory_space<semaphore_mem>> -> memref<1x!tpu.dma_semaphore, #tpu.memory_space<semaphore_mem>>
    %dma_start3A_643 = tpu.memref_squeeze %dma_start3A_642 : memref<1x!tpu.dma_semaphore, #tpu.memory_space<semaphore_mem>> -> memref<!tpu.dma_semaphore, #tpu.memory_space<semaphore_mem>>
    %dma_start3A_644 = tpu.memref_slice %arg2[%add3A_639] : memref<64000000xf32, #tpu.memory_space<hbm>> -> memref<50000xf32, #tpu.memory_space<hbm>>
    tpu.enqueue_dma source(%dma_start3A_644 : memref<50000xf32, #tpu.memory_space<hbm>>) target(%arg7 : memref<50000xf32, #tpu.memory_space<vmem>>) target_semaphore(%dma_start3A_643 : memref<!tpu.dma_semaphore, #tpu.memory_space<semaphore_mem>>)
    %add3A_645 = arith.constant 1150000 : i32
    %add3A_646 = arith.addi %mul3A_2, %add3A_645 : i32
    %dma_wait3A_647 = arith.constant 1 : i32
    %dma_wait3A_648 = tpu.memref_slice %arg2[%add3A_646] : memref<64000000xf32, #tpu.memory_space<hbm>> -> memref<50000xf32, #tpu.memory_space<hbm>>
    %dma_wait3A_649 = tpu.memref_slice %arg8[%dma_wait3A_647] : memref<2x!tpu.dma_semaphore, #tpu.memory_space<semaphore_mem>> -> memref<1x!tpu.dma_semaphore, #tpu.memory_space<semaphore_mem>>
    %dma_wait3A_650 = tpu.memref_squeeze %dma_wait3A_649 : memref<1x!tpu.dma_semaphore, #tpu.memory_space<semaphore_mem>> -> memref<!tpu.dma_semaphore, #tpu.memory_space<semaphore_mem>>
    %dma_wait3A_651 = tpu.memref_slice %arg2[%add3A_646] : memref<64000000xf32, #tpu.memory_space<hbm>> -> memref<50000xf32, #tpu.memory_space<hbm>>
    tpu.wait_dma2 semaphore(%dma_wait3A_650 : memref<!tpu.dma_semaphore, #tpu.memory_space<semaphore_mem>>) src(%dma_wait3A_651 : memref<50000xf32, #tpu.memory_space<hbm>>) dst(%arg7 : memref<50000xf32, #tpu.memory_space<vmem>>)
    %add3A_652 = arith.constant 1150000 : i32
    %add3A_653 = arith.addi %mul3A_2, %add3A_652 : i32
    %dma_start3A_654 = arith.constant 1 : i32
    %dma_start3A_655 = tpu.memref_slice %arg4[%add3A_653] : memref<64000000xf32, #tpu.memory_space<hbm>> -> memref<50000xf32, #tpu.memory_space<hbm>>
    %dma_start3A_656 = tpu.memref_slice %arg9[%dma_start3A_654] : memref<2x!tpu.dma_semaphore, #tpu.memory_space<semaphore_mem>> -> memref<1x!tpu.dma_semaphore, #tpu.memory_space<semaphore_mem>>
    %dma_start3A_657 = tpu.memref_squeeze %dma_start3A_656 : memref<1x!tpu.dma_semaphore, #tpu.memory_space<semaphore_mem>> -> memref<!tpu.dma_semaphore, #tpu.memory_space<semaphore_mem>>
    %dma_start3A_658 = tpu.memref_slice %arg4[%add3A_653] : memref<64000000xf32, #tpu.memory_space<hbm>> -> memref<50000xf32, #tpu.memory_space<hbm>>
    tpu.enqueue_dma source(%arg7 : memref<50000xf32, #tpu.memory_space<vmem>>) target(%dma_start3A_658 : memref<50000xf32, #tpu.memory_space<hbm>>) target_semaphore(%dma_start3A_657 : memref<!tpu.dma_semaphore, #tpu.memory_space<semaphore_mem>>)
    %add3A_659 = arith.constant 1100000 : i32
    %add3A_660 = arith.addi %mul3A_2, %add3A_659 : i32
    %dma_wait3A_661 = arith.constant 0 : i32
    %dma_wait3A_662 = tpu.memref_slice %arg4[%add3A_660] : memref<64000000xf32, #tpu.memory_space<hbm>> -> memref<50000xf32, #tpu.memory_space<hbm>>
    %dma_wait3A_663 = tpu.memref_slice %arg9[%dma_wait3A_661] : memref<2x!tpu.dma_semaphore, #tpu.memory_space<semaphore_mem>> -> memref<1x!tpu.dma_semaphore, #tpu.memory_space<semaphore_mem>>
    %dma_wait3A_664 = tpu.memref_squeeze %dma_wait3A_663 : memref<1x!tpu.dma_semaphore, #tpu.memory_space<semaphore_mem>> -> memref<!tpu.dma_semaphore, #tpu.memory_space<semaphore_mem>>
    %dma_wait3A_665 = tpu.memref_slice %arg4[%add3A_660] : memref<64000000xf32, #tpu.memory_space<hbm>> -> memref<50000xf32, #tpu.memory_space<hbm>>
    tpu.wait_dma2 semaphore(%dma_wait3A_664 : memref<!tpu.dma_semaphore, #tpu.memory_space<semaphore_mem>>) src(%arg6 : memref<50000xf32, #tpu.memory_space<vmem>>) dst(%dma_wait3A_665 : memref<50000xf32, #tpu.memory_space<hbm>>)
    %add3A_666 = arith.constant 1200000 : i32
    %add3A_667 = arith.addi %mul3A_2, %add3A_666 : i32
    %dma_start3A_668 = arith.constant 0 : i32
    %dma_start3A_669 = tpu.memref_slice %arg2[%add3A_667] : memref<64000000xf32, #tpu.memory_space<hbm>> -> memref<50000xf32, #tpu.memory_space<hbm>>
    %dma_start3A_670 = tpu.memref_slice %arg8[%dma_start3A_668] : memref<2x!tpu.dma_semaphore, #tpu.memory_space<semaphore_mem>> -> memref<1x!tpu.dma_semaphore, #tpu.memory_space<semaphore_mem>>
    %dma_start3A_671 = tpu.memref_squeeze %dma_start3A_670 : memref<1x!tpu.dma_semaphore, #tpu.memory_space<semaphore_mem>> -> memref<!tpu.dma_semaphore, #tpu.memory_space<semaphore_mem>>
    %dma_start3A_672 = tpu.memref_slice %arg2[%add3A_667] : memref<64000000xf32, #tpu.memory_space<hbm>> -> memref<50000xf32, #tpu.memory_space<hbm>>
    tpu.enqueue_dma source(%dma_start3A_672 : memref<50000xf32, #tpu.memory_space<hbm>>) target(%arg6 : memref<50000xf32, #tpu.memory_space<vmem>>) target_semaphore(%dma_start3A_671 : memref<!tpu.dma_semaphore, #tpu.memory_space<semaphore_mem>>)
    %add3A_673 = arith.constant 1200000 : i32
    %add3A_674 = arith.addi %mul3A_2, %add3A_673 : i32
    %dma_wait3A_675 = arith.constant 0 : i32
    %dma_wait3A_676 = tpu.memref_slice %arg2[%add3A_674] : memref<64000000xf32, #tpu.memory_space<hbm>> -> memref<50000xf32, #tpu.memory_space<hbm>>
    %dma_wait3A_677 = tpu.memref_slice %arg8[%dma_wait3A_675] : memref<2x!tpu.dma_semaphore, #tpu.memory_space<semaphore_mem>> -> memref<1x!tpu.dma_semaphore, #tpu.memory_space<semaphore_mem>>
    %dma_wait3A_678 = tpu.memref_squeeze %dma_wait3A_677 : memref<1x!tpu.dma_semaphore, #tpu.memory_space<semaphore_mem>> -> memref<!tpu.dma_semaphore, #tpu.memory_space<semaphore_mem>>
    %dma_wait3A_679 = tpu.memref_slice %arg2[%add3A_674] : memref<64000000xf32, #tpu.memory_space<hbm>> -> memref<50000xf32, #tpu.memory_space<hbm>>
    tpu.wait_dma2 semaphore(%dma_wait3A_678 : memref<!tpu.dma_semaphore, #tpu.memory_space<semaphore_mem>>) src(%dma_wait3A_679 : memref<50000xf32, #tpu.memory_space<hbm>>) dst(%arg6 : memref<50000xf32, #tpu.memory_space<vmem>>)
    %add3A_680 = arith.constant 1200000 : i32
    %add3A_681 = arith.addi %mul3A_2, %add3A_680 : i32
    %dma_start3A_682 = arith.constant 0 : i32
    %dma_start3A_683 = tpu.memref_slice %arg4[%add3A_681] : memref<64000000xf32, #tpu.memory_space<hbm>> -> memref<50000xf32, #tpu.memory_space<hbm>>
    %dma_start3A_684 = tpu.memref_slice %arg9[%dma_start3A_682] : memref<2x!tpu.dma_semaphore, #tpu.memory_space<semaphore_mem>> -> memref<1x!tpu.dma_semaphore, #tpu.memory_space<semaphore_mem>>
    %dma_start3A_685 = tpu.memref_squeeze %dma_start3A_684 : memref<1x!tpu.dma_semaphore, #tpu.memory_space<semaphore_mem>> -> memref<!tpu.dma_semaphore, #tpu.memory_space<semaphore_mem>>
    %dma_start3A_686 = tpu.memref_slice %arg4[%add3A_681] : memref<64000000xf32, #tpu.memory_space<hbm>> -> memref<50000xf32, #tpu.memory_space<hbm>>
    tpu.enqueue_dma source(%arg6 : memref<50000xf32, #tpu.memory_space<vmem>>) target(%dma_start3A_686 : memref<50000xf32, #tpu.memory_space<hbm>>) target_semaphore(%dma_start3A_685 : memref<!tpu.dma_semaphore, #tpu.memory_space<semaphore_mem>>)
    %add3A_687 = arith.constant 1150000 : i32
    %add3A_688 = arith.addi %mul3A_2, %add3A_687 : i32
    %dma_wait3A_689 = arith.constant 1 : i32
    %dma_wait3A_690 = tpu.memref_slice %arg4[%add3A_688] : memref<64000000xf32, #tpu.memory_space<hbm>> -> memref<50000xf32, #tpu.memory_space<hbm>>
    %dma_wait3A_691 = tpu.memref_slice %arg9[%dma_wait3A_689] : memref<2x!tpu.dma_semaphore, #tpu.memory_space<semaphore_mem>> -> memref<1x!tpu.dma_semaphore, #tpu.memory_space<semaphore_mem>>
    %dma_wait3A_692 = tpu.memref_squeeze %dma_wait3A_691 : memref<1x!tpu.dma_semaphore, #tpu.memory_space<semaphore_mem>> -> memref<!tpu.dma_semaphore, #tpu.memory_space<semaphore_mem>>
    %dma_wait3A_693 = tpu.memref_slice %arg4[%add3A_688] : memref<64000000xf32, #tpu.memory_space<hbm>> -> memref<50000xf32, #tpu.memory_space<hbm>>
    tpu.wait_dma2 semaphore(%dma_wait3A_692 : memref<!tpu.dma_semaphore, #tpu.memory_space<semaphore_mem>>) src(%arg7 : memref<50000xf32, #tpu.memory_space<vmem>>) dst(%dma_wait3A_693 : memref<50000xf32, #tpu.memory_space<hbm>>)
    %add3A_694 = arith.constant 1250000 : i32
    %add3A_695 = arith.addi %mul3A_2, %add3A_694 : i32
    %dma_start3A_696 = arith.constant 1 : i32
    %dma_start3A_697 = tpu.memref_slice %arg2[%add3A_695] : memref<64000000xf32, #tpu.memory_space<hbm>> -> memref<50000xf32, #tpu.memory_space<hbm>>
    %dma_start3A_698 = tpu.memref_slice %arg8[%dma_start3A_696] : memref<2x!tpu.dma_semaphore, #tpu.memory_space<semaphore_mem>> -> memref<1x!tpu.dma_semaphore, #tpu.memory_space<semaphore_mem>>
    %dma_start3A_699 = tpu.memref_squeeze %dma_start3A_698 : memref<1x!tpu.dma_semaphore, #tpu.memory_space<semaphore_mem>> -> memref<!tpu.dma_semaphore, #tpu.memory_space<semaphore_mem>>
    %dma_start3A_700 = tpu.memref_slice %arg2[%add3A_695] : memref<64000000xf32, #tpu.memory_space<hbm>> -> memref<50000xf32, #tpu.memory_space<hbm>>
    tpu.enqueue_dma source(%dma_start3A_700 : memref<50000xf32, #tpu.memory_space<hbm>>) target(%arg7 : memref<50000xf32, #tpu.memory_space<vmem>>) target_semaphore(%dma_start3A_699 : memref<!tpu.dma_semaphore, #tpu.memory_space<semaphore_mem>>)
    %add3A_701 = arith.constant 1250000 : i32
    %add3A_702 = arith.addi %mul3A_2, %add3A_701 : i32
    %dma_wait3A_703 = arith.constant 1 : i32
    %dma_wait3A_704 = tpu.memref_slice %arg2[%add3A_702] : memref<64000000xf32, #tpu.memory_space<hbm>> -> memref<50000xf32, #tpu.memory_space<hbm>>
    %dma_wait3A_705 = tpu.memref_slice %arg8[%dma_wait3A_703] : memref<2x!tpu.dma_semaphore, #tpu.memory_space<semaphore_mem>> -> memref<1x!tpu.dma_semaphore, #tpu.memory_space<semaphore_mem>>
    %dma_wait3A_706 = tpu.memref_squeeze %dma_wait3A_705 : memref<1x!tpu.dma_semaphore, #tpu.memory_space<semaphore_mem>> -> memref<!tpu.dma_semaphore, #tpu.memory_space<semaphore_mem>>
    %dma_wait3A_707 = tpu.memref_slice %arg2[%add3A_702] : memref<64000000xf32, #tpu.memory_space<hbm>> -> memref<50000xf32, #tpu.memory_space<hbm>>
    tpu.wait_dma2 semaphore(%dma_wait3A_706 : memref<!tpu.dma_semaphore, #tpu.memory_space<semaphore_mem>>) src(%dma_wait3A_707 : memref<50000xf32, #tpu.memory_space<hbm>>) dst(%arg7 : memref<50000xf32, #tpu.memory_space<vmem>>)
    %add3A_708 = arith.constant 1250000 : i32
    %add3A_709 = arith.addi %mul3A_2, %add3A_708 : i32
    %dma_start3A_710 = arith.constant 1 : i32
    %dma_start3A_711 = tpu.memref_slice %arg4[%add3A_709] : memref<64000000xf32, #tpu.memory_space<hbm>> -> memref<50000xf32, #tpu.memory_space<hbm>>
    %dma_start3A_712 = tpu.memref_slice %arg9[%dma_start3A_710] : memref<2x!tpu.dma_semaphore, #tpu.memory_space<semaphore_mem>> -> memref<1x!tpu.dma_semaphore, #tpu.memory_space<semaphore_mem>>
    %dma_start3A_713 = tpu.memref_squeeze %dma_start3A_712 : memref<1x!tpu.dma_semaphore, #tpu.memory_space<semaphore_mem>> -> memref<!tpu.dma_semaphore, #tpu.memory_space<semaphore_mem>>
    %dma_start3A_714 = tpu.memref_slice %arg4[%add3A_709] : memref<64000000xf32, #tpu.memory_space<hbm>> -> memref<50000xf32, #tpu.memory_space<hbm>>
    tpu.enqueue_dma source(%arg7 : memref<50000xf32, #tpu.memory_space<vmem>>) target(%dma_start3A_714 : memref<50000xf32, #tpu.memory_space<hbm>>) target_semaphore(%dma_start3A_713 : memref<!tpu.dma_semaphore, #tpu.memory_space<semaphore_mem>>)
    %add3A_715 = arith.constant 1200000 : i32
    %add3A_716 = arith.addi %mul3A_2, %add3A_715 : i32
    %dma_wait3A_717 = arith.constant 0 : i32
    %dma_wait3A_718 = tpu.memref_slice %arg4[%add3A_716] : memref<64000000xf32, #tpu.memory_space<hbm>> -> memref<50000xf32, #tpu.memory_space<hbm>>
    %dma_wait3A_719 = tpu.memref_slice %arg9[%dma_wait3A_717] : memref<2x!tpu.dma_semaphore, #tpu.memory_space<semaphore_mem>> -> memref<1x!tpu.dma_semaphore, #tpu.memory_space<semaphore_mem>>
    %dma_wait3A_720 = tpu.memref_squeeze %dma_wait3A_719 : memref<1x!tpu.dma_semaphore, #tpu.memory_space<semaphore_mem>> -> memref<!tpu.dma_semaphore, #tpu.memory_space<semaphore_mem>>
    %dma_wait3A_721 = tpu.memref_slice %arg4[%add3A_716] : memref<64000000xf32, #tpu.memory_space<hbm>> -> memref<50000xf32, #tpu.memory_space<hbm>>
    tpu.wait_dma2 semaphore(%dma_wait3A_720 : memref<!tpu.dma_semaphore, #tpu.memory_space<semaphore_mem>>) src(%arg6 : memref<50000xf32, #tpu.memory_space<vmem>>) dst(%dma_wait3A_721 : memref<50000xf32, #tpu.memory_space<hbm>>)
    %add3A_722 = arith.constant 1300000 : i32
    %add3A_723 = arith.addi %mul3A_2, %add3A_722 : i32
    %dma_start3A_724 = arith.constant 0 : i32
    %dma_start3A_725 = tpu.memref_slice %arg2[%add3A_723] : memref<64000000xf32, #tpu.memory_space<hbm>> -> memref<50000xf32, #tpu.memory_space<hbm>>
    %dma_start3A_726 = tpu.memref_slice %arg8[%dma_start3A_724] : memref<2x!tpu.dma_semaphore, #tpu.memory_space<semaphore_mem>> -> memref<1x!tpu.dma_semaphore, #tpu.memory_space<semaphore_mem>>
    %dma_start3A_727 = tpu.memref_squeeze %dma_start3A_726 : memref<1x!tpu.dma_semaphore, #tpu.memory_space<semaphore_mem>> -> memref<!tpu.dma_semaphore, #tpu.memory_space<semaphore_mem>>
    %dma_start3A_728 = tpu.memref_slice %arg2[%add3A_723] : memref<64000000xf32, #tpu.memory_space<hbm>> -> memref<50000xf32, #tpu.memory_space<hbm>>
    tpu.enqueue_dma source(%dma_start3A_728 : memref<50000xf32, #tpu.memory_space<hbm>>) target(%arg6 : memref<50000xf32, #tpu.memory_space<vmem>>) target_semaphore(%dma_start3A_727 : memref<!tpu.dma_semaphore, #tpu.memory_space<semaphore_mem>>)
    %add3A_729 = arith.constant 1300000 : i32
    %add3A_730 = arith.addi %mul3A_2, %add3A_729 : i32
    %dma_wait3A_731 = arith.constant 0 : i32
    %dma_wait3A_732 = tpu.memref_slice %arg2[%add3A_730] : memref<64000000xf32, #tpu.memory_space<hbm>> -> memref<50000xf32, #tpu.memory_space<hbm>>
    %dma_wait3A_733 = tpu.memref_slice %arg8[%dma_wait3A_731] : memref<2x!tpu.dma_semaphore, #tpu.memory_space<semaphore_mem>> -> memref<1x!tpu.dma_semaphore, #tpu.memory_space<semaphore_mem>>
    %dma_wait3A_734 = tpu.memref_squeeze %dma_wait3A_733 : memref<1x!tpu.dma_semaphore, #tpu.memory_space<semaphore_mem>> -> memref<!tpu.dma_semaphore, #tpu.memory_space<semaphore_mem>>
    %dma_wait3A_735 = tpu.memref_slice %arg2[%add3A_730] : memref<64000000xf32, #tpu.memory_space<hbm>> -> memref<50000xf32, #tpu.memory_space<hbm>>
    tpu.wait_dma2 semaphore(%dma_wait3A_734 : memref<!tpu.dma_semaphore, #tpu.memory_space<semaphore_mem>>) src(%dma_wait3A_735 : memref<50000xf32, #tpu.memory_space<hbm>>) dst(%arg6 : memref<50000xf32, #tpu.memory_space<vmem>>)
    %add3A_736 = arith.constant 1300000 : i32
    %add3A_737 = arith.addi %mul3A_2, %add3A_736 : i32
    %dma_start3A_738 = arith.constant 0 : i32
    %dma_start3A_739 = tpu.memref_slice %arg4[%add3A_737] : memref<64000000xf32, #tpu.memory_space<hbm>> -> memref<50000xf32, #tpu.memory_space<hbm>>
    %dma_start3A_740 = tpu.memref_slice %arg9[%dma_start3A_738] : memref<2x!tpu.dma_semaphore, #tpu.memory_space<semaphore_mem>> -> memref<1x!tpu.dma_semaphore, #tpu.memory_space<semaphore_mem>>
    %dma_start3A_741 = tpu.memref_squeeze %dma_start3A_740 : memref<1x!tpu.dma_semaphore, #tpu.memory_space<semaphore_mem>> -> memref<!tpu.dma_semaphore, #tpu.memory_space<semaphore_mem>>
    %dma_start3A_742 = tpu.memref_slice %arg4[%add3A_737] : memref<64000000xf32, #tpu.memory_space<hbm>> -> memref<50000xf32, #tpu.memory_space<hbm>>
    tpu.enqueue_dma source(%arg6 : memref<50000xf32, #tpu.memory_space<vmem>>) target(%dma_start3A_742 : memref<50000xf32, #tpu.memory_space<hbm>>) target_semaphore(%dma_start3A_741 : memref<!tpu.dma_semaphore, #tpu.memory_space<semaphore_mem>>)
    %add3A_743 = arith.constant 1250000 : i32
    %add3A_744 = arith.addi %mul3A_2, %add3A_743 : i32
    %dma_wait3A_745 = arith.constant 1 : i32
    %dma_wait3A_746 = tpu.memref_slice %arg4[%add3A_744] : memref<64000000xf32, #tpu.memory_space<hbm>> -> memref<50000xf32, #tpu.memory_space<hbm>>
    %dma_wait3A_747 = tpu.memref_slice %arg9[%dma_wait3A_745] : memref<2x!tpu.dma_semaphore, #tpu.memory_space<semaphore_mem>> -> memref<1x!tpu.dma_semaphore, #tpu.memory_space<semaphore_mem>>
    %dma_wait3A_748 = tpu.memref_squeeze %dma_wait3A_747 : memref<1x!tpu.dma_semaphore, #tpu.memory_space<semaphore_mem>> -> memref<!tpu.dma_semaphore, #tpu.memory_space<semaphore_mem>>
    %dma_wait3A_749 = tpu.memref_slice %arg4[%add3A_744] : memref<64000000xf32, #tpu.memory_space<hbm>> -> memref<50000xf32, #tpu.memory_space<hbm>>
    tpu.wait_dma2 semaphore(%dma_wait3A_748 : memref<!tpu.dma_semaphore, #tpu.memory_space<semaphore_mem>>) src(%arg7 : memref<50000xf32, #tpu.memory_space<vmem>>) dst(%dma_wait3A_749 : memref<50000xf32, #tpu.memory_space<hbm>>)
    %add3A_750 = arith.constant 1350000 : i32
    %add3A_751 = arith.addi %mul3A_2, %add3A_750 : i32
    %dma_start3A_752 = arith.constant 1 : i32
    %dma_start3A_753 = tpu.memref_slice %arg2[%add3A_751] : memref<64000000xf32, #tpu.memory_space<hbm>> -> memref<50000xf32, #tpu.memory_space<hbm>>
    %dma_start3A_754 = tpu.memref_slice %arg8[%dma_start3A_752] : memref<2x!tpu.dma_semaphore, #tpu.memory_space<semaphore_mem>> -> memref<1x!tpu.dma_semaphore, #tpu.memory_space<semaphore_mem>>
    %dma_start3A_755 = tpu.memref_squeeze %dma_start3A_754 : memref<1x!tpu.dma_semaphore, #tpu.memory_space<semaphore_mem>> -> memref<!tpu.dma_semaphore, #tpu.memory_space<semaphore_mem>>
    %dma_start3A_756 = tpu.memref_slice %arg2[%add3A_751] : memref<64000000xf32, #tpu.memory_space<hbm>> -> memref<50000xf32, #tpu.memory_space<hbm>>
    tpu.enqueue_dma source(%dma_start3A_756 : memref<50000xf32, #tpu.memory_space<hbm>>) target(%arg7 : memref<50000xf32, #tpu.memory_space<vmem>>) target_semaphore(%dma_start3A_755 : memref<!tpu.dma_semaphore, #tpu.memory_space<semaphore_mem>>)
    %add3A_757 = arith.constant 1350000 : i32
    %add3A_758 = arith.addi %mul3A_2, %add3A_757 : i32
    %dma_wait3A_759 = arith.constant 1 : i32
    %dma_wait3A_760 = tpu.memref_slice %arg2[%add3A_758] : memref<64000000xf32, #tpu.memory_space<hbm>> -> memref<50000xf32, #tpu.memory_space<hbm>>
    %dma_wait3A_761 = tpu.memref_slice %arg8[%dma_wait3A_759] : memref<2x!tpu.dma_semaphore, #tpu.memory_space<semaphore_mem>> -> memref<1x!tpu.dma_semaphore, #tpu.memory_space<semaphore_mem>>
    %dma_wait3A_762 = tpu.memref_squeeze %dma_wait3A_761 : memref<1x!tpu.dma_semaphore, #tpu.memory_space<semaphore_mem>> -> memref<!tpu.dma_semaphore, #tpu.memory_space<semaphore_mem>>
    %dma_wait3A_763 = tpu.memref_slice %arg2[%add3A_758] : memref<64000000xf32, #tpu.memory_space<hbm>> -> memref<50000xf32, #tpu.memory_space<hbm>>
    tpu.wait_dma2 semaphore(%dma_wait3A_762 : memref<!tpu.dma_semaphore, #tpu.memory_space<semaphore_mem>>) src(%dma_wait3A_763 : memref<50000xf32, #tpu.memory_space<hbm>>) dst(%arg7 : memref<50000xf32, #tpu.memory_space<vmem>>)
    %add3A_764 = arith.constant 1350000 : i32
    %add3A_765 = arith.addi %mul3A_2, %add3A_764 : i32
    %dma_start3A_766 = arith.constant 1 : i32
    %dma_start3A_767 = tpu.memref_slice %arg4[%add3A_765] : memref<64000000xf32, #tpu.memory_space<hbm>> -> memref<50000xf32, #tpu.memory_space<hbm>>
    %dma_start3A_768 = tpu.memref_slice %arg9[%dma_start3A_766] : memref<2x!tpu.dma_semaphore, #tpu.memory_space<semaphore_mem>> -> memref<1x!tpu.dma_semaphore, #tpu.memory_space<semaphore_mem>>
    %dma_start3A_769 = tpu.memref_squeeze %dma_start3A_768 : memref<1x!tpu.dma_semaphore, #tpu.memory_space<semaphore_mem>> -> memref<!tpu.dma_semaphore, #tpu.memory_space<semaphore_mem>>
    %dma_start3A_770 = tpu.memref_slice %arg4[%add3A_765] : memref<64000000xf32, #tpu.memory_space<hbm>> -> memref<50000xf32, #tpu.memory_space<hbm>>
    tpu.enqueue_dma source(%arg7 : memref<50000xf32, #tpu.memory_space<vmem>>) target(%dma_start3A_770 : memref<50000xf32, #tpu.memory_space<hbm>>) target_semaphore(%dma_start3A_769 : memref<!tpu.dma_semaphore, #tpu.memory_space<semaphore_mem>>)
    %add3A_771 = arith.constant 1300000 : i32
    %add3A_772 = arith.addi %mul3A_2, %add3A_771 : i32
    %dma_wait3A_773 = arith.constant 0 : i32
    %dma_wait3A_774 = tpu.memref_slice %arg4[%add3A_772] : memref<64000000xf32, #tpu.memory_space<hbm>> -> memref<50000xf32, #tpu.memory_space<hbm>>
    %dma_wait3A_775 = tpu.memref_slice %arg9[%dma_wait3A_773] : memref<2x!tpu.dma_semaphore, #tpu.memory_space<semaphore_mem>> -> memref<1x!tpu.dma_semaphore, #tpu.memory_space<semaphore_mem>>
    %dma_wait3A_776 = tpu.memref_squeeze %dma_wait3A_775 : memref<1x!tpu.dma_semaphore, #tpu.memory_space<semaphore_mem>> -> memref<!tpu.dma_semaphore, #tpu.memory_space<semaphore_mem>>
    %dma_wait3A_777 = tpu.memref_slice %arg4[%add3A_772] : memref<64000000xf32, #tpu.memory_space<hbm>> -> memref<50000xf32, #tpu.memory_space<hbm>>
    tpu.wait_dma2 semaphore(%dma_wait3A_776 : memref<!tpu.dma_semaphore, #tpu.memory_space<semaphore_mem>>) src(%arg6 : memref<50000xf32, #tpu.memory_space<vmem>>) dst(%dma_wait3A_777 : memref<50000xf32, #tpu.memory_space<hbm>>)
    %add3A_778 = arith.constant 1400000 : i32
    %add3A_779 = arith.addi %mul3A_2, %add3A_778 : i32
    %dma_start3A_780 = arith.constant 0 : i32
    %dma_start3A_781 = tpu.memref_slice %arg2[%add3A_779] : memref<64000000xf32, #tpu.memory_space<hbm>> -> memref<50000xf32, #tpu.memory_space<hbm>>
    %dma_start3A_782 = tpu.memref_slice %arg8[%dma_start3A_780] : memref<2x!tpu.dma_semaphore, #tpu.memory_space<semaphore_mem>> -> memref<1x!tpu.dma_semaphore, #tpu.memory_space<semaphore_mem>>
    %dma_start3A_783 = tpu.memref_squeeze %dma_start3A_782 : memref<1x!tpu.dma_semaphore, #tpu.memory_space<semaphore_mem>> -> memref<!tpu.dma_semaphore, #tpu.memory_space<semaphore_mem>>
    %dma_start3A_784 = tpu.memref_slice %arg2[%add3A_779] : memref<64000000xf32, #tpu.memory_space<hbm>> -> memref<50000xf32, #tpu.memory_space<hbm>>
    tpu.enqueue_dma source(%dma_start3A_784 : memref<50000xf32, #tpu.memory_space<hbm>>) target(%arg6 : memref<50000xf32, #tpu.memory_space<vmem>>) target_semaphore(%dma_start3A_783 : memref<!tpu.dma_semaphore, #tpu.memory_space<semaphore_mem>>)
    %add3A_785 = arith.constant 1400000 : i32
    %add3A_786 = arith.addi %mul3A_2, %add3A_785 : i32
    %dma_wait3A_787 = arith.constant 0 : i32
    %dma_wait3A_788 = tpu.memref_slice %arg2[%add3A_786] : memref<64000000xf32, #tpu.memory_space<hbm>> -> memref<50000xf32, #tpu.memory_space<hbm>>
    %dma_wait3A_789 = tpu.memref_slice %arg8[%dma_wait3A_787] : memref<2x!tpu.dma_semaphore, #tpu.memory_space<semaphore_mem>> -> memref<1x!tpu.dma_semaphore, #tpu.memory_space<semaphore_mem>>
    %dma_wait3A_790 = tpu.memref_squeeze %dma_wait3A_789 : memref<1x!tpu.dma_semaphore, #tpu.memory_space<semaphore_mem>> -> memref<!tpu.dma_semaphore, #tpu.memory_space<semaphore_mem>>
    %dma_wait3A_791 = tpu.memref_slice %arg2[%add3A_786] : memref<64000000xf32, #tpu.memory_space<hbm>> -> memref<50000xf32, #tpu.memory_space<hbm>>
    tpu.wait_dma2 semaphore(%dma_wait3A_790 : memref<!tpu.dma_semaphore, #tpu.memory_space<semaphore_mem>>) src(%dma_wait3A_791 : memref<50000xf32, #tpu.memory_space<hbm>>) dst(%arg6 : memref<50000xf32, #tpu.memory_space<vmem>>)
    %add3A_792 = arith.constant 1400000 : i32
    %add3A_793 = arith.addi %mul3A_2, %add3A_792 : i32
    %dma_start3A_794 = arith.constant 0 : i32
    %dma_start3A_795 = tpu.memref_slice %arg4[%add3A_793] : memref<64000000xf32, #tpu.memory_space<hbm>> -> memref<50000xf32, #tpu.memory_space<hbm>>
    %dma_start3A_796 = tpu.memref_slice %arg9[%dma_start3A_794] : memref<2x!tpu.dma_semaphore, #tpu.memory_space<semaphore_mem>> -> memref<1x!tpu.dma_semaphore, #tpu.memory_space<semaphore_mem>>
    %dma_start3A_797 = tpu.memref_squeeze %dma_start3A_796 : memref<1x!tpu.dma_semaphore, #tpu.memory_space<semaphore_mem>> -> memref<!tpu.dma_semaphore, #tpu.memory_space<semaphore_mem>>
    %dma_start3A_798 = tpu.memref_slice %arg4[%add3A_793] : memref<64000000xf32, #tpu.memory_space<hbm>> -> memref<50000xf32, #tpu.memory_space<hbm>>
    tpu.enqueue_dma source(%arg6 : memref<50000xf32, #tpu.memory_space<vmem>>) target(%dma_start3A_798 : memref<50000xf32, #tpu.memory_space<hbm>>) target_semaphore(%dma_start3A_797 : memref<!tpu.dma_semaphore, #tpu.memory_space<semaphore_mem>>)
    %add3A_799 = arith.constant 1350000 : i32
    %add3A_800 = arith.addi %mul3A_2, %add3A_799 : i32
    %dma_wait3A_801 = arith.constant 1 : i32
    %dma_wait3A_802 = tpu.memref_slice %arg4[%add3A_800] : memref<64000000xf32, #tpu.memory_space<hbm>> -> memref<50000xf32, #tpu.memory_space<hbm>>
    %dma_wait3A_803 = tpu.memref_slice %arg9[%dma_wait3A_801] : memref<2x!tpu.dma_semaphore, #tpu.memory_space<semaphore_mem>> -> memref<1x!tpu.dma_semaphore, #tpu.memory_space<semaphore_mem>>
    %dma_wait3A_804 = tpu.memref_squeeze %dma_wait3A_803 : memref<1x!tpu.dma_semaphore, #tpu.memory_space<semaphore_mem>> -> memref<!tpu.dma_semaphore, #tpu.memory_space<semaphore_mem>>
    %dma_wait3A_805 = tpu.memref_slice %arg4[%add3A_800] : memref<64000000xf32, #tpu.memory_space<hbm>> -> memref<50000xf32, #tpu.memory_space<hbm>>
    tpu.wait_dma2 semaphore(%dma_wait3A_804 : memref<!tpu.dma_semaphore, #tpu.memory_space<semaphore_mem>>) src(%arg7 : memref<50000xf32, #tpu.memory_space<vmem>>) dst(%dma_wait3A_805 : memref<50000xf32, #tpu.memory_space<hbm>>)
    %add3A_806 = arith.constant 1450000 : i32
    %add3A_807 = arith.addi %mul3A_2, %add3A_806 : i32
    %dma_start3A_808 = arith.constant 1 : i32
    %dma_start3A_809 = tpu.memref_slice %arg2[%add3A_807] : memref<64000000xf32, #tpu.memory_space<hbm>> -> memref<50000xf32, #tpu.memory_space<hbm>>
    %dma_start3A_810 = tpu.memref_slice %arg8[%dma_start3A_808] : memref<2x!tpu.dma_semaphore, #tpu.memory_space<semaphore_mem>> -> memref<1x!tpu.dma_semaphore, #tpu.memory_space<semaphore_mem>>
    %dma_start3A_811 = tpu.memref_squeeze %dma_start3A_810 : memref<1x!tpu.dma_semaphore, #tpu.memory_space<semaphore_mem>> -> memref<!tpu.dma_semaphore, #tpu.memory_space<semaphore_mem>>
    %dma_start3A_812 = tpu.memref_slice %arg2[%add3A_807] : memref<64000000xf32, #tpu.memory_space<hbm>> -> memref<50000xf32, #tpu.memory_space<hbm>>
    tpu.enqueue_dma source(%dma_start3A_812 : memref<50000xf32, #tpu.memory_space<hbm>>) target(%arg7 : memref<50000xf32, #tpu.memory_space<vmem>>) target_semaphore(%dma_start3A_811 : memref<!tpu.dma_semaphore, #tpu.memory_space<semaphore_mem>>)
    %add3A_813 = arith.constant 1450000 : i32
    %add3A_814 = arith.addi %mul3A_2, %add3A_813 : i32
    %dma_wait3A_815 = arith.constant 1 : i32
    %dma_wait3A_816 = tpu.memref_slice %arg2[%add3A_814] : memref<64000000xf32, #tpu.memory_space<hbm>> -> memref<50000xf32, #tpu.memory_space<hbm>>
    %dma_wait3A_817 = tpu.memref_slice %arg8[%dma_wait3A_815] : memref<2x!tpu.dma_semaphore, #tpu.memory_space<semaphore_mem>> -> memref<1x!tpu.dma_semaphore, #tpu.memory_space<semaphore_mem>>
    %dma_wait3A_818 = tpu.memref_squeeze %dma_wait3A_817 : memref<1x!tpu.dma_semaphore, #tpu.memory_space<semaphore_mem>> -> memref<!tpu.dma_semaphore, #tpu.memory_space<semaphore_mem>>
    %dma_wait3A_819 = tpu.memref_slice %arg2[%add3A_814] : memref<64000000xf32, #tpu.memory_space<hbm>> -> memref<50000xf32, #tpu.memory_space<hbm>>
    tpu.wait_dma2 semaphore(%dma_wait3A_818 : memref<!tpu.dma_semaphore, #tpu.memory_space<semaphore_mem>>) src(%dma_wait3A_819 : memref<50000xf32, #tpu.memory_space<hbm>>) dst(%arg7 : memref<50000xf32, #tpu.memory_space<vmem>>)
    %add3A_820 = arith.constant 1450000 : i32
    %add3A_821 = arith.addi %mul3A_2, %add3A_820 : i32
    %dma_start3A_822 = arith.constant 1 : i32
    %dma_start3A_823 = tpu.memref_slice %arg4[%add3A_821] : memref<64000000xf32, #tpu.memory_space<hbm>> -> memref<50000xf32, #tpu.memory_space<hbm>>
    %dma_start3A_824 = tpu.memref_slice %arg9[%dma_start3A_822] : memref<2x!tpu.dma_semaphore, #tpu.memory_space<semaphore_mem>> -> memref<1x!tpu.dma_semaphore, #tpu.memory_space<semaphore_mem>>
    %dma_start3A_825 = tpu.memref_squeeze %dma_start3A_824 : memref<1x!tpu.dma_semaphore, #tpu.memory_space<semaphore_mem>> -> memref<!tpu.dma_semaphore, #tpu.memory_space<semaphore_mem>>
    %dma_start3A_826 = tpu.memref_slice %arg4[%add3A_821] : memref<64000000xf32, #tpu.memory_space<hbm>> -> memref<50000xf32, #tpu.memory_space<hbm>>
    tpu.enqueue_dma source(%arg7 : memref<50000xf32, #tpu.memory_space<vmem>>) target(%dma_start3A_826 : memref<50000xf32, #tpu.memory_space<hbm>>) target_semaphore(%dma_start3A_825 : memref<!tpu.dma_semaphore, #tpu.memory_space<semaphore_mem>>)
    %add3A_827 = arith.constant 1400000 : i32
    %add3A_828 = arith.addi %mul3A_2, %add3A_827 : i32
    %dma_wait3A_829 = arith.constant 0 : i32
    %dma_wait3A_830 = tpu.memref_slice %arg4[%add3A_828] : memref<64000000xf32, #tpu.memory_space<hbm>> -> memref<50000xf32, #tpu.memory_space<hbm>>
    %dma_wait3A_831 = tpu.memref_slice %arg9[%dma_wait3A_829] : memref<2x!tpu.dma_semaphore, #tpu.memory_space<semaphore_mem>> -> memref<1x!tpu.dma_semaphore, #tpu.memory_space<semaphore_mem>>
    %dma_wait3A_832 = tpu.memref_squeeze %dma_wait3A_831 : memref<1x!tpu.dma_semaphore, #tpu.memory_space<semaphore_mem>> -> memref<!tpu.dma_semaphore, #tpu.memory_space<semaphore_mem>>
    %dma_wait3A_833 = tpu.memref_slice %arg4[%add3A_828] : memref<64000000xf32, #tpu.memory_space<hbm>> -> memref<50000xf32, #tpu.memory_space<hbm>>
    tpu.wait_dma2 semaphore(%dma_wait3A_832 : memref<!tpu.dma_semaphore, #tpu.memory_space<semaphore_mem>>) src(%arg6 : memref<50000xf32, #tpu.memory_space<vmem>>) dst(%dma_wait3A_833 : memref<50000xf32, #tpu.memory_space<hbm>>)
    %add3A_834 = arith.constant 1500000 : i32
    %add3A_835 = arith.addi %mul3A_2, %add3A_834 : i32
    %dma_start3A_836 = arith.constant 0 : i32
    %dma_start3A_837 = tpu.memref_slice %arg2[%add3A_835] : memref<64000000xf32, #tpu.memory_space<hbm>> -> memref<50000xf32, #tpu.memory_space<hbm>>
    %dma_start3A_838 = tpu.memref_slice %arg8[%dma_start3A_836] : memref<2x!tpu.dma_semaphore, #tpu.memory_space<semaphore_mem>> -> memref<1x!tpu.dma_semaphore, #tpu.memory_space<semaphore_mem>>
    %dma_start3A_839 = tpu.memref_squeeze %dma_start3A_838 : memref<1x!tpu.dma_semaphore, #tpu.memory_space<semaphore_mem>> -> memref<!tpu.dma_semaphore, #tpu.memory_space<semaphore_mem>>
    %dma_start3A_840 = tpu.memref_slice %arg2[%add3A_835] : memref<64000000xf32, #tpu.memory_space<hbm>> -> memref<50000xf32, #tpu.memory_space<hbm>>
    tpu.enqueue_dma source(%dma_start3A_840 : memref<50000xf32, #tpu.memory_space<hbm>>) target(%arg6 : memref<50000xf32, #tpu.memory_space<vmem>>) target_semaphore(%dma_start3A_839 : memref<!tpu.dma_semaphore, #tpu.memory_space<semaphore_mem>>)
    %add3A_841 = arith.constant 1500000 : i32
    %add3A_842 = arith.addi %mul3A_2, %add3A_841 : i32
    %dma_wait3A_843 = arith.constant 0 : i32
    %dma_wait3A_844 = tpu.memref_slice %arg2[%add3A_842] : memref<64000000xf32, #tpu.memory_space<hbm>> -> memref<50000xf32, #tpu.memory_space<hbm>>
    %dma_wait3A_845 = tpu.memref_slice %arg8[%dma_wait3A_843] : memref<2x!tpu.dma_semaphore, #tpu.memory_space<semaphore_mem>> -> memref<1x!tpu.dma_semaphore, #tpu.memory_space<semaphore_mem>>
    %dma_wait3A_846 = tpu.memref_squeeze %dma_wait3A_845 : memref<1x!tpu.dma_semaphore, #tpu.memory_space<semaphore_mem>> -> memref<!tpu.dma_semaphore, #tpu.memory_space<semaphore_mem>>
    %dma_wait3A_847 = tpu.memref_slice %arg2[%add3A_842] : memref<64000000xf32, #tpu.memory_space<hbm>> -> memref<50000xf32, #tpu.memory_space<hbm>>
    tpu.wait_dma2 semaphore(%dma_wait3A_846 : memref<!tpu.dma_semaphore, #tpu.memory_space<semaphore_mem>>) src(%dma_wait3A_847 : memref<50000xf32, #tpu.memory_space<hbm>>) dst(%arg6 : memref<50000xf32, #tpu.memory_space<vmem>>)
    %add3A_848 = arith.constant 1500000 : i32
    %add3A_849 = arith.addi %mul3A_2, %add3A_848 : i32
    %dma_start3A_850 = arith.constant 0 : i32
    %dma_start3A_851 = tpu.memref_slice %arg4[%add3A_849] : memref<64000000xf32, #tpu.memory_space<hbm>> -> memref<50000xf32, #tpu.memory_space<hbm>>
    %dma_start3A_852 = tpu.memref_slice %arg9[%dma_start3A_850] : memref<2x!tpu.dma_semaphore, #tpu.memory_space<semaphore_mem>> -> memref<1x!tpu.dma_semaphore, #tpu.memory_space<semaphore_mem>>
    %dma_start3A_853 = tpu.memref_squeeze %dma_start3A_852 : memref<1x!tpu.dma_semaphore, #tpu.memory_space<semaphore_mem>> -> memref<!tpu.dma_semaphore, #tpu.memory_space<semaphore_mem>>
    %dma_start3A_854 = tpu.memref_slice %arg4[%add3A_849] : memref<64000000xf32, #tpu.memory_space<hbm>> -> memref<50000xf32, #tpu.memory_space<hbm>>
    tpu.enqueue_dma source(%arg6 : memref<50000xf32, #tpu.memory_space<vmem>>) target(%dma_start3A_854 : memref<50000xf32, #tpu.memory_space<hbm>>) target_semaphore(%dma_start3A_853 : memref<!tpu.dma_semaphore, #tpu.memory_space<semaphore_mem>>)
    %add3A_855 = arith.constant 1450000 : i32
    %add3A_856 = arith.addi %mul3A_2, %add3A_855 : i32
    %dma_wait3A_857 = arith.constant 1 : i32
    %dma_wait3A_858 = tpu.memref_slice %arg4[%add3A_856] : memref<64000000xf32, #tpu.memory_space<hbm>> -> memref<50000xf32, #tpu.memory_space<hbm>>
    %dma_wait3A_859 = tpu.memref_slice %arg9[%dma_wait3A_857] : memref<2x!tpu.dma_semaphore, #tpu.memory_space<semaphore_mem>> -> memref<1x!tpu.dma_semaphore, #tpu.memory_space<semaphore_mem>>
    %dma_wait3A_860 = tpu.memref_squeeze %dma_wait3A_859 : memref<1x!tpu.dma_semaphore, #tpu.memory_space<semaphore_mem>> -> memref<!tpu.dma_semaphore, #tpu.memory_space<semaphore_mem>>
    %dma_wait3A_861 = tpu.memref_slice %arg4[%add3A_856] : memref<64000000xf32, #tpu.memory_space<hbm>> -> memref<50000xf32, #tpu.memory_space<hbm>>
    tpu.wait_dma2 semaphore(%dma_wait3A_860 : memref<!tpu.dma_semaphore, #tpu.memory_space<semaphore_mem>>) src(%arg7 : memref<50000xf32, #tpu.memory_space<vmem>>) dst(%dma_wait3A_861 : memref<50000xf32, #tpu.memory_space<hbm>>)
    %add3A_862 = arith.constant 1550000 : i32
    %add3A_863 = arith.addi %mul3A_2, %add3A_862 : i32
    %dma_start3A_864 = arith.constant 1 : i32
    %dma_start3A_865 = tpu.memref_slice %arg2[%add3A_863] : memref<64000000xf32, #tpu.memory_space<hbm>> -> memref<50000xf32, #tpu.memory_space<hbm>>
    %dma_start3A_866 = tpu.memref_slice %arg8[%dma_start3A_864] : memref<2x!tpu.dma_semaphore, #tpu.memory_space<semaphore_mem>> -> memref<1x!tpu.dma_semaphore, #tpu.memory_space<semaphore_mem>>
    %dma_start3A_867 = tpu.memref_squeeze %dma_start3A_866 : memref<1x!tpu.dma_semaphore, #tpu.memory_space<semaphore_mem>> -> memref<!tpu.dma_semaphore, #tpu.memory_space<semaphore_mem>>
    %dma_start3A_868 = tpu.memref_slice %arg2[%add3A_863] : memref<64000000xf32, #tpu.memory_space<hbm>> -> memref<50000xf32, #tpu.memory_space<hbm>>
    tpu.enqueue_dma source(%dma_start3A_868 : memref<50000xf32, #tpu.memory_space<hbm>>) target(%arg7 : memref<50000xf32, #tpu.memory_space<vmem>>) target_semaphore(%dma_start3A_867 : memref<!tpu.dma_semaphore, #tpu.memory_space<semaphore_mem>>)
    %add3A_869 = arith.constant 1550000 : i32
    %add3A_870 = arith.addi %mul3A_2, %add3A_869 : i32
    %dma_wait3A_871 = arith.constant 1 : i32
    %dma_wait3A_872 = tpu.memref_slice %arg2[%add3A_870] : memref<64000000xf32, #tpu.memory_space<hbm>> -> memref<50000xf32, #tpu.memory_space<hbm>>
    %dma_wait3A_873 = tpu.memref_slice %arg8[%dma_wait3A_871] : memref<2x!tpu.dma_semaphore, #tpu.memory_space<semaphore_mem>> -> memref<1x!tpu.dma_semaphore, #tpu.memory_space<semaphore_mem>>
    %dma_wait3A_874 = tpu.memref_squeeze %dma_wait3A_873 : memref<1x!tpu.dma_semaphore, #tpu.memory_space<semaphore_mem>> -> memref<!tpu.dma_semaphore, #tpu.memory_space<semaphore_mem>>
    %dma_wait3A_875 = tpu.memref_slice %arg2[%add3A_870] : memref<64000000xf32, #tpu.memory_space<hbm>> -> memref<50000xf32, #tpu.memory_space<hbm>>
    tpu.wait_dma2 semaphore(%dma_wait3A_874 : memref<!tpu.dma_semaphore, #tpu.memory_space<semaphore_mem>>) src(%dma_wait3A_875 : memref<50000xf32, #tpu.memory_space<hbm>>) dst(%arg7 : memref<50000xf32, #tpu.memory_space<vmem>>)
    %add3A_876 = arith.constant 1550000 : i32
    %add3A_877 = arith.addi %mul3A_2, %add3A_876 : i32
    %dma_start3A_878 = arith.constant 1 : i32
    %dma_start3A_879 = tpu.memref_slice %arg4[%add3A_877] : memref<64000000xf32, #tpu.memory_space<hbm>> -> memref<50000xf32, #tpu.memory_space<hbm>>
    %dma_start3A_880 = tpu.memref_slice %arg9[%dma_start3A_878] : memref<2x!tpu.dma_semaphore, #tpu.memory_space<semaphore_mem>> -> memref<1x!tpu.dma_semaphore, #tpu.memory_space<semaphore_mem>>
    %dma_start3A_881 = tpu.memref_squeeze %dma_start3A_880 : memref<1x!tpu.dma_semaphore, #tpu.memory_space<semaphore_mem>> -> memref<!tpu.dma_semaphore, #tpu.memory_space<semaphore_mem>>
    %dma_start3A_882 = tpu.memref_slice %arg4[%add3A_877] : memref<64000000xf32, #tpu.memory_space<hbm>> -> memref<50000xf32, #tpu.memory_space<hbm>>
    tpu.enqueue_dma source(%arg7 : memref<50000xf32, #tpu.memory_space<vmem>>) target(%dma_start3A_882 : memref<50000xf32, #tpu.memory_space<hbm>>) target_semaphore(%dma_start3A_881 : memref<!tpu.dma_semaphore, #tpu.memory_space<semaphore_mem>>)
    %add3A_883 = arith.constant 1500000 : i32
    %add3A_884 = arith.addi %mul3A_2, %add3A_883 : i32
    %dma_wait3A_885 = arith.constant 0 : i32
    %dma_wait3A_886 = tpu.memref_slice %arg4[%add3A_884] : memref<64000000xf32, #tpu.memory_space<hbm>> -> memref<50000xf32, #tpu.memory_space<hbm>>
    %dma_wait3A_887 = tpu.memref_slice %arg9[%dma_wait3A_885] : memref<2x!tpu.dma_semaphore, #tpu.memory_space<semaphore_mem>> -> memref<1x!tpu.dma_semaphore, #tpu.memory_space<semaphore_mem>>
    %dma_wait3A_888 = tpu.memref_squeeze %dma_wait3A_887 : memref<1x!tpu.dma_semaphore, #tpu.memory_space<semaphore_mem>> -> memref<!tpu.dma_semaphore, #tpu.memory_space<semaphore_mem>>
    %dma_wait3A_889 = tpu.memref_slice %arg4[%add3A_884] : memref<64000000xf32, #tpu.memory_space<hbm>> -> memref<50000xf32, #tpu.memory_space<hbm>>
    tpu.wait_dma2 semaphore(%dma_wait3A_888 : memref<!tpu.dma_semaphore, #tpu.memory_space<semaphore_mem>>) src(%arg6 : memref<50000xf32, #tpu.memory_space<vmem>>) dst(%dma_wait3A_889 : memref<50000xf32, #tpu.memory_space<hbm>>)
    %add3A_890 = arith.constant 1600000 : i32
    %add3A_891 = arith.addi %mul3A_2, %add3A_890 : i32
    %dma_start3A_892 = arith.constant 0 : i32
    %dma_start3A_893 = tpu.memref_slice %arg2[%add3A_891] : memref<64000000xf32, #tpu.memory_space<hbm>> -> memref<50000xf32, #tpu.memory_space<hbm>>
    %dma_start3A_894 = tpu.memref_slice %arg8[%dma_start3A_892] : memref<2x!tpu.dma_semaphore, #tpu.memory_space<semaphore_mem>> -> memref<1x!tpu.dma_semaphore, #tpu.memory_space<semaphore_mem>>
    %dma_start3A_895 = tpu.memref_squeeze %dma_start3A_894 : memref<1x!tpu.dma_semaphore, #tpu.memory_space<semaphore_mem>> -> memref<!tpu.dma_semaphore, #tpu.memory_space<semaphore_mem>>
    %dma_start3A_896 = tpu.memref_slice %arg2[%add3A_891] : memref<64000000xf32, #tpu.memory_space<hbm>> -> memref<50000xf32, #tpu.memory_space<hbm>>
    tpu.enqueue_dma source(%dma_start3A_896 : memref<50000xf32, #tpu.memory_space<hbm>>) target(%arg6 : memref<50000xf32, #tpu.memory_space<vmem>>) target_semaphore(%dma_start3A_895 : memref<!tpu.dma_semaphore, #tpu.memory_space<semaphore_mem>>)
    %add3A_897 = arith.constant 1600000 : i32
    %add3A_898 = arith.addi %mul3A_2, %add3A_897 : i32
    %dma_wait3A_899 = arith.constant 0 : i32
    %dma_wait3A_900 = tpu.memref_slice %arg2[%add3A_898] : memref<64000000xf32, #tpu.memory_space<hbm>> -> memref<50000xf32, #tpu.memory_space<hbm>>
    %dma_wait3A_901 = tpu.memref_slice %arg8[%dma_wait3A_899] : memref<2x!tpu.dma_semaphore, #tpu.memory_space<semaphore_mem>> -> memref<1x!tpu.dma_semaphore, #tpu.memory_space<semaphore_mem>>
    %dma_wait3A_902 = tpu.memref_squeeze %dma_wait3A_901 : memref<1x!tpu.dma_semaphore, #tpu.memory_space<semaphore_mem>> -> memref<!tpu.dma_semaphore, #tpu.memory_space<semaphore_mem>>
    %dma_wait3A_903 = tpu.memref_slice %arg2[%add3A_898] : memref<64000000xf32, #tpu.memory_space<hbm>> -> memref<50000xf32, #tpu.memory_space<hbm>>
    tpu.wait_dma2 semaphore(%dma_wait3A_902 : memref<!tpu.dma_semaphore, #tpu.memory_space<semaphore_mem>>) src(%dma_wait3A_903 : memref<50000xf32, #tpu.memory_space<hbm>>) dst(%arg6 : memref<50000xf32, #tpu.memory_space<vmem>>)
    %add3A_904 = arith.constant 1600000 : i32
    %add3A_905 = arith.addi %mul3A_2, %add3A_904 : i32
    %dma_start3A_906 = arith.constant 0 : i32
    %dma_start3A_907 = tpu.memref_slice %arg4[%add3A_905] : memref<64000000xf32, #tpu.memory_space<hbm>> -> memref<50000xf32, #tpu.memory_space<hbm>>
    %dma_start3A_908 = tpu.memref_slice %arg9[%dma_start3A_906] : memref<2x!tpu.dma_semaphore, #tpu.memory_space<semaphore_mem>> -> memref<1x!tpu.dma_semaphore, #tpu.memory_space<semaphore_mem>>
    %dma_start3A_909 = tpu.memref_squeeze %dma_start3A_908 : memref<1x!tpu.dma_semaphore, #tpu.memory_space<semaphore_mem>> -> memref<!tpu.dma_semaphore, #tpu.memory_space<semaphore_mem>>
    %dma_start3A_910 = tpu.memref_slice %arg4[%add3A_905] : memref<64000000xf32, #tpu.memory_space<hbm>> -> memref<50000xf32, #tpu.memory_space<hbm>>
    tpu.enqueue_dma source(%arg6 : memref<50000xf32, #tpu.memory_space<vmem>>) target(%dma_start3A_910 : memref<50000xf32, #tpu.memory_space<hbm>>) target_semaphore(%dma_start3A_909 : memref<!tpu.dma_semaphore, #tpu.memory_space<semaphore_mem>>)
    %add3A_911 = arith.constant 1550000 : i32
    %add3A_912 = arith.addi %mul3A_2, %add3A_911 : i32
    %dma_wait3A_913 = arith.constant 1 : i32
    %dma_wait3A_914 = tpu.memref_slice %arg4[%add3A_912] : memref<64000000xf32, #tpu.memory_space<hbm>> -> memref<50000xf32, #tpu.memory_space<hbm>>
    %dma_wait3A_915 = tpu.memref_slice %arg9[%dma_wait3A_913] : memref<2x!tpu.dma_semaphore, #tpu.memory_space<semaphore_mem>> -> memref<1x!tpu.dma_semaphore, #tpu.memory_space<semaphore_mem>>
    %dma_wait3A_916 = tpu.memref_squeeze %dma_wait3A_915 : memref<1x!tpu.dma_semaphore, #tpu.memory_space<semaphore_mem>> -> memref<!tpu.dma_semaphore, #tpu.memory_space<semaphore_mem>>
    %dma_wait3A_917 = tpu.memref_slice %arg4[%add3A_912] : memref<64000000xf32, #tpu.memory_space<hbm>> -> memref<50000xf32, #tpu.memory_space<hbm>>
    tpu.wait_dma2 semaphore(%dma_wait3A_916 : memref<!tpu.dma_semaphore, #tpu.memory_space<semaphore_mem>>) src(%arg7 : memref<50000xf32, #tpu.memory_space<vmem>>) dst(%dma_wait3A_917 : memref<50000xf32, #tpu.memory_space<hbm>>)
    %add3A_918 = arith.constant 1650000 : i32
    %add3A_919 = arith.addi %mul3A_2, %add3A_918 : i32
    %dma_start3A_920 = arith.constant 1 : i32
    %dma_start3A_921 = tpu.memref_slice %arg2[%add3A_919] : memref<64000000xf32, #tpu.memory_space<hbm>> -> memref<50000xf32, #tpu.memory_space<hbm>>
    %dma_start3A_922 = tpu.memref_slice %arg8[%dma_start3A_920] : memref<2x!tpu.dma_semaphore, #tpu.memory_space<semaphore_mem>> -> memref<1x!tpu.dma_semaphore, #tpu.memory_space<semaphore_mem>>
    %dma_start3A_923 = tpu.memref_squeeze %dma_start3A_922 : memref<1x!tpu.dma_semaphore, #tpu.memory_space<semaphore_mem>> -> memref<!tpu.dma_semaphore, #tpu.memory_space<semaphore_mem>>
    %dma_start3A_924 = tpu.memref_slice %arg2[%add3A_919] : memref<64000000xf32, #tpu.memory_space<hbm>> -> memref<50000xf32, #tpu.memory_space<hbm>>
    tpu.enqueue_dma source(%dma_start3A_924 : memref<50000xf32, #tpu.memory_space<hbm>>) target(%arg7 : memref<50000xf32, #tpu.memory_space<vmem>>) target_semaphore(%dma_start3A_923 : memref<!tpu.dma_semaphore, #tpu.memory_space<semaphore_mem>>)
    %add3A_925 = arith.constant 1650000 : i32
    %add3A_926 = arith.addi %mul3A_2, %add3A_925 : i32
    %dma_wait3A_927 = arith.constant 1 : i32
    %dma_wait3A_928 = tpu.memref_slice %arg2[%add3A_926] : memref<64000000xf32, #tpu.memory_space<hbm>> -> memref<50000xf32, #tpu.memory_space<hbm>>
    %dma_wait3A_929 = tpu.memref_slice %arg8[%dma_wait3A_927] : memref<2x!tpu.dma_semaphore, #tpu.memory_space<semaphore_mem>> -> memref<1x!tpu.dma_semaphore, #tpu.memory_space<semaphore_mem>>
    %dma_wait3A_930 = tpu.memref_squeeze %dma_wait3A_929 : memref<1x!tpu.dma_semaphore, #tpu.memory_space<semaphore_mem>> -> memref<!tpu.dma_semaphore, #tpu.memory_space<semaphore_mem>>
    %dma_wait3A_931 = tpu.memref_slice %arg2[%add3A_926] : memref<64000000xf32, #tpu.memory_space<hbm>> -> memref<50000xf32, #tpu.memory_space<hbm>>
    tpu.wait_dma2 semaphore(%dma_wait3A_930 : memref<!tpu.dma_semaphore, #tpu.memory_space<semaphore_mem>>) src(%dma_wait3A_931 : memref<50000xf32, #tpu.memory_space<hbm>>) dst(%arg7 : memref<50000xf32, #tpu.memory_space<vmem>>)
    %add3A_932 = arith.constant 1650000 : i32
    %add3A_933 = arith.addi %mul3A_2, %add3A_932 : i32
    %dma_start3A_934 = arith.constant 1 : i32
    %dma_start3A_935 = tpu.memref_slice %arg4[%add3A_933] : memref<64000000xf32, #tpu.memory_space<hbm>> -> memref<50000xf32, #tpu.memory_space<hbm>>
    %dma_start3A_936 = tpu.memref_slice %arg9[%dma_start3A_934] : memref<2x!tpu.dma_semaphore, #tpu.memory_space<semaphore_mem>> -> memref<1x!tpu.dma_semaphore, #tpu.memory_space<semaphore_mem>>
    %dma_start3A_937 = tpu.memref_squeeze %dma_start3A_936 : memref<1x!tpu.dma_semaphore, #tpu.memory_space<semaphore_mem>> -> memref<!tpu.dma_semaphore, #tpu.memory_space<semaphore_mem>>
    %dma_start3A_938 = tpu.memref_slice %arg4[%add3A_933] : memref<64000000xf32, #tpu.memory_space<hbm>> -> memref<50000xf32, #tpu.memory_space<hbm>>
    tpu.enqueue_dma source(%arg7 : memref<50000xf32, #tpu.memory_space<vmem>>) target(%dma_start3A_938 : memref<50000xf32, #tpu.memory_space<hbm>>) target_semaphore(%dma_start3A_937 : memref<!tpu.dma_semaphore, #tpu.memory_space<semaphore_mem>>)
    %add3A_939 = arith.constant 1600000 : i32
    %add3A_940 = arith.addi %mul3A_2, %add3A_939 : i32
    %dma_wait3A_941 = arith.constant 0 : i32
    %dma_wait3A_942 = tpu.memref_slice %arg4[%add3A_940] : memref<64000000xf32, #tpu.memory_space<hbm>> -> memref<50000xf32, #tpu.memory_space<hbm>>
    %dma_wait3A_943 = tpu.memref_slice %arg9[%dma_wait3A_941] : memref<2x!tpu.dma_semaphore, #tpu.memory_space<semaphore_mem>> -> memref<1x!tpu.dma_semaphore, #tpu.memory_space<semaphore_mem>>
    %dma_wait3A_944 = tpu.memref_squeeze %dma_wait3A_943 : memref<1x!tpu.dma_semaphore, #tpu.memory_space<semaphore_mem>> -> memref<!tpu.dma_semaphore, #tpu.memory_space<semaphore_mem>>
    %dma_wait3A_945 = tpu.memref_slice %arg4[%add3A_940] : memref<64000000xf32, #tpu.memory_space<hbm>> -> memref<50000xf32, #tpu.memory_space<hbm>>
    tpu.wait_dma2 semaphore(%dma_wait3A_944 : memref<!tpu.dma_semaphore, #tpu.memory_space<semaphore_mem>>) src(%arg6 : memref<50000xf32, #tpu.memory_space<vmem>>) dst(%dma_wait3A_945 : memref<50000xf32, #tpu.memory_space<hbm>>)
    %add3A_946 = arith.constant 1700000 : i32
    %add3A_947 = arith.addi %mul3A_2, %add3A_946 : i32
    %dma_start3A_948 = arith.constant 0 : i32
    %dma_start3A_949 = tpu.memref_slice %arg2[%add3A_947] : memref<64000000xf32, #tpu.memory_space<hbm>> -> memref<50000xf32, #tpu.memory_space<hbm>>
    %dma_start3A_950 = tpu.memref_slice %arg8[%dma_start3A_948] : memref<2x!tpu.dma_semaphore, #tpu.memory_space<semaphore_mem>> -> memref<1x!tpu.dma_semaphore, #tpu.memory_space<semaphore_mem>>
    %dma_start3A_951 = tpu.memref_squeeze %dma_start3A_950 : memref<1x!tpu.dma_semaphore, #tpu.memory_space<semaphore_mem>> -> memref<!tpu.dma_semaphore, #tpu.memory_space<semaphore_mem>>
    %dma_start3A_952 = tpu.memref_slice %arg2[%add3A_947] : memref<64000000xf32, #tpu.memory_space<hbm>> -> memref<50000xf32, #tpu.memory_space<hbm>>
    tpu.enqueue_dma source(%dma_start3A_952 : memref<50000xf32, #tpu.memory_space<hbm>>) target(%arg6 : memref<50000xf32, #tpu.memory_space<vmem>>) target_semaphore(%dma_start3A_951 : memref<!tpu.dma_semaphore, #tpu.memory_space<semaphore_mem>>)
    %add3A_953 = arith.constant 1700000 : i32
    %add3A_954 = arith.addi %mul3A_2, %add3A_953 : i32
    %dma_wait3A_955 = arith.constant 0 : i32
    %dma_wait3A_956 = tpu.memref_slice %arg2[%add3A_954] : memref<64000000xf32, #tpu.memory_space<hbm>> -> memref<50000xf32, #tpu.memory_space<hbm>>
    %dma_wait3A_957 = tpu.memref_slice %arg8[%dma_wait3A_955] : memref<2x!tpu.dma_semaphore, #tpu.memory_space<semaphore_mem>> -> memref<1x!tpu.dma_semaphore, #tpu.memory_space<semaphore_mem>>
    %dma_wait3A_958 = tpu.memref_squeeze %dma_wait3A_957 : memref<1x!tpu.dma_semaphore, #tpu.memory_space<semaphore_mem>> -> memref<!tpu.dma_semaphore, #tpu.memory_space<semaphore_mem>>
    %dma_wait3A_959 = tpu.memref_slice %arg2[%add3A_954] : memref<64000000xf32, #tpu.memory_space<hbm>> -> memref<50000xf32, #tpu.memory_space<hbm>>
    tpu.wait_dma2 semaphore(%dma_wait3A_958 : memref<!tpu.dma_semaphore, #tpu.memory_space<semaphore_mem>>) src(%dma_wait3A_959 : memref<50000xf32, #tpu.memory_space<hbm>>) dst(%arg6 : memref<50000xf32, #tpu.memory_space<vmem>>)
    %add3A_960 = arith.constant 1700000 : i32
    %add3A_961 = arith.addi %mul3A_2, %add3A_960 : i32
    %dma_start3A_962 = arith.constant 0 : i32
    %dma_start3A_963 = tpu.memref_slice %arg4[%add3A_961] : memref<64000000xf32, #tpu.memory_space<hbm>> -> memref<50000xf32, #tpu.memory_space<hbm>>
    %dma_start3A_964 = tpu.memref_slice %arg9[%dma_start3A_962] : memref<2x!tpu.dma_semaphore, #tpu.memory_space<semaphore_mem>> -> memref<1x!tpu.dma_semaphore, #tpu.memory_space<semaphore_mem>>
    %dma_start3A_965 = tpu.memref_squeeze %dma_start3A_964 : memref<1x!tpu.dma_semaphore, #tpu.memory_space<semaphore_mem>> -> memref<!tpu.dma_semaphore, #tpu.memory_space<semaphore_mem>>
    %dma_start3A_966 = tpu.memref_slice %arg4[%add3A_961] : memref<64000000xf32, #tpu.memory_space<hbm>> -> memref<50000xf32, #tpu.memory_space<hbm>>
    tpu.enqueue_dma source(%arg6 : memref<50000xf32, #tpu.memory_space<vmem>>) target(%dma_start3A_966 : memref<50000xf32, #tpu.memory_space<hbm>>) target_semaphore(%dma_start3A_965 : memref<!tpu.dma_semaphore, #tpu.memory_space<semaphore_mem>>)
    %add3A_967 = arith.constant 1650000 : i32
    %add3A_968 = arith.addi %mul3A_2, %add3A_967 : i32
    %dma_wait3A_969 = arith.constant 1 : i32
    %dma_wait3A_970 = tpu.memref_slice %arg4[%add3A_968] : memref<64000000xf32, #tpu.memory_space<hbm>> -> memref<50000xf32, #tpu.memory_space<hbm>>
    %dma_wait3A_971 = tpu.memref_slice %arg9[%dma_wait3A_969] : memref<2x!tpu.dma_semaphore, #tpu.memory_space<semaphore_mem>> -> memref<1x!tpu.dma_semaphore, #tpu.memory_space<semaphore_mem>>
    %dma_wait3A_972 = tpu.memref_squeeze %dma_wait3A_971 : memref<1x!tpu.dma_semaphore, #tpu.memory_space<semaphore_mem>> -> memref<!tpu.dma_semaphore, #tpu.memory_space<semaphore_mem>>
    %dma_wait3A_973 = tpu.memref_slice %arg4[%add3A_968] : memref<64000000xf32, #tpu.memory_space<hbm>> -> memref<50000xf32, #tpu.memory_space<hbm>>
    tpu.wait_dma2 semaphore(%dma_wait3A_972 : memref<!tpu.dma_semaphore, #tpu.memory_space<semaphore_mem>>) src(%arg7 : memref<50000xf32, #tpu.memory_space<vmem>>) dst(%dma_wait3A_973 : memref<50000xf32, #tpu.memory_space<hbm>>)
    %add3A_974 = arith.constant 1750000 : i32
    %add3A_975 = arith.addi %mul3A_2, %add3A_974 : i32
    %dma_start3A_976 = arith.constant 1 : i32
    %dma_start3A_977 = tpu.memref_slice %arg2[%add3A_975] : memref<64000000xf32, #tpu.memory_space<hbm>> -> memref<50000xf32, #tpu.memory_space<hbm>>
    %dma_start3A_978 = tpu.memref_slice %arg8[%dma_start3A_976] : memref<2x!tpu.dma_semaphore, #tpu.memory_space<semaphore_mem>> -> memref<1x!tpu.dma_semaphore, #tpu.memory_space<semaphore_mem>>
    %dma_start3A_979 = tpu.memref_squeeze %dma_start3A_978 : memref<1x!tpu.dma_semaphore, #tpu.memory_space<semaphore_mem>> -> memref<!tpu.dma_semaphore, #tpu.memory_space<semaphore_mem>>
    %dma_start3A_980 = tpu.memref_slice %arg2[%add3A_975] : memref<64000000xf32, #tpu.memory_space<hbm>> -> memref<50000xf32, #tpu.memory_space<hbm>>
    tpu.enqueue_dma source(%dma_start3A_980 : memref<50000xf32, #tpu.memory_space<hbm>>) target(%arg7 : memref<50000xf32, #tpu.memory_space<vmem>>) target_semaphore(%dma_start3A_979 : memref<!tpu.dma_semaphore, #tpu.memory_space<semaphore_mem>>)
    %add3A_981 = arith.constant 1750000 : i32
    %add3A_982 = arith.addi %mul3A_2, %add3A_981 : i32
    %dma_wait3A_983 = arith.constant 1 : i32
    %dma_wait3A_984 = tpu.memref_slice %arg2[%add3A_982] : memref<64000000xf32, #tpu.memory_space<hbm>> -> memref<50000xf32, #tpu.memory_space<hbm>>
    %dma_wait3A_985 = tpu.memref_slice %arg8[%dma_wait3A_983] : memref<2x!tpu.dma_semaphore, #tpu.memory_space<semaphore_mem>> -> memref<1x!tpu.dma_semaphore, #tpu.memory_space<semaphore_mem>>
    %dma_wait3A_986 = tpu.memref_squeeze %dma_wait3A_985 : memref<1x!tpu.dma_semaphore, #tpu.memory_space<semaphore_mem>> -> memref<!tpu.dma_semaphore, #tpu.memory_space<semaphore_mem>>
    %dma_wait3A_987 = tpu.memref_slice %arg2[%add3A_982] : memref<64000000xf32, #tpu.memory_space<hbm>> -> memref<50000xf32, #tpu.memory_space<hbm>>
    tpu.wait_dma2 semaphore(%dma_wait3A_986 : memref<!tpu.dma_semaphore, #tpu.memory_space<semaphore_mem>>) src(%dma_wait3A_987 : memref<50000xf32, #tpu.memory_space<hbm>>) dst(%arg7 : memref<50000xf32, #tpu.memory_space<vmem>>)
    %add3A_988 = arith.constant 1750000 : i32
    %add3A_989 = arith.addi %mul3A_2, %add3A_988 : i32
    %dma_start3A_990 = arith.constant 1 : i32
    %dma_start3A_991 = tpu.memref_slice %arg4[%add3A_989] : memref<64000000xf32, #tpu.memory_space<hbm>> -> memref<50000xf32, #tpu.memory_space<hbm>>
    %dma_start3A_992 = tpu.memref_slice %arg9[%dma_start3A_990] : memref<2x!tpu.dma_semaphore, #tpu.memory_space<semaphore_mem>> -> memref<1x!tpu.dma_semaphore, #tpu.memory_space<semaphore_mem>>
    %dma_start3A_993 = tpu.memref_squeeze %dma_start3A_992 : memref<1x!tpu.dma_semaphore, #tpu.memory_space<semaphore_mem>> -> memref<!tpu.dma_semaphore, #tpu.memory_space<semaphore_mem>>
    %dma_start3A_994 = tpu.memref_slice %arg4[%add3A_989] : memref<64000000xf32, #tpu.memory_space<hbm>> -> memref<50000xf32, #tpu.memory_space<hbm>>
    tpu.enqueue_dma source(%arg7 : memref<50000xf32, #tpu.memory_space<vmem>>) target(%dma_start3A_994 : memref<50000xf32, #tpu.memory_space<hbm>>) target_semaphore(%dma_start3A_993 : memref<!tpu.dma_semaphore, #tpu.memory_space<semaphore_mem>>)
    %add3A_995 = arith.constant 1700000 : i32
    %add3A_996 = arith.addi %mul3A_2, %add3A_995 : i32
    %dma_wait3A_997 = arith.constant 0 : i32
    %dma_wait3A_998 = tpu.memref_slice %arg4[%add3A_996] : memref<64000000xf32, #tpu.memory_space<hbm>> -> memref<50000xf32, #tpu.memory_space<hbm>>
    %dma_wait3A_999 = tpu.memref_slice %arg9[%dma_wait3A_997] : memref<2x!tpu.dma_semaphore, #tpu.memory_space<semaphore_mem>> -> memref<1x!tpu.dma_semaphore, #tpu.memory_space<semaphore_mem>>
    %dma_wait3A_1000 = tpu.memref_squeeze %dma_wait3A_999 : memref<1x!tpu.dma_semaphore, #tpu.memory_space<semaphore_mem>> -> memref<!tpu.dma_semaphore, #tpu.memory_space<semaphore_mem>>
    %dma_wait3A_1001 = tpu.memref_slice %arg4[%add3A_996] : memref<64000000xf32, #tpu.memory_space<hbm>> -> memref<50000xf32, #tpu.memory_space<hbm>>
    tpu.wait_dma2 semaphore(%dma_wait3A_1000 : memref<!tpu.dma_semaphore, #tpu.memory_space<semaphore_mem>>) src(%arg6 : memref<50000xf32, #tpu.memory_space<vmem>>) dst(%dma_wait3A_1001 : memref<50000xf32, #tpu.memory_space<hbm>>)
    %add3A_1002 = arith.constant 1800000 : i32
    %add3A_1003 = arith.addi %mul3A_2, %add3A_1002 : i32
    %dma_start3A_1004 = arith.constant 0 : i32
    %dma_start3A_1005 = tpu.memref_slice %arg2[%add3A_1003] : memref<64000000xf32, #tpu.memory_space<hbm>> -> memref<50000xf32, #tpu.memory_space<hbm>>
    %dma_start3A_1006 = tpu.memref_slice %arg8[%dma_start3A_1004] : memref<2x!tpu.dma_semaphore, #tpu.memory_space<semaphore_mem>> -> memref<1x!tpu.dma_semaphore, #tpu.memory_space<semaphore_mem>>
    %dma_start3A_1007 = tpu.memref_squeeze %dma_start3A_1006 : memref<1x!tpu.dma_semaphore, #tpu.memory_space<semaphore_mem>> -> memref<!tpu.dma_semaphore, #tpu.memory_space<semaphore_mem>>
    %dma_start3A_1008 = tpu.memref_slice %arg2[%add3A_1003] : memref<64000000xf32, #tpu.memory_space<hbm>> -> memref<50000xf32, #tpu.memory_space<hbm>>
    tpu.enqueue_dma source(%dma_start3A_1008 : memref<50000xf32, #tpu.memory_space<hbm>>) target(%arg6 : memref<50000xf32, #tpu.memory_space<vmem>>) target_semaphore(%dma_start3A_1007 : memref<!tpu.dma_semaphore, #tpu.memory_space<semaphore_mem>>)
    %add3A_1009 = arith.constant 1800000 : i32
    %add3A_1010 = arith.addi %mul3A_2, %add3A_1009 : i32
    %dma_wait3A_1011 = arith.constant 0 : i32
    %dma_wait3A_1012 = tpu.memref_slice %arg2[%add3A_1010] : memref<64000000xf32, #tpu.memory_space<hbm>> -> memref<50000xf32, #tpu.memory_space<hbm>>
    %dma_wait3A_1013 = tpu.memref_slice %arg8[%dma_wait3A_1011] : memref<2x!tpu.dma_semaphore, #tpu.memory_space<semaphore_mem>> -> memref<1x!tpu.dma_semaphore, #tpu.memory_space<semaphore_mem>>
    %dma_wait3A_1014 = tpu.memref_squeeze %dma_wait3A_1013 : memref<1x!tpu.dma_semaphore, #tpu.memory_space<semaphore_mem>> -> memref<!tpu.dma_semaphore, #tpu.memory_space<semaphore_mem>>
    %dma_wait3A_1015 = tpu.memref_slice %arg2[%add3A_1010] : memref<64000000xf32, #tpu.memory_space<hbm>> -> memref<50000xf32, #tpu.memory_space<hbm>>
    tpu.wait_dma2 semaphore(%dma_wait3A_1014 : memref<!tpu.dma_semaphore, #tpu.memory_space<semaphore_mem>>) src(%dma_wait3A_1015 : memref<50000xf32, #tpu.memory_space<hbm>>) dst(%arg6 : memref<50000xf32, #tpu.memory_space<vmem>>)
    %add3A_1016 = arith.constant 1800000 : i32
    %add3A_1017 = arith.addi %mul3A_2, %add3A_1016 : i32
    %dma_start3A_1018 = arith.constant 0 : i32
    %dma_start3A_1019 = tpu.memref_slice %arg4[%add3A_1017] : memref<64000000xf32, #tpu.memory_space<hbm>> -> memref<50000xf32, #tpu.memory_space<hbm>>
    %dma_start3A_1020 = tpu.memref_slice %arg9[%dma_start3A_1018] : memref<2x!tpu.dma_semaphore, #tpu.memory_space<semaphore_mem>> -> memref<1x!tpu.dma_semaphore, #tpu.memory_space<semaphore_mem>>
    %dma_start3A_1021 = tpu.memref_squeeze %dma_start3A_1020 : memref<1x!tpu.dma_semaphore, #tpu.memory_space<semaphore_mem>> -> memref<!tpu.dma_semaphore, #tpu.memory_space<semaphore_mem>>
    %dma_start3A_1022 = tpu.memref_slice %arg4[%add3A_1017] : memref<64000000xf32, #tpu.memory_space<hbm>> -> memref<50000xf32, #tpu.memory_space<hbm>>
    tpu.enqueue_dma source(%arg6 : memref<50000xf32, #tpu.memory_space<vmem>>) target(%dma_start3A_1022 : memref<50000xf32, #tpu.memory_space<hbm>>) target_semaphore(%dma_start3A_1021 : memref<!tpu.dma_semaphore, #tpu.memory_space<semaphore_mem>>)
    %add3A_1023 = arith.constant 1750000 : i32
    %add3A_1024 = arith.addi %mul3A_2, %add3A_1023 : i32
    %dma_wait3A_1025 = arith.constant 1 : i32
    %dma_wait3A_1026 = tpu.memref_slice %arg4[%add3A_1024] : memref<64000000xf32, #tpu.memory_space<hbm>> -> memref<50000xf32, #tpu.memory_space<hbm>>
    %dma_wait3A_1027 = tpu.memref_slice %arg9[%dma_wait3A_1025] : memref<2x!tpu.dma_semaphore, #tpu.memory_space<semaphore_mem>> -> memref<1x!tpu.dma_semaphore, #tpu.memory_space<semaphore_mem>>
    %dma_wait3A_1028 = tpu.memref_squeeze %dma_wait3A_1027 : memref<1x!tpu.dma_semaphore, #tpu.memory_space<semaphore_mem>> -> memref<!tpu.dma_semaphore, #tpu.memory_space<semaphore_mem>>
    %dma_wait3A_1029 = tpu.memref_slice %arg4[%add3A_1024] : memref<64000000xf32, #tpu.memory_space<hbm>> -> memref<50000xf32, #tpu.memory_space<hbm>>
    tpu.wait_dma2 semaphore(%dma_wait3A_1028 : memref<!tpu.dma_semaphore, #tpu.memory_space<semaphore_mem>>) src(%arg7 : memref<50000xf32, #tpu.memory_space<vmem>>) dst(%dma_wait3A_1029 : memref<50000xf32, #tpu.memory_space<hbm>>)
    %add3A_1030 = arith.constant 1850000 : i32
    %add3A_1031 = arith.addi %mul3A_2, %add3A_1030 : i32
    %dma_start3A_1032 = arith.constant 1 : i32
    %dma_start3A_1033 = tpu.memref_slice %arg2[%add3A_1031] : memref<64000000xf32, #tpu.memory_space<hbm>> -> memref<50000xf32, #tpu.memory_space<hbm>>
    %dma_start3A_1034 = tpu.memref_slice %arg8[%dma_start3A_1032] : memref<2x!tpu.dma_semaphore, #tpu.memory_space<semaphore_mem>> -> memref<1x!tpu.dma_semaphore, #tpu.memory_space<semaphore_mem>>
    %dma_start3A_1035 = tpu.memref_squeeze %dma_start3A_1034 : memref<1x!tpu.dma_semaphore, #tpu.memory_space<semaphore_mem>> -> memref<!tpu.dma_semaphore, #tpu.memory_space<semaphore_mem>>
    %dma_start3A_1036 = tpu.memref_slice %arg2[%add3A_1031] : memref<64000000xf32, #tpu.memory_space<hbm>> -> memref<50000xf32, #tpu.memory_space<hbm>>
    tpu.enqueue_dma source(%dma_start3A_1036 : memref<50000xf32, #tpu.memory_space<hbm>>) target(%arg7 : memref<50000xf32, #tpu.memory_space<vmem>>) target_semaphore(%dma_start3A_1035 : memref<!tpu.dma_semaphore, #tpu.memory_space<semaphore_mem>>)
    %add3A_1037 = arith.constant 1850000 : i32
    %add3A_1038 = arith.addi %mul3A_2, %add3A_1037 : i32
    %dma_wait3A_1039 = arith.constant 1 : i32
    %dma_wait3A_1040 = tpu.memref_slice %arg2[%add3A_1038] : memref<64000000xf32, #tpu.memory_space<hbm>> -> memref<50000xf32, #tpu.memory_space<hbm>>
    %dma_wait3A_1041 = tpu.memref_slice %arg8[%dma_wait3A_1039] : memref<2x!tpu.dma_semaphore, #tpu.memory_space<semaphore_mem>> -> memref<1x!tpu.dma_semaphore, #tpu.memory_space<semaphore_mem>>
    %dma_wait3A_1042 = tpu.memref_squeeze %dma_wait3A_1041 : memref<1x!tpu.dma_semaphore, #tpu.memory_space<semaphore_mem>> -> memref<!tpu.dma_semaphore, #tpu.memory_space<semaphore_mem>>
    %dma_wait3A_1043 = tpu.memref_slice %arg2[%add3A_1038] : memref<64000000xf32, #tpu.memory_space<hbm>> -> memref<50000xf32, #tpu.memory_space<hbm>>
    tpu.wait_dma2 semaphore(%dma_wait3A_1042 : memref<!tpu.dma_semaphore, #tpu.memory_space<semaphore_mem>>) src(%dma_wait3A_1043 : memref<50000xf32, #tpu.memory_space<hbm>>) dst(%arg7 : memref<50000xf32, #tpu.memory_space<vmem>>)
    %add3A_1044 = arith.constant 1850000 : i32
    %add3A_1045 = arith.addi %mul3A_2, %add3A_1044 : i32
    %dma_start3A_1046 = arith.constant 1 : i32
    %dma_start3A_1047 = tpu.memref_slice %arg4[%add3A_1045] : memref<64000000xf32, #tpu.memory_space<hbm>> -> memref<50000xf32, #tpu.memory_space<hbm>>
    %dma_start3A_1048 = tpu.memref_slice %arg9[%dma_start3A_1046] : memref<2x!tpu.dma_semaphore, #tpu.memory_space<semaphore_mem>> -> memref<1x!tpu.dma_semaphore, #tpu.memory_space<semaphore_mem>>
    %dma_start3A_1049 = tpu.memref_squeeze %dma_start3A_1048 : memref<1x!tpu.dma_semaphore, #tpu.memory_space<semaphore_mem>> -> memref<!tpu.dma_semaphore, #tpu.memory_space<semaphore_mem>>
    %dma_start3A_1050 = tpu.memref_slice %arg4[%add3A_1045] : memref<64000000xf32, #tpu.memory_space<hbm>> -> memref<50000xf32, #tpu.memory_space<hbm>>
    tpu.enqueue_dma source(%arg7 : memref<50000xf32, #tpu.memory_space<vmem>>) target(%dma_start3A_1050 : memref<50000xf32, #tpu.memory_space<hbm>>) target_semaphore(%dma_start3A_1049 : memref<!tpu.dma_semaphore, #tpu.memory_space<semaphore_mem>>)
    %add3A_1051 = arith.constant 1800000 : i32
    %add3A_1052 = arith.addi %mul3A_2, %add3A_1051 : i32
    %dma_wait3A_1053 = arith.constant 0 : i32
    %dma_wait3A_1054 = tpu.memref_slice %arg4[%add3A_1052] : memref<64000000xf32, #tpu.memory_space<hbm>> -> memref<50000xf32, #tpu.memory_space<hbm>>
    %dma_wait3A_1055 = tpu.memref_slice %arg9[%dma_wait3A_1053] : memref<2x!tpu.dma_semaphore, #tpu.memory_space<semaphore_mem>> -> memref<1x!tpu.dma_semaphore, #tpu.memory_space<semaphore_mem>>
    %dma_wait3A_1056 = tpu.memref_squeeze %dma_wait3A_1055 : memref<1x!tpu.dma_semaphore, #tpu.memory_space<semaphore_mem>> -> memref<!tpu.dma_semaphore, #tpu.memory_space<semaphore_mem>>
    %dma_wait3A_1057 = tpu.memref_slice %arg4[%add3A_1052] : memref<64000000xf32, #tpu.memory_space<hbm>> -> memref<50000xf32, #tpu.memory_space<hbm>>
    tpu.wait_dma2 semaphore(%dma_wait3A_1056 : memref<!tpu.dma_semaphore, #tpu.memory_space<semaphore_mem>>) src(%arg6 : memref<50000xf32, #tpu.memory_space<vmem>>) dst(%dma_wait3A_1057 : memref<50000xf32, #tpu.memory_space<hbm>>)
    %add3A_1058 = arith.constant 1900000 : i32
    %add3A_1059 = arith.addi %mul3A_2, %add3A_1058 : i32
    %dma_start3A_1060 = arith.constant 0 : i32
    %dma_start3A_1061 = tpu.memref_slice %arg2[%add3A_1059] : memref<64000000xf32, #tpu.memory_space<hbm>> -> memref<50000xf32, #tpu.memory_space<hbm>>
    %dma_start3A_1062 = tpu.memref_slice %arg8[%dma_start3A_1060] : memref<2x!tpu.dma_semaphore, #tpu.memory_space<semaphore_mem>> -> memref<1x!tpu.dma_semaphore, #tpu.memory_space<semaphore_mem>>
    %dma_start3A_1063 = tpu.memref_squeeze %dma_start3A_1062 : memref<1x!tpu.dma_semaphore, #tpu.memory_space<semaphore_mem>> -> memref<!tpu.dma_semaphore, #tpu.memory_space<semaphore_mem>>
    %dma_start3A_1064 = tpu.memref_slice %arg2[%add3A_1059] : memref<64000000xf32, #tpu.memory_space<hbm>> -> memref<50000xf32, #tpu.memory_space<hbm>>
    tpu.enqueue_dma source(%dma_start3A_1064 : memref<50000xf32, #tpu.memory_space<hbm>>) target(%arg6 : memref<50000xf32, #tpu.memory_space<vmem>>) target_semaphore(%dma_start3A_1063 : memref<!tpu.dma_semaphore, #tpu.memory_space<semaphore_mem>>)
    %add3A_1065 = arith.constant 1900000 : i32
    %add3A_1066 = arith.addi %mul3A_2, %add3A_1065 : i32
    %dma_wait3A_1067 = arith.constant 0 : i32
    %dma_wait3A_1068 = tpu.memref_slice %arg2[%add3A_1066] : memref<64000000xf32, #tpu.memory_space<hbm>> -> memref<50000xf32, #tpu.memory_space<hbm>>
    %dma_wait3A_1069 = tpu.memref_slice %arg8[%dma_wait3A_1067] : memref<2x!tpu.dma_semaphore, #tpu.memory_space<semaphore_mem>> -> memref<1x!tpu.dma_semaphore, #tpu.memory_space<semaphore_mem>>
    %dma_wait3A_1070 = tpu.memref_squeeze %dma_wait3A_1069 : memref<1x!tpu.dma_semaphore, #tpu.memory_space<semaphore_mem>> -> memref<!tpu.dma_semaphore, #tpu.memory_space<semaphore_mem>>
    %dma_wait3A_1071 = tpu.memref_slice %arg2[%add3A_1066] : memref<64000000xf32, #tpu.memory_space<hbm>> -> memref<50000xf32, #tpu.memory_space<hbm>>
    tpu.wait_dma2 semaphore(%dma_wait3A_1070 : memref<!tpu.dma_semaphore, #tpu.memory_space<semaphore_mem>>) src(%dma_wait3A_1071 : memref<50000xf32, #tpu.memory_space<hbm>>) dst(%arg6 : memref<50000xf32, #tpu.memory_space<vmem>>)
    %add3A_1072 = arith.constant 1900000 : i32
    %add3A_1073 = arith.addi %mul3A_2, %add3A_1072 : i32
    %dma_start3A_1074 = arith.constant 0 : i32
    %dma_start3A_1075 = tpu.memref_slice %arg4[%add3A_1073] : memref<64000000xf32, #tpu.memory_space<hbm>> -> memref<50000xf32, #tpu.memory_space<hbm>>
    %dma_start3A_1076 = tpu.memref_slice %arg9[%dma_start3A_1074] : memref<2x!tpu.dma_semaphore, #tpu.memory_space<semaphore_mem>> -> memref<1x!tpu.dma_semaphore, #tpu.memory_space<semaphore_mem>>
    %dma_start3A_1077 = tpu.memref_squeeze %dma_start3A_1076 : memref<1x!tpu.dma_semaphore, #tpu.memory_space<semaphore_mem>> -> memref<!tpu.dma_semaphore, #tpu.memory_space<semaphore_mem>>
    %dma_start3A_1078 = tpu.memref_slice %arg4[%add3A_1073] : memref<64000000xf32, #tpu.memory_space<hbm>> -> memref<50000xf32, #tpu.memory_space<hbm>>
    tpu.enqueue_dma source(%arg6 : memref<50000xf32, #tpu.memory_space<vmem>>) target(%dma_start3A_1078 : memref<50000xf32, #tpu.memory_space<hbm>>) target_semaphore(%dma_start3A_1077 : memref<!tpu.dma_semaphore, #tpu.memory_space<semaphore_mem>>)
    %add3A_1079 = arith.constant 1850000 : i32
    %add3A_1080 = arith.addi %mul3A_2, %add3A_1079 : i32
    %dma_wait3A_1081 = arith.constant 1 : i32
    %dma_wait3A_1082 = tpu.memref_slice %arg4[%add3A_1080] : memref<64000000xf32, #tpu.memory_space<hbm>> -> memref<50000xf32, #tpu.memory_space<hbm>>
    %dma_wait3A_1083 = tpu.memref_slice %arg9[%dma_wait3A_1081] : memref<2x!tpu.dma_semaphore, #tpu.memory_space<semaphore_mem>> -> memref<1x!tpu.dma_semaphore, #tpu.memory_space<semaphore_mem>>
    %dma_wait3A_1084 = tpu.memref_squeeze %dma_wait3A_1083 : memref<1x!tpu.dma_semaphore, #tpu.memory_space<semaphore_mem>> -> memref<!tpu.dma_semaphore, #tpu.memory_space<semaphore_mem>>
    %dma_wait3A_1085 = tpu.memref_slice %arg4[%add3A_1080] : memref<64000000xf32, #tpu.memory_space<hbm>> -> memref<50000xf32, #tpu.memory_space<hbm>>
    tpu.wait_dma2 semaphore(%dma_wait3A_1084 : memref<!tpu.dma_semaphore, #tpu.memory_space<semaphore_mem>>) src(%arg7 : memref<50000xf32, #tpu.memory_space<vmem>>) dst(%dma_wait3A_1085 : memref<50000xf32, #tpu.memory_space<hbm>>)
    %add3A_1086 = arith.constant 1950000 : i32
    %add3A_1087 = arith.addi %mul3A_2, %add3A_1086 : i32
    %dma_start3A_1088 = arith.constant 1 : i32
    %dma_start3A_1089 = tpu.memref_slice %arg2[%add3A_1087] : memref<64000000xf32, #tpu.memory_space<hbm>> -> memref<50000xf32, #tpu.memory_space<hbm>>
    %dma_start3A_1090 = tpu.memref_slice %arg8[%dma_start3A_1088] : memref<2x!tpu.dma_semaphore, #tpu.memory_space<semaphore_mem>> -> memref<1x!tpu.dma_semaphore, #tpu.memory_space<semaphore_mem>>
    %dma_start3A_1091 = tpu.memref_squeeze %dma_start3A_1090 : memref<1x!tpu.dma_semaphore, #tpu.memory_space<semaphore_mem>> -> memref<!tpu.dma_semaphore, #tpu.memory_space<semaphore_mem>>
    %dma_start3A_1092 = tpu.memref_slice %arg2[%add3A_1087] : memref<64000000xf32, #tpu.memory_space<hbm>> -> memref<50000xf32, #tpu.memory_space<hbm>>
    tpu.enqueue_dma source(%dma_start3A_1092 : memref<50000xf32, #tpu.memory_space<hbm>>) target(%arg7 : memref<50000xf32, #tpu.memory_space<vmem>>) target_semaphore(%dma_start3A_1091 : memref<!tpu.dma_semaphore, #tpu.memory_space<semaphore_mem>>)
    %add3A_1093 = arith.constant 1950000 : i32
    %add3A_1094 = arith.addi %mul3A_2, %add3A_1093 : i32
    %dma_wait3A_1095 = arith.constant 1 : i32
    %dma_wait3A_1096 = tpu.memref_slice %arg2[%add3A_1094] : memref<64000000xf32, #tpu.memory_space<hbm>> -> memref<50000xf32, #tpu.memory_space<hbm>>
    %dma_wait3A_1097 = tpu.memref_slice %arg8[%dma_wait3A_1095] : memref<2x!tpu.dma_semaphore, #tpu.memory_space<semaphore_mem>> -> memref<1x!tpu.dma_semaphore, #tpu.memory_space<semaphore_mem>>
    %dma_wait3A_1098 = tpu.memref_squeeze %dma_wait3A_1097 : memref<1x!tpu.dma_semaphore, #tpu.memory_space<semaphore_mem>> -> memref<!tpu.dma_semaphore, #tpu.memory_space<semaphore_mem>>
    %dma_wait3A_1099 = tpu.memref_slice %arg2[%add3A_1094] : memref<64000000xf32, #tpu.memory_space<hbm>> -> memref<50000xf32, #tpu.memory_space<hbm>>
    tpu.wait_dma2 semaphore(%dma_wait3A_1098 : memref<!tpu.dma_semaphore, #tpu.memory_space<semaphore_mem>>) src(%dma_wait3A_1099 : memref<50000xf32, #tpu.memory_space<hbm>>) dst(%arg7 : memref<50000xf32, #tpu.memory_space<vmem>>)
    %add3A_1100 = arith.constant 1950000 : i32
    %add3A_1101 = arith.addi %mul3A_2, %add3A_1100 : i32
    %dma_start3A_1102 = arith.constant 1 : i32
    %dma_start3A_1103 = tpu.memref_slice %arg4[%add3A_1101] : memref<64000000xf32, #tpu.memory_space<hbm>> -> memref<50000xf32, #tpu.memory_space<hbm>>
    %dma_start3A_1104 = tpu.memref_slice %arg9[%dma_start3A_1102] : memref<2x!tpu.dma_semaphore, #tpu.memory_space<semaphore_mem>> -> memref<1x!tpu.dma_semaphore, #tpu.memory_space<semaphore_mem>>
    %dma_start3A_1105 = tpu.memref_squeeze %dma_start3A_1104 : memref<1x!tpu.dma_semaphore, #tpu.memory_space<semaphore_mem>> -> memref<!tpu.dma_semaphore, #tpu.memory_space<semaphore_mem>>
    %dma_start3A_1106 = tpu.memref_slice %arg4[%add3A_1101] : memref<64000000xf32, #tpu.memory_space<hbm>> -> memref<50000xf32, #tpu.memory_space<hbm>>
    tpu.enqueue_dma source(%arg7 : memref<50000xf32, #tpu.memory_space<vmem>>) target(%dma_start3A_1106 : memref<50000xf32, #tpu.memory_space<hbm>>) target_semaphore(%dma_start3A_1105 : memref<!tpu.dma_semaphore, #tpu.memory_space<semaphore_mem>>)
    %add3A_1107 = arith.constant 1900000 : i32
    %add3A_1108 = arith.addi %mul3A_2, %add3A_1107 : i32
    %dma_wait3A_1109 = arith.constant 0 : i32
    %dma_wait3A_1110 = tpu.memref_slice %arg4[%add3A_1108] : memref<64000000xf32, #tpu.memory_space<hbm>> -> memref<50000xf32, #tpu.memory_space<hbm>>
    %dma_wait3A_1111 = tpu.memref_slice %arg9[%dma_wait3A_1109] : memref<2x!tpu.dma_semaphore, #tpu.memory_space<semaphore_mem>> -> memref<1x!tpu.dma_semaphore, #tpu.memory_space<semaphore_mem>>
    %dma_wait3A_1112 = tpu.memref_squeeze %dma_wait3A_1111 : memref<1x!tpu.dma_semaphore, #tpu.memory_space<semaphore_mem>> -> memref<!tpu.dma_semaphore, #tpu.memory_space<semaphore_mem>>
    %dma_wait3A_1113 = tpu.memref_slice %arg4[%add3A_1108] : memref<64000000xf32, #tpu.memory_space<hbm>> -> memref<50000xf32, #tpu.memory_space<hbm>>
    tpu.wait_dma2 semaphore(%dma_wait3A_1112 : memref<!tpu.dma_semaphore, #tpu.memory_space<semaphore_mem>>) src(%arg6 : memref<50000xf32, #tpu.memory_space<vmem>>) dst(%dma_wait3A_1113 : memref<50000xf32, #tpu.memory_space<hbm>>)
    %add3A_1114 = arith.constant 1950000 : i32
    %add3A_1115 = arith.addi %mul3A_2, %add3A_1114 : i32
    %dma_wait3A_1116 = arith.constant 1 : i32
    %dma_wait3A_1117 = tpu.memref_slice %arg4[%add3A_1115] : memref<64000000xf32, #tpu.memory_space<hbm>> -> memref<50000xf32, #tpu.memory_space<hbm>>
    %dma_wait3A_1118 = tpu.memref_slice %arg9[%dma_wait3A_1116] : memref<2x!tpu.dma_semaphore, #tpu.memory_space<semaphore_mem>> -> memref<1x!tpu.dma_semaphore, #tpu.memory_space<semaphore_mem>>
    %dma_wait3A_1119 = tpu.memref_squeeze %dma_wait3A_1118 : memref<1x!tpu.dma_semaphore, #tpu.memory_space<semaphore_mem>> -> memref<!tpu.dma_semaphore, #tpu.memory_space<semaphore_mem>>
    %dma_wait3A_1120 = tpu.memref_slice %arg4[%add3A_1115] : memref<64000000xf32, #tpu.memory_space<hbm>> -> memref<50000xf32, #tpu.memory_space<hbm>>
    tpu.wait_dma2 semaphore(%dma_wait3A_1119 : memref<!tpu.dma_semaphore, #tpu.memory_space<semaphore_mem>>) src(%arg7 : memref<50000xf32, #tpu.memory_space<vmem>>) dst(%dma_wait3A_1120 : memref<50000xf32, #tpu.memory_space<hbm>>)
    %mul3A_1121 = arith.constant 200000 : i32
    %mul3A_1122 = arith.muli %add3A, %mul3A_1121 : i32
    %add3A_1123 = arith.constant 0 : i32
    %add3A_1124 = arith.addi %mul3A_1122, %add3A_1123 : i32
    %dma_start3A_1125 = arith.constant 0 : i32
    %dma_start3A_1126 = tpu.memref_slice %arg3[%add3A_1124] : memref<6400000xf32, #tpu.memory_space<hbm>> -> memref<50000xf32, #tpu.memory_space<hbm>>
    %dma_start3A_1127 = tpu.memref_slice %arg8[%dma_start3A_1125] : memref<2x!tpu.dma_semaphore, #tpu.memory_space<semaphore_mem>> -> memref<1x!tpu.dma_semaphore, #tpu.memory_space<semaphore_mem>>
    %dma_start3A_1128 = tpu.memref_squeeze %dma_start3A_1127 : memref<1x!tpu.dma_semaphore, #tpu.memory_space<semaphore_mem>> -> memref<!tpu.dma_semaphore, #tpu.memory_space<semaphore_mem>>
    %dma_start3A_1129 = tpu.memref_slice %arg3[%add3A_1124] : memref<6400000xf32, #tpu.memory_space<hbm>> -> memref<50000xf32, #tpu.memory_space<hbm>>
    tpu.enqueue_dma source(%dma_start3A_1129 : memref<50000xf32, #tpu.memory_space<hbm>>) target(%arg6 : memref<50000xf32, #tpu.memory_space<vmem>>) target_semaphore(%dma_start3A_1128 : memref<!tpu.dma_semaphore, #tpu.memory_space<semaphore_mem>>)
    %add3A_1130 = arith.constant 0 : i32
    %add3A_1131 = arith.addi %mul3A_1122, %add3A_1130 : i32
    %dma_wait3A_1132 = arith.constant 0 : i32
    %dma_wait3A_1133 = tpu.memref_slice %arg3[%add3A_1131] : memref<6400000xf32, #tpu.memory_space<hbm>> -> memref<50000xf32, #tpu.memory_space<hbm>>
    %dma_wait3A_1134 = tpu.memref_slice %arg8[%dma_wait3A_1132] : memref<2x!tpu.dma_semaphore, #tpu.memory_space<semaphore_mem>> -> memref<1x!tpu.dma_semaphore, #tpu.memory_space<semaphore_mem>>
    %dma_wait3A_1135 = tpu.memref_squeeze %dma_wait3A_1134 : memref<1x!tpu.dma_semaphore, #tpu.memory_space<semaphore_mem>> -> memref<!tpu.dma_semaphore, #tpu.memory_space<semaphore_mem>>
    %dma_wait3A_1136 = tpu.memref_slice %arg3[%add3A_1131] : memref<6400000xf32, #tpu.memory_space<hbm>> -> memref<50000xf32, #tpu.memory_space<hbm>>
    tpu.wait_dma2 semaphore(%dma_wait3A_1135 : memref<!tpu.dma_semaphore, #tpu.memory_space<semaphore_mem>>) src(%dma_wait3A_1136 : memref<50000xf32, #tpu.memory_space<hbm>>) dst(%arg6 : memref<50000xf32, #tpu.memory_space<vmem>>)
    %add3A_1137 = arith.constant 0 : i32
    %add3A_1138 = arith.addi %mul3A_1122, %add3A_1137 : i32
    %dma_start3A_1139 = arith.constant 0 : i32
    %dma_start3A_1140 = tpu.memref_slice %arg5[%add3A_1138] : memref<6400000xf32, #tpu.memory_space<hbm>> -> memref<50000xf32, #tpu.memory_space<hbm>>
    %dma_start3A_1141 = tpu.memref_slice %arg9[%dma_start3A_1139] : memref<2x!tpu.dma_semaphore, #tpu.memory_space<semaphore_mem>> -> memref<1x!tpu.dma_semaphore, #tpu.memory_space<semaphore_mem>>
    %dma_start3A_1142 = tpu.memref_squeeze %dma_start3A_1141 : memref<1x!tpu.dma_semaphore, #tpu.memory_space<semaphore_mem>> -> memref<!tpu.dma_semaphore, #tpu.memory_space<semaphore_mem>>
    %dma_start3A_1143 = tpu.memref_slice %arg5[%add3A_1138] : memref<6400000xf32, #tpu.memory_space<hbm>> -> memref<50000xf32, #tpu.memory_space<hbm>>
    tpu.enqueue_dma source(%arg6 : memref<50000xf32, #tpu.memory_space<vmem>>) target(%dma_start3A_1143 : memref<50000xf32, #tpu.memory_space<hbm>>) target_semaphore(%dma_start3A_1142 : memref<!tpu.dma_semaphore, #tpu.memory_space<semaphore_mem>>)
    %add3A_1144 = arith.constant 50000 : i32
    %add3A_1145 = arith.addi %mul3A_1122, %add3A_1144 : i32
    %dma_start3A_1146 = arith.constant 1 : i32
    %dma_start3A_1147 = tpu.memref_slice %arg3[%add3A_1145] : memref<6400000xf32, #tpu.memory_space<hbm>> -> memref<50000xf32, #tpu.memory_space<hbm>>
    %dma_start3A_1148 = tpu.memref_slice %arg8[%dma_start3A_1146] : memref<2x!tpu.dma_semaphore, #tpu.memory_space<semaphore_mem>> -> memref<1x!tpu.dma_semaphore, #tpu.memory_space<semaphore_mem>>
    %dma_start3A_1149 = tpu.memref_squeeze %dma_start3A_1148 : memref<1x!tpu.dma_semaphore, #tpu.memory_space<semaphore_mem>> -> memref<!tpu.dma_semaphore, #tpu.memory_space<semaphore_mem>>
    %dma_start3A_1150 = tpu.memref_slice %arg3[%add3A_1145] : memref<6400000xf32, #tpu.memory_space<hbm>> -> memref<50000xf32, #tpu.memory_space<hbm>>
    tpu.enqueue_dma source(%dma_start3A_1150 : memref<50000xf32, #tpu.memory_space<hbm>>) target(%arg7 : memref<50000xf32, #tpu.memory_space<vmem>>) target_semaphore(%dma_start3A_1149 : memref<!tpu.dma_semaphore, #tpu.memory_space<semaphore_mem>>)
    %add3A_1151 = arith.constant 50000 : i32
    %add3A_1152 = arith.addi %mul3A_1122, %add3A_1151 : i32
    %dma_wait3A_1153 = arith.constant 1 : i32
    %dma_wait3A_1154 = tpu.memref_slice %arg3[%add3A_1152] : memref<6400000xf32, #tpu.memory_space<hbm>> -> memref<50000xf32, #tpu.memory_space<hbm>>
    %dma_wait3A_1155 = tpu.memref_slice %arg8[%dma_wait3A_1153] : memref<2x!tpu.dma_semaphore, #tpu.memory_space<semaphore_mem>> -> memref<1x!tpu.dma_semaphore, #tpu.memory_space<semaphore_mem>>
    %dma_wait3A_1156 = tpu.memref_squeeze %dma_wait3A_1155 : memref<1x!tpu.dma_semaphore, #tpu.memory_space<semaphore_mem>> -> memref<!tpu.dma_semaphore, #tpu.memory_space<semaphore_mem>>
    %dma_wait3A_1157 = tpu.memref_slice %arg3[%add3A_1152] : memref<6400000xf32, #tpu.memory_space<hbm>> -> memref<50000xf32, #tpu.memory_space<hbm>>
    tpu.wait_dma2 semaphore(%dma_wait3A_1156 : memref<!tpu.dma_semaphore, #tpu.memory_space<semaphore_mem>>) src(%dma_wait3A_1157 : memref<50000xf32, #tpu.memory_space<hbm>>) dst(%arg7 : memref<50000xf32, #tpu.memory_space<vmem>>)
    %add3A_1158 = arith.constant 50000 : i32
    %add3A_1159 = arith.addi %mul3A_1122, %add3A_1158 : i32
    %dma_start3A_1160 = arith.constant 1 : i32
    %dma_start3A_1161 = tpu.memref_slice %arg5[%add3A_1159] : memref<6400000xf32, #tpu.memory_space<hbm>> -> memref<50000xf32, #tpu.memory_space<hbm>>
    %dma_start3A_1162 = tpu.memref_slice %arg9[%dma_start3A_1160] : memref<2x!tpu.dma_semaphore, #tpu.memory_space<semaphore_mem>> -> memref<1x!tpu.dma_semaphore, #tpu.memory_space<semaphore_mem>>
    %dma_start3A_1163 = tpu.memref_squeeze %dma_start3A_1162 : memref<1x!tpu.dma_semaphore, #tpu.memory_space<semaphore_mem>> -> memref<!tpu.dma_semaphore, #tpu.memory_space<semaphore_mem>>
    %dma_start3A_1164 = tpu.memref_slice %arg5[%add3A_1159] : memref<6400000xf32, #tpu.memory_space<hbm>> -> memref<50000xf32, #tpu.memory_space<hbm>>
    tpu.enqueue_dma source(%arg7 : memref<50000xf32, #tpu.memory_space<vmem>>) target(%dma_start3A_1164 : memref<50000xf32, #tpu.memory_space<hbm>>) target_semaphore(%dma_start3A_1163 : memref<!tpu.dma_semaphore, #tpu.memory_space<semaphore_mem>>)
    %add3A_1165 = arith.constant 0 : i32
    %add3A_1166 = arith.addi %mul3A_1122, %add3A_1165 : i32
    %dma_wait3A_1167 = arith.constant 0 : i32
    %dma_wait3A_1168 = tpu.memref_slice %arg5[%add3A_1166] : memref<6400000xf32, #tpu.memory_space<hbm>> -> memref<50000xf32, #tpu.memory_space<hbm>>
    %dma_wait3A_1169 = tpu.memref_slice %arg9[%dma_wait3A_1167] : memref<2x!tpu.dma_semaphore, #tpu.memory_space<semaphore_mem>> -> memref<1x!tpu.dma_semaphore, #tpu.memory_space<semaphore_mem>>
    %dma_wait3A_1170 = tpu.memref_squeeze %dma_wait3A_1169 : memref<1x!tpu.dma_semaphore, #tpu.memory_space<semaphore_mem>> -> memref<!tpu.dma_semaphore, #tpu.memory_space<semaphore_mem>>
    %dma_wait3A_1171 = tpu.memref_slice %arg5[%add3A_1166] : memref<6400000xf32, #tpu.memory_space<hbm>> -> memref<50000xf32, #tpu.memory_space<hbm>>
    tpu.wait_dma2 semaphore(%dma_wait3A_1170 : memref<!tpu.dma_semaphore, #tpu.memory_space<semaphore_mem>>) src(%arg6 : memref<50000xf32, #tpu.memory_space<vmem>>) dst(%dma_wait3A_1171 : memref<50000xf32, #tpu.memory_space<hbm>>)
    %add3A_1172 = arith.constant 100000 : i32
    %add3A_1173 = arith.addi %mul3A_1122, %add3A_1172 : i32
    %dma_start3A_1174 = arith.constant 0 : i32
    %dma_start3A_1175 = tpu.memref_slice %arg3[%add3A_1173] : memref<6400000xf32, #tpu.memory_space<hbm>> -> memref<50000xf32, #tpu.memory_space<hbm>>
    %dma_start3A_1176 = tpu.memref_slice %arg8[%dma_start3A_1174] : memref<2x!tpu.dma_semaphore, #tpu.memory_space<semaphore_mem>> -> memref<1x!tpu.dma_semaphore, #tpu.memory_space<semaphore_mem>>
    %dma_start3A_1177 = tpu.memref_squeeze %dma_start3A_1176 : memref<1x!tpu.dma_semaphore, #tpu.memory_space<semaphore_mem>> -> memref<!tpu.dma_semaphore, #tpu.memory_space<semaphore_mem>>
    %dma_start3A_1178 = tpu.memref_slice %arg3[%add3A_1173] : memref<6400000xf32, #tpu.memory_space<hbm>> -> memref<50000xf32, #tpu.memory_space<hbm>>
    tpu.enqueue_dma source(%dma_start3A_1178 : memref<50000xf32, #tpu.memory_space<hbm>>) target(%arg6 : memref<50000xf32, #tpu.memory_space<vmem>>) target_semaphore(%dma_start3A_1177 : memref<!tpu.dma_semaphore, #tpu.memory_space<semaphore_mem>>)
    %add3A_1179 = arith.constant 100000 : i32
    %add3A_1180 = arith.addi %mul3A_1122, %add3A_1179 : i32
    %dma_wait3A_1181 = arith.constant 0 : i32
    %dma_wait3A_1182 = tpu.memref_slice %arg3[%add3A_1180] : memref<6400000xf32, #tpu.memory_space<hbm>> -> memref<50000xf32, #tpu.memory_space<hbm>>
    %dma_wait3A_1183 = tpu.memref_slice %arg8[%dma_wait3A_1181] : memref<2x!tpu.dma_semaphore, #tpu.memory_space<semaphore_mem>> -> memref<1x!tpu.dma_semaphore, #tpu.memory_space<semaphore_mem>>
    %dma_wait3A_1184 = tpu.memref_squeeze %dma_wait3A_1183 : memref<1x!tpu.dma_semaphore, #tpu.memory_space<semaphore_mem>> -> memref<!tpu.dma_semaphore, #tpu.memory_space<semaphore_mem>>
    %dma_wait3A_1185 = tpu.memref_slice %arg3[%add3A_1180] : memref<6400000xf32, #tpu.memory_space<hbm>> -> memref<50000xf32, #tpu.memory_space<hbm>>
    tpu.wait_dma2 semaphore(%dma_wait3A_1184 : memref<!tpu.dma_semaphore, #tpu.memory_space<semaphore_mem>>) src(%dma_wait3A_1185 : memref<50000xf32, #tpu.memory_space<hbm>>) dst(%arg6 : memref<50000xf32, #tpu.memory_space<vmem>>)
    %add3A_1186 = arith.constant 100000 : i32
    %add3A_1187 = arith.addi %mul3A_1122, %add3A_1186 : i32
    %dma_start3A_1188 = arith.constant 0 : i32
    %dma_start3A_1189 = tpu.memref_slice %arg5[%add3A_1187] : memref<6400000xf32, #tpu.memory_space<hbm>> -> memref<50000xf32, #tpu.memory_space<hbm>>
    %dma_start3A_1190 = tpu.memref_slice %arg9[%dma_start3A_1188] : memref<2x!tpu.dma_semaphore, #tpu.memory_space<semaphore_mem>> -> memref<1x!tpu.dma_semaphore, #tpu.memory_space<semaphore_mem>>
    %dma_start3A_1191 = tpu.memref_squeeze %dma_start3A_1190 : memref<1x!tpu.dma_semaphore, #tpu.memory_space<semaphore_mem>> -> memref<!tpu.dma_semaphore, #tpu.memory_space<semaphore_mem>>
    %dma_start3A_1192 = tpu.memref_slice %arg5[%add3A_1187] : memref<6400000xf32, #tpu.memory_space<hbm>> -> memref<50000xf32, #tpu.memory_space<hbm>>
    tpu.enqueue_dma source(%arg6 : memref<50000xf32, #tpu.memory_space<vmem>>) target(%dma_start3A_1192 : memref<50000xf32, #tpu.memory_space<hbm>>) target_semaphore(%dma_start3A_1191 : memref<!tpu.dma_semaphore, #tpu.memory_space<semaphore_mem>>)
    %add3A_1193 = arith.constant 50000 : i32
    %add3A_1194 = arith.addi %mul3A_1122, %add3A_1193 : i32
    %dma_wait3A_1195 = arith.constant 1 : i32
    %dma_wait3A_1196 = tpu.memref_slice %arg5[%add3A_1194] : memref<6400000xf32, #tpu.memory_space<hbm>> -> memref<50000xf32, #tpu.memory_space<hbm>>
    %dma_wait3A_1197 = tpu.memref_slice %arg9[%dma_wait3A_1195] : memref<2x!tpu.dma_semaphore, #tpu.memory_space<semaphore_mem>> -> memref<1x!tpu.dma_semaphore, #tpu.memory_space<semaphore_mem>>
    %dma_wait3A_1198 = tpu.memref_squeeze %dma_wait3A_1197 : memref<1x!tpu.dma_semaphore, #tpu.memory_space<semaphore_mem>> -> memref<!tpu.dma_semaphore, #tpu.memory_space<semaphore_mem>>
    %dma_wait3A_1199 = tpu.memref_slice %arg5[%add3A_1194] : memref<6400000xf32, #tpu.memory_space<hbm>> -> memref<50000xf32, #tpu.memory_space<hbm>>
    tpu.wait_dma2 semaphore(%dma_wait3A_1198 : memref<!tpu.dma_semaphore, #tpu.memory_space<semaphore_mem>>) src(%arg7 : memref<50000xf32, #tpu.memory_space<vmem>>) dst(%dma_wait3A_1199 : memref<50000xf32, #tpu.memory_space<hbm>>)
    %add3A_1200 = arith.constant 150000 : i32
    %add3A_1201 = arith.addi %mul3A_1122, %add3A_1200 : i32
    %dma_start3A_1202 = arith.constant 1 : i32
    %dma_start3A_1203 = tpu.memref_slice %arg3[%add3A_1201] : memref<6400000xf32, #tpu.memory_space<hbm>> -> memref<50000xf32, #tpu.memory_space<hbm>>
    %dma_start3A_1204 = tpu.memref_slice %arg8[%dma_start3A_1202] : memref<2x!tpu.dma_semaphore, #tpu.memory_space<semaphore_mem>> -> memref<1x!tpu.dma_semaphore, #tpu.memory_space<semaphore_mem>>
    %dma_start3A_1205 = tpu.memref_squeeze %dma_start3A_1204 : memref<1x!tpu.dma_semaphore, #tpu.memory_space<semaphore_mem>> -> memref<!tpu.dma_semaphore, #tpu.memory_space<semaphore_mem>>
    %dma_start3A_1206 = tpu.memref_slice %arg3[%add3A_1201] : memref<6400000xf32, #tpu.memory_space<hbm>> -> memref<50000xf32, #tpu.memory_space<hbm>>
    tpu.enqueue_dma source(%dma_start3A_1206 : memref<50000xf32, #tpu.memory_space<hbm>>) target(%arg7 : memref<50000xf32, #tpu.memory_space<vmem>>) target_semaphore(%dma_start3A_1205 : memref<!tpu.dma_semaphore, #tpu.memory_space<semaphore_mem>>)
    %add3A_1207 = arith.constant 150000 : i32
    %add3A_1208 = arith.addi %mul3A_1122, %add3A_1207 : i32
    %dma_wait3A_1209 = arith.constant 1 : i32
    %dma_wait3A_1210 = tpu.memref_slice %arg3[%add3A_1208] : memref<6400000xf32, #tpu.memory_space<hbm>> -> memref<50000xf32, #tpu.memory_space<hbm>>
    %dma_wait3A_1211 = tpu.memref_slice %arg8[%dma_wait3A_1209] : memref<2x!tpu.dma_semaphore, #tpu.memory_space<semaphore_mem>> -> memref<1x!tpu.dma_semaphore, #tpu.memory_space<semaphore_mem>>
    %dma_wait3A_1212 = tpu.memref_squeeze %dma_wait3A_1211 : memref<1x!tpu.dma_semaphore, #tpu.memory_space<semaphore_mem>> -> memref<!tpu.dma_semaphore, #tpu.memory_space<semaphore_mem>>
    %dma_wait3A_1213 = tpu.memref_slice %arg3[%add3A_1208] : memref<6400000xf32, #tpu.memory_space<hbm>> -> memref<50000xf32, #tpu.memory_space<hbm>>
    tpu.wait_dma2 semaphore(%dma_wait3A_1212 : memref<!tpu.dma_semaphore, #tpu.memory_space<semaphore_mem>>) src(%dma_wait3A_1213 : memref<50000xf32, #tpu.memory_space<hbm>>) dst(%arg7 : memref<50000xf32, #tpu.memory_space<vmem>>)
    %add3A_1214 = arith.constant 150000 : i32
    %add3A_1215 = arith.addi %mul3A_1122, %add3A_1214 : i32
    %dma_start3A_1216 = arith.constant 1 : i32
    %dma_start3A_1217 = tpu.memref_slice %arg5[%add3A_1215] : memref<6400000xf32, #tpu.memory_space<hbm>> -> memref<50000xf32, #tpu.memory_space<hbm>>
    %dma_start3A_1218 = tpu.memref_slice %arg9[%dma_start3A_1216] : memref<2x!tpu.dma_semaphore, #tpu.memory_space<semaphore_mem>> -> memref<1x!tpu.dma_semaphore, #tpu.memory_space<semaphore_mem>>
    %dma_start3A_1219 = tpu.memref_squeeze %dma_start3A_1218 : memref<1x!tpu.dma_semaphore, #tpu.memory_space<semaphore_mem>> -> memref<!tpu.dma_semaphore, #tpu.memory_space<semaphore_mem>>
    %dma_start3A_1220 = tpu.memref_slice %arg5[%add3A_1215] : memref<6400000xf32, #tpu.memory_space<hbm>> -> memref<50000xf32, #tpu.memory_space<hbm>>
    tpu.enqueue_dma source(%arg7 : memref<50000xf32, #tpu.memory_space<vmem>>) target(%dma_start3A_1220 : memref<50000xf32, #tpu.memory_space<hbm>>) target_semaphore(%dma_start3A_1219 : memref<!tpu.dma_semaphore, #tpu.memory_space<semaphore_mem>>)
    %add3A_1221 = arith.constant 100000 : i32
    %add3A_1222 = arith.addi %mul3A_1122, %add3A_1221 : i32
    %dma_wait3A_1223 = arith.constant 0 : i32
    %dma_wait3A_1224 = tpu.memref_slice %arg5[%add3A_1222] : memref<6400000xf32, #tpu.memory_space<hbm>> -> memref<50000xf32, #tpu.memory_space<hbm>>
    %dma_wait3A_1225 = tpu.memref_slice %arg9[%dma_wait3A_1223] : memref<2x!tpu.dma_semaphore, #tpu.memory_space<semaphore_mem>> -> memref<1x!tpu.dma_semaphore, #tpu.memory_space<semaphore_mem>>
    %dma_wait3A_1226 = tpu.memref_squeeze %dma_wait3A_1225 : memref<1x!tpu.dma_semaphore, #tpu.memory_space<semaphore_mem>> -> memref<!tpu.dma_semaphore, #tpu.memory_space<semaphore_mem>>
    %dma_wait3A_1227 = tpu.memref_slice %arg5[%add3A_1222] : memref<6400000xf32, #tpu.memory_space<hbm>> -> memref<50000xf32, #tpu.memory_space<hbm>>
    tpu.wait_dma2 semaphore(%dma_wait3A_1226 : memref<!tpu.dma_semaphore, #tpu.memory_space<semaphore_mem>>) src(%arg6 : memref<50000xf32, #tpu.memory_space<vmem>>) dst(%dma_wait3A_1227 : memref<50000xf32, #tpu.memory_space<hbm>>)
    %add3A_1228 = arith.constant 150000 : i32
    %add3A_1229 = arith.addi %mul3A_1122, %add3A_1228 : i32
    %dma_wait3A_1230 = arith.constant 1 : i32
    %dma_wait3A_1231 = tpu.memref_slice %arg5[%add3A_1229] : memref<6400000xf32, #tpu.memory_space<hbm>> -> memref<50000xf32, #tpu.memory_space<hbm>>
    %dma_wait3A_1232 = tpu.memref_slice %arg9[%dma_wait3A_1230] : memref<2x!tpu.dma_semaphore, #tpu.memory_space<semaphore_mem>> -> memref<1x!tpu.dma_semaphore, #tpu.memory_space<semaphore_mem>>
    %dma_wait3A_1233 = tpu.memref_squeeze %dma_wait3A_1232 : memref<1x!tpu.dma_semaphore, #tpu.memory_space<semaphore_mem>> -> memref<!tpu.dma_semaphore, #tpu.memory_space<semaphore_mem>>
    %dma_wait3A_1234 = tpu.memref_slice %arg5[%add3A_1229] : memref<6400000xf32, #tpu.memory_space<hbm>> -> memref<50000xf32, #tpu.memory_space<hbm>>
    tpu.wait_dma2 semaphore(%dma_wait3A_1233 : memref<!tpu.dma_semaphore, #tpu.memory_space<semaphore_mem>>) src(%arg7 : memref<50000xf32, #tpu.memory_space<vmem>>) dst(%dma_wait3A_1234 : memref<50000xf32, #tpu.memory_space<hbm>>)
    return
  }
}

</mosaic_0001>

<sc_bundles>
// kernel: kernel.3.cloned.1.call-start
scs
__scs_entry_jumppad:
0x0: {  	(pc) =	sbr.rel $0x88, $3  }
0x1: {  	(tag) =	ssettag $0x0;
	lr =	simm.s32 $0x1  }
0x2: {  	[smem:$0x3F9F] =	sst lr;
	_ =	strace $0xD0000000  }
0x3: {  	_ = 	snop  }
0x4: {  	_ = 	snop  }
0x5: {  	_ = 	snop  }
0x6: {  	_ = 	snop  }
0x7: {  	_ = 	snop  }
__scs_overlays_trampoline_lowered:
0x8: {  	[smem:$0x3FAE] =	sst s0  }
0x9: {  	[smem:$0x3FAF] =	sst s1  }
0xa: {  	[smem:$0x3FB0] =	sst s2  }
0xb: {  	[smem:$0x3FB1] =	sst s3  }
0xc: {  	[smem:$0x3FB2] =	sst s4  }
0xd: {  	[smem:$0x3FB3] =	sst s5  }
0xe: {  	[smem:$0x3FB4] =	sst s6  }
0xf: {  	[smem:$0x3FB5] =	sst s7  }
0x10: {  	[smem:$0x3FB6] =	sst s8  }
0x11: {  	[smem:$0x3FB7] =	sst s9;
	s0 =	simm.s32 @!p0 $0x0  }
0x12: {  	s1 =	sld [smem:$0x3F9D];
	s0 =	simm.s32 @p0 $0x1  }
0x13: {  	[smem:$0x3FB8] =	sst s0;
	s0 =	simm.s32 @!p1 $0x0  }
0x14: {  	s2 =	sld [smem:$0x3F9C];
	s0 =	simm.s32 @p1 $0x1  }
0x15: {  	[smem:$0x3FB9] =	sst s0;
	s0 =	simm.s32 @!p2 $0x0  }
0x16: {  	s3 =	sld [smem:$0x3FDB];
	s0 =	simm.s32 @p2 $0x1  }
0x17: {  	s4 =	simm.s32 $0x1BF5;
	[smem:$0x3FBB] =	sst s0  }
0x18: {  	s0 =	sld [smem:$0x3F9E];
	_ =	swait.ge [sflag:s4], $0x0  }
0x19: {  	s7 =	sld [smem:$0x3F9F]  }
0x1a: {  	s8 =	sadd.s32 $0xFFFFE003, lr  }
0x1b: {  	s9 =	sadd.s32 $0xFFFFFEF7, lr;
	s5 =	simm.s32 $0xFFFFFFFF;
	p2 =	slt.u32 s8, $0xFFFFF086  }
0x1c: {  	p1 =	slt.u32 s9, $0xF7A;
	s5 =	simm.s32 @!p2 $0x0  }
0x1d: {  	s5 =	simm.s32 @p1 $0x1;
	p0 =	seq.s32 s7, s2  }
0x1e: {  	s7 =	smul.u32 @!p0 $0xF7A, s2;
	p2 =	seq.s32 @!p0 s5, $0x0  }
0x1f: {  	s9 =	smul.u32 $0xF7A, s1;
	s8 =	simm.s32 @!p0 $0x1BF5;
	p2 =	por !p2, p0  }
0x20: {  	[sflag:s8] =	ssyncset.s32 @!p0 $0xFFFFF086;
	s6 =	sadd.s32 @!p0 s3, s7;
	s7 =	simm.s32 @!p0 $0x108  }
0x21: {  	s3 =	sadd.s32 s3, s9;
	s6 =	sadd.s32 @!p0 $0x88, s6;
	s7 =	simm.s32 @p2 $0x1082  }
0x22: {  	[simem:s7], [sflag:s8] =	dma.local @!p0 [hbm:s6], $0xF7A  }
0x23: {  	s9 =	sor.u32 $0xD0000000, s2;
	s6 =	simm.s32 $0x108;
	_ =	swait.ge @!p0 [sflag:s8], $0x0  }
0x24: {  	s3 =	sadd.s32 $0x88, s3;
	s6 =	simm.s32 @!p1 $0x1082;
	[sflag:s4] =	ssyncset.s32 $0xFFFFF086  }
0x25: {  	[simem:s6], [sflag:s4] =	dma.local [hbm:s3], $0xF7A  }
0x26: {  	[smem:$0x3F9F] =	sst s1;
	(tag) =	ssettag s2;
	_ =	strace s9  }
0x27: {  	s1 =	sld [smem:$0x3FAF]  }
0x28: {  	s2 =	sld [smem:$0x3FB0]  }
0x29: {  	s4 =	sld [smem:$0x3FB2]  }
0x2a: {  	p0 =	seq.s32 s5, $0x0;
	s5 =	sld [smem:$0x3FB3]  }
0x2b: {  	s6 =	sld [smem:$0x3FB4]  }
0x2c: {  	s7 =	sld [smem:$0x3FB5]  }
0x2d: {  	s3 =	simm.s32 $0x108;
	s8 =	sld [smem:$0x3FB6]  }
0x2e: {  	s3 =	simm.s32 @!p0 $0x1082;
	s9 =	sld [smem:$0x3FB7]  }
0x2f: {  	lr =	sadd.s32 s0, s3;
	s0 =	sld [smem:$0x3FAE]  }
0x30: {  	s3 =	sld [smem:$0x3FB1]  }
0x31: {  	[smem:$0x3FBA] =	sst s10  }
0x32: {  	s10 =	sld [smem:$0x3FB8];
	_ =	sdelay $0x3  }
0x33: {  	p0 =	seq.s32 s10, $0x1;
	s10 =	sld [smem:$0x3FBA];
	_ =	sdelay $0x3  }
0x34: {  	[smem:$0x3FBA] =	sst s10  }
0x35: {  	s10 =	sld [smem:$0x3FB9];
	_ =	sdelay $0x3  }
0x36: {  	p1 =	seq.s32 s10, $0x1;
	s10 =	sld [smem:$0x3FBA];
	_ =	sdelay $0x3  }
0x37: {  	[smem:$0x3FBA] =	sst s10  }
0x38: {  	s10 =	sld [smem:$0x3FBB]  }
0x39: {  	_ = 	snop;
	(pc) =	sbr.ind lr, $3  }
0x3a: {  	_ = 	snop  }
0x3b: {  	_ = 	snop  }
0x3c: {  	p2 =	seq.s32 s10, $0x1;
	s10 =	sld [smem:$0x3FBA]  }
0x3d: {  	_ =	shalt  }
0x3e: {  	_ =	shalt  }
0x3f: {  	_ =	shalt  }
0x40: {  	_ =	shalt  }
0x41: {  	_ =	shalt  }
0x42: {  	_ =	shalt  }
0x43: {  	_ =	shalt  }
0x44: {  	_ =	shalt  }
0x45: {  	_ =	shalt  }
0x46: {  	_ =	shalt  }
0x47: {  	_ =	shalt  }
0x48: {  	_ =	shalt  }
0x49: {  	_ =	shalt  }
0x4a: {  	_ =	shalt  }
0x4b: {  	_ =	shalt  }
0x4c: {  	_ =	shalt  }
0x4d: {  	_ =	shalt  }
0x4e: {  	_ =	shalt  }
0x4f: {  	_ =	shalt  }
0x50: {  	_ =	shalt  }
0x51: {  	_ =	shalt  }
0x52: {  	_ =	shalt  }
0x53: {  	_ =	shalt  }
0x54: {  	_ =	shalt  }
0x55: {  	_ =	shalt  }
0x56: {  	_ =	shalt  }
0x57: {  	_ =	shalt  }
0x58: {  	_ =	shalt  }
0x59: {  	_ =	shalt  }
0x5a: {  	_ =	shalt  }
0x5b: {  	_ =	shalt  }
0x5c: {  	_ =	shalt  }
0x5d: {  	_ =	shalt  }
0x5e: {  	_ =	shalt  }
0x5f: {  	_ =	shalt  }
0x60: {  	_ =	shalt  }
0x61: {  	_ =	shalt  }
0x62: {  	_ =	shalt  }
0x63: {  	_ =	shalt  }
0x64: {  	_ =	shalt  }
0x65: {  	_ =	shalt  }
0x66: {  	_ =	shalt  }
0x67: {  	_ =	shalt  }
0x68: {  	_ =	shalt  }
0x69: {  	_ =	shalt  }
0x6a: {  	_ =	shalt  }
0x6b: {  	_ =	shalt  }
0x6c: {  	_ =	shalt  }
0x6d: {  	_ =	shalt  }
0x6e: {  	_ =	shalt  }
0x6f: {  	_ =	shalt  }
0x70: {  	_ =	shalt  }
0x71: {  	_ =	shalt  }
0x72: {  	_ =	shalt  }
0x73: {  	_ =	shalt  }
0x74: {  	_ =	shalt  }
0x75: {  	_ =	shalt  }
0x76: {  	_ =	shalt  }
0x77: {  	_ =	shalt  }
0x78: {  	_ =	shalt  }
0x79: {  	_ =	shalt  }
0x7a: {  	_ =	shalt  }
0x7b: {  	_ =	shalt  }
0x7c: {  	_ =	shalt  }
0x7d: {  	_ =	shalt  }
0x7e: {  	_ =	shalt  }
0x7f: {  	_ =	shalt  }
0x80: {  	_ =	shalt  }
0x81: {  	_ =	shalt  }
0x82: {  	_ =	shalt  }
0x83: {  	_ =	shalt  }
0x84: {  	_ =	shalt  }
0x85: {  	_ =	shalt  }
0x86: {  	_ =	shalt  }
0x87: {  	_ =	shalt  }
.Lfunc_end0:
.L_simem_size_0:
called_computation_lowered:
.L_overlay_start_0:
0x88: {  	s2 =	sld [smem:$0x3FD9]  }
0x89: {  	s3 =	sld [smem:$0x3FFE];
	_ =	sdelay $0x1  }
0x8a: {  	s1 =	srdreg.scid  }
0x8b: {  	s0 =	sand.u32 $0x1, s1  }
0x8c: {  	s14 =	sshll.u32 s0, $0xA;
	s2 =	sadd.s32 s3, s2  }
0x8d: {  	s2 =	sadd.s32 s2, s14  }
0x8e: {  	[smem:$0x3FC6] =	sst s2  }
0x8f: {  	_ = 	snop  }
0x90: {  	s2 =	sld [smem:$0x3FD0];
	_ =	sdelay $0x2  }
0x91: {  	s15 =	simm.s32 $0xA;
	s4 =	simm.s32 $0x10  }
0x92: {  	[smem:s4], [sflag:s15] =	dma.local [hbm:s2], $0x1  }
0x93: {  	_ =	swait.eq [sflag:s15], $0x1  }
0x94: {  	[sflag:s15] =	ssyncset.done $0x0  }
0x95: {  	[sflag:s15] =	ssyncadd.s32 $0xFFFFFFFF  }
0x96: {  	s16 =	sld [smem:$0x11];
	(tm) =	ssettm $0x1  }
0x97: {  	s17 =	sld [smem:$0x3FFB];
	_ =	sdelay $0x3  }
0x98: {  	_ =	strace s17  }
0x99: {  	s3 =	sld [smem:$0x3FFC];
	_ =	sdelay $0x3  }
0x9a: {  	_ =	strace s3  }
0x9b: {  	s3 =	sld [smem:$0x3FFD];
	_ =	sdelay $0x3  }
0x9c: {  	_ =	strace s3  }
0x9d: {  	_ =	strace $0x8FFFFFFF  }
0x9e: {  	s18 =	sld [smem:$0x3FDB];
	_ =	sdelay $0x1  }
0x9f: {  	s19 =	simm.s32 $_scs_section_size  }
0xa0: {  	s5 =	simm.s32 $_size__tile_overlayer_lowered;
	s6 =	simm.s32 $_tile_overlayer_lowered  }
0xa1: {  	s22 =	simm.s32 $0x1BFF;
	s21 =	sshll.u32 s6, $0x1;
	s3 =	sadd.s32 s19, s18  }
0xa2: {  	s7 =	simm.s32 $0x0;
	s20 =	sshll.u32 s5, $0x1;
	s5 =	sadd.s32 s21, s3  }
0xa3: {  	[timem:s7], [sflag:s22] =	dma.local [hbm:s5], s20  }
0xa4: {  	_ =	swait.ge [sflag:s22], s20  }
0xa5: {  	s4 =	ssub.s32 $0x0, s20;
	[sflag:s22] =	ssyncset.done $0x0  }
0xa6: {  	[sflag:s22] =	ssyncadd.s32 s4;
	_ =	sdelay $0x1  }
0xa7: {  	s23 =	simm.s32 $0x1B8B  }
0xa8: {  	_ =	swait.ge [sflag:s23], $0x1  }
0xa9: {  	[sflag:s23] =	ssyncset.done $0x0  }
0xaa: {  	s25 =	simm.s32 $0x1B8E;
	s24 =	sld [smem:$0x3FFE];
	[sflag:s23] =	ssyncadd.s32 $0xFFFFFFFF  }
0xab: {  	s26 =	simm.s32 $execute0_lowered;
	[smem:$0x3FD2] =	sst s25  }
0xac: {  	s5 =	sshll.u32 s26, $0x1;
	_ =	strace $0x80000046;
	[dreg:$0x1] =	wrdreg $0xFFFFFFFF  }
0xad: {  	s28 =	simm.s32 $_size_execute0_lowered;
	s3 =	sadd.s32 s3, s5;
	[dreg:$0x0] =	wrdreg $0x0  }
0xae: {  	s5 =	sshll.u32 s28, $0x1;
	[dreg:$0x2] =	wrdreg s3  }
0xaf: {  	[dreg:$0x3] =	wrdreg s5  }
0xb0: {  	[dreg:$0x4] =	wrdreg $0xC0  }
0xb1: {  	_ =	task [dreg:s7], $0x5FFFF  }
0xb2: {  	[dreg:$0x1] =	wrdreg $0xFFFFFFFF  }
0xb3: {  	[dreg:$0x0] =	wrdreg $0x60  }
0xb4: {  	[dreg:$0x2] =	wrdreg s24  }
0xb5: {  	[dreg:$0x3] =	wrdreg s16  }
0xb6: {  	[dreg:$0x4] =	wrdreg $0x9  }
0xb7: {  	_ =	task.clear_ibuf [dreg:s7], $0x5FFFF;
	_ =	strace $0x90000046  }
0xb8: {  	s29 =	simm.s32 $0x9;
	_ =	strace $0x80000048  }
0xb9: {  	_ =	swait.ge [sflag:s29], $0x1  }
0xba: {  	[sflag:s29] =	ssyncadd.s32 $0xFFFFFFFF  }
0xbb: {  	_ =	strace $0x90000048  }
0xbc: {  	_ =	sfence  }
0xbd: {  	s30 =	sld [smem:$0x0];
	_ =	sdelay $0x2  }
0xbe: {  	s31 =	sshll.u32 s1, $0xD;
	s1 =	sshrl.u32 s1, $0x2  }
0xbf: {  	s3 =	sand.u32 $0x4000, s31;
	s1 =	sadd.s32 s1, s30  }
0xc0: {  	s0 =	sor.u32 s3, s0;
	s1 =	sshll.u32 s1, $0x11  }
0xc1: {  	s0 =	sor.u32 s1, s0  }
0xc2: {  	s0 =	sadd.s32 $0x8F2B, s0  }
0xc3: {  	[sflag:s0] =	ssyncadd.remote.s32 $0x1  }
0xc4: {  	_ =	sfence.sel $0xFFFF  }
0xc5: {  	[dreg:$0x0] =	wrdreg $0xFFFFFFFF;
	(pc) =	sbr.abs _section_cstart, $3  }
0xc6: {  	[dreg:$0x1] =	wrdreg $0xFFFFFFFF  }
0xc7: {  	_ =	task.clear_ibuf [dreg:s7], $0x2FFFF;
	_ =	strace $0x9FFFFFFF  }
0xc8: {  	(tm) =	ssettm $0x7FFFFFFF  }
0xc9: {  	_ =	shalt  }
tec
execute0_lowered:
.L_overlay_start_1:
0x0: {  	(tag) =	ssettag $0x1  }
0x1: {  	s0 =	srdreg.scid;
	s1 =	stileid.u32  }
0x2: {  	s8 =	sand.u32 $0x1, s0;
	s24 =	sshll.u32 s1, $0x1  }
0x3: {  	s5 =	sor.u32 s8, s24  }
0x4: {  	s7 =	rddreg [dreg:$0x0];
	s0 =	smul.u32 $0x1E8480, s5  }
0x5: {  	s2 =	simm.s32 $0x0;
	s1 =	rddreg [dreg:$0x1]  }
0x6: {  	[smem:$0x7FF] =	sst s2;
	s3 =	sadd.s32 $0xA00, s7;
	s6 =	sshrl.u32 s0, $0x3  }
0x7: {  	s4 =	sadd.s32 $0x7A1E00, s7;
	_ =	strace $0x80000047;
	s0 =	sadd.s32 s3, s6  }
0x8: {  	s25 =	sadd.s32 s4, s6;
	s9 =	sadd.s32 $0x186A, s6;
	[dreg:$0x3] =	wrdreg s0  }
0x9: {  	[dreg:$0x4] =	wrdreg s25;
	s26 =	sadd.s32 s3, s9  }
0xa: {  	s10 =	sadd.s32 $0x30D4, s6;
	s9 =	sadd.s32 s4, s9;
	[dreg:$0x5] =	wrdreg s26  }
0xb: {  	s11 =	sadd.s32 s3, s10;
	[dreg:$0x6] =	wrdreg s9  }
0xc: {  	s13 =	sadd.s32 $0x493E, s6;
	s12 =	sadd.s32 s4, s10;
	[dreg:$0x7] =	wrdreg s11  }
0xd: {  	s14 =	sadd.s32 s3, s13;
	[dreg:$0x8] =	wrdreg s12  }
0xe: {  	s16 =	sadd.s32 $0x61A8, s6;
	s15 =	sadd.s32 s4, s13;
	[dreg:$0x9] =	wrdreg s14  }
0xf: {  	s17 =	sadd.s32 s3, s16;
	[dreg:$0xa] =	wrdreg s15  }
0x10: {  	s19 =	sadd.s32 $0x7A12, s6;
	s18 =	sadd.s32 s4, s16;
	[dreg:$0xb] =	wrdreg s17  }
0x11: {  	s20 =	sadd.s32 s3, s19;
	[dreg:$0xc] =	wrdreg s18  }
0x12: {  	s22 =	sadd.s32 $0x927C, s6;
	s21 =	sadd.s32 s4, s19;
	[dreg:$0xd] =	wrdreg s20  }
0x13: {  	s23 =	sadd.s32 s3, s22;
	[dreg:$0xe] =	wrdreg s21  }
0x14: {  	s24 =	sadd.s32 s4, s22;
	[dreg:$0xf] =	wrdreg s23  }
0x15: {  	s25 =	sadd.s32 $0xAAE6, s6;
	[dreg:$0x10] =	wrdreg s24  }
0x16: {  	s26 =	sadd.s32 s3, s25;
	s0 =	rddreg [dreg:$0x3]  }
0x17: {  	s10 =	sadd.s32 $0xC350, s6;
	s9 =	sadd.s32 s4, s25;
	[dreg:$0x11] =	wrdreg s26  }
0x18: {  	s11 =	sadd.s32 s3, s10;
	[dreg:$0x12] =	wrdreg s9  }
0x19: {  	s13 =	sadd.s32 $0xDBBA, s6;
	s12 =	sadd.s32 s4, s10;
	[dreg:$0x13] =	wrdreg s11  }
0x1a: {  	s14 =	sadd.s32 s3, s13;
	[dreg:$0x14] =	wrdreg s12  }
0x1b: {  	s16 =	sadd.s32 $0xF424, s6;
	s15 =	sadd.s32 s4, s13;
	[dreg:$0x15] =	wrdreg s14  }
0x1c: {  	s17 =	sadd.s32 s3, s16;
	[dreg:$0x16] =	wrdreg s15  }
0x1d: {  	s19 =	sadd.s32 $0x10C8E, s6;
	s18 =	sadd.s32 s4, s16;
	[dreg:$0x17] =	wrdreg s17  }
0x1e: {  	s20 =	sadd.s32 s3, s19;
	[dreg:$0x18] =	wrdreg s18  }
0x1f: {  	s22 =	sadd.s32 $0x124F8, s6;
	s21 =	sadd.s32 s4, s19;
	[dreg:$0x19] =	wrdreg s20  }
0x20: {  	s23 =	sadd.s32 s3, s22;
	[dreg:$0x1a] =	wrdreg s21  }
0x21: {  	s24 =	sadd.s32 s4, s22;
	s25 =	sadd.s32 $0x13D62, s6;
	[dreg:$0x1b] =	wrdreg s23  }
0x22: {  	[dreg:$0x1c] =	wrdreg s24;
	s26 =	sadd.s32 s3, s25  }
0x23: {  	s10 =	sadd.s32 $0x155CC, s6;
	s9 =	sadd.s32 s4, s25;
	[dreg:$0x1d] =	wrdreg s26  }
0x24: {  	s11 =	sadd.s32 s3, s10;
	[dreg:$0x1e] =	wrdreg s9  }
0x25: {  	s13 =	sadd.s32 $0x16E36, s6;
	s12 =	sadd.s32 s4, s10;
	[dreg:$0x1f] =	wrdreg s11  }
0x26: {  	s14 =	sadd.s32 s3, s13;
	[smem:$0x7DA] =	sst s12  }
0x27: {  	s16 =	sadd.s32 $0x186A0, s6;
	s15 =	sadd.s32 s4, s13;
	[smem:$0x7DB] =	sst s14  }
0x28: {  	s17 =	sadd.s32 s3, s16;
	[smem:$0x7DC] =	sst s15  }
0x29: {  	s19 =	sadd.s32 $0x19F0A, s6;
	s18 =	sadd.s32 s4, s16;
	[smem:$0x7DD] =	sst s17  }
0x2a: {  	s20 =	sadd.s32 s3, s19;
	[smem:$0x7DE] =	sst s18  }
0x2b: {  	s22 =	sadd.s32 $0x1B774, s6;
	s21 =	sadd.s32 s4, s19;
	[smem:$0x7DF] =	sst s20  }
0x2c: {  	s23 =	sadd.s32 s3, s22;
	[smem:$0x7E0] =	sst s21  }
0x2d: {  	s24 =	sadd.s32 s4, s22;
	s25 =	sadd.s32 $0x1CFDE, s6;
	[smem:$0x7E1] =	sst s23  }
0x2e: {  	[smem:$0x7E2] =	sst s24;
	s26 =	sadd.s32 s3, s25  }
0x2f: {  	s10 =	sadd.s32 $0x1E848, s6;
	s9 =	sadd.s32 s4, s25;
	[smem:$0x7E3] =	sst s26  }
0x30: {  	s11 =	sadd.s32 s3, s10;
	[smem:$0x7E4] =	sst s9  }
0x31: {  	s13 =	sadd.s32 $0x200B2, s6;
	s12 =	sadd.s32 s4, s10;
	[smem:$0x7E5] =	sst s11  }
0x32: {  	s14 =	sadd.s32 s3, s13;
	[smem:$0x7E6] =	sst s12  }
0x33: {  	s16 =	sadd.s32 $0x2191C, s6;
	s15 =	sadd.s32 s4, s13;
	[smem:$0x7E7] =	sst s14  }
0x34: {  	s17 =	sadd.s32 s3, s16;
	[smem:$0x7E8] =	sst s15  }
0x35: {  	s19 =	sadd.s32 $0x23186, s6;
	s18 =	sadd.s32 s4, s16;
	[smem:$0x7E9] =	sst s17  }
0x36: {  	s20 =	sadd.s32 s3, s19;
	[smem:$0x7EA] =	sst s18  }
0x37: {  	s22 =	sadd.s32 $0x249F0, s6;
	s21 =	sadd.s32 s4, s19;
	[smem:$0x7EB] =	sst s20  }
0x38: {  	s23 =	sadd.s32 s3, s22;
	[smem:$0x7EC] =	sst s21  }
0x39: {  	s24 =	sadd.s32 s4, s22;
	s25 =	sadd.s32 $0x2625A, s6;
	[smem:$0x7ED] =	sst s23  }
0x3a: {  	p0 =	por $0x0, $0x0;
	[smem:$0x7EE] =	sst s24;
	s26 =	sadd.s32 s3, s25  }
0x3b: {  	s10 =	sadd.s32 $0x27AC4, s6;
	s9 =	sadd.s32 s4, s25;
	[smem:$0x7EF] =	sst s26  }
0x3c: {  	s7 =	sadd.s32 $0xF43000, s7;
	s11 =	sadd.s32 s3, s10;
	[smem:$0x7F0] =	sst s9  }
0x3d: {  	s13 =	sadd.s32 $0x2932E, s6;
	s12 =	sadd.s32 s4, s10;
	[smem:$0x7F1] =	sst s11  }
0x3e: {  	s8 =	ssub.s32 $0x2, s8;
	s14 =	sadd.s32 s3, s13;
	[smem:$0x7F2] =	sst s12  }
0x3f: {  	s16 =	sadd.s32 $0x2AB98, s6;
	s15 =	sadd.s32 s4, s13;
	[smem:$0x7F3] =	sst s14  }
0x40: {  	s5 =	smul.u32 $0x30D40, s5;
	s17 =	sadd.s32 s3, s16;
	[smem:$0x7F4] =	sst s15  }
0x41: {  	s19 =	sadd.s32 $0x2C402, s6;
	s18 =	sadd.s32 s4, s16;
	[smem:$0x7F5] =	sst s17  }
0x42: {  	s5 =	sshrl.u32 s5, $0x3;
	s20 =	sadd.s32 s3, s19;
	[smem:$0x7F6] =	sst s18  }
0x43: {  	s22 =	sadd.s32 $0x2DC6C, s6;
	s21 =	sadd.s32 s4, s19;
	[smem:$0x7F7] =	sst s20  }
0x44: {  	s23 =	sadd.s32 s3, s22;
	s24 =	sadd.s32 s4, s22;
	[smem:$0x7F8] =	sst s21  }
0x45: {  	s25 =	sadd.s32 $0x2F4D6, s6;
	s10 =	sshrl.u32 s8, $0x1;
	[smem:$0x7F9] =	sst s23  }
0x46: {  	s13 =	sadd.s32 $0x325AA, s6;
	s16 =	sadd.s32 $0x36EE8, s6;
	[smem:$0x7FA] =	sst s24  }
0x47: {  	s26 =	sadd.s32 s3, s25;
	s9 =	sadd.s32 s4, s25;
	s11 =	sadd.s32 $0x30D40, s6  }
0x48: {  	s10 =	ssub.s32 s8, s10;
	s14 =	sadd.s32 $0x33E14, s6;
	s30 =	sadd.s32 s3, s13  }
0x49: {  	s29 =	sadd.s32 s4, s13;
	s15 =	sadd.s32 $0x3567E, s6;
	s23 =	sadd.s32 s3, s16  }
0x4a: {  	s22 =	sadd.s32 s4, s16;
	s17 =	sadd.s32 $0x38752, s6;
	[smem:$0x7FB] =	sst s26  }
0x4b: {  	s18 =	sadd.s32 $0x39FBC, s6;
	s6 =	sadd.s32 $0x3B826, s6;
	[smem:$0x7FC] =	sst s9  }
0x4c: {  	s12 =	sadd.s32 s3, s11;
	s31 =	sadd.s32 s4, s11;
	s28 =	sadd.s32 s3, s14  }
0x4d: {  	s26 =	sadd.s32 s4, s14;
	s25 =	sadd.s32 s3, s15;
	s24 =	sadd.s32 s4, s15  }
0x4e: {  	s21 =	sadd.s32 s3, s17;
	s20 =	sadd.s32 s4, s17;
	s19 =	sadd.s32 s3, s18  }
0x4f: {  	s18 =	sadd.s32 s4, s18;
	s17 =	sadd.s32 s3, s6;
	s3 =	sadd.s32 $0x186A, s5  }
0x50: {  	s16 =	sadd.s32 s4, s6;
	s6 =	sadd.s32 $0x30D4, s5;
	s13 =	smax.u32 s10, $0x1  }
0x51: {  	s15 =	sadd.s32 s1, s5;
	s14 =	sadd.s32 s7, s5;
	p1 =	sne.s32 s13, $0x1  }
.Ltmp0:
0x52: {  	s9 =	sadd.s32 $0x493E, s5;
	s10 =	simm.s32 $0x2;
	(pc) =	sbr.rel @!p1 .LBB2_3-.Ltmp0, $4  }
0x53: {  	[smem:$0x7FD] =	sst s12;
	s12 =	sadd.s32 s1, s3;
	s11 =	sadd.s32 s7, s3  }
0x54: {  	s8 =	sadd.s32 s1, s6;
	s4 =	sadd.s32 s7, s6;
	s5 =	sadd.s32 s1, s9  }
0x55: {  	s3 =	sadd.s32 s7, s9;
	s1 =	sadd.s32 $0xFFFFFFFF, s13;
	s13 =	simm.s32 $0x1  }
0x56: {  	s9 =	simm.s32 $0xC380;
	s7 =	simm.s32 $0x3;
	s6 =	simm.s32 $0x4  }
0x57: {  	[tilespmem:s2], [sflag:$0x1] =	stream.linear.gather [hbm4b:s0+s2], $0xC350, $0x38;
	[tilespmem:$0x18700] =	vst v63  }
0x58: {  	_ =	swait.ge [sflag:s13], $0xC350  }
0x59: {  	s0 =	rddreg [dreg:$0x4];
	[sflag:s13] =	ssyncset.done $0x0  }
0x5a: {  	[smem:$0x7D9] =	sst s1;
	[sflag:s13] =	ssyncadd.s32 $0xFFFF3CB0  }
0x5b: {  	[hbm4b:s0+s2] =	stream.linear.scatter [tilespmem:s2], [sflag:$0x3], $0xC350, $0x38;
	[tilespmem:$0x18700] =	vst v63  }
0x5c: {  	s1 =	rddreg [dreg:$0x5]  }
0x5d: {  	[tilespmem:s9], [sflag:$0x2] =	stream.linear.gather [hbm4b:s1+s2], $0xC350, $0x38;
	[tilespmem:$0x18700] =	vst v63  }
0x5e: {  	_ =	swait.ge [sflag:s10], $0xC350  }
0x5f: {  	[sflag:s10] =	ssyncset.done $0x0  }
0x60: {  	s1 =	rddreg [dreg:$0x6];
	[sflag:s10] =	ssyncadd.s32 $0xFFFF3CB0  }
0x61: {  	[hbm4b:s1+s2] =	stream.linear.scatter [tilespmem:s9], [sflag:$0x4], $0xC350, $0x38;
	[tilespmem:$0x18700] =	vst v63  }
0x62: {  	_ =	swait.ge [sflag:s7], $0xC350  }
0x63: {  	[sflag:s7] =	ssyncset.done $0x0  }
0x64: {  	s1 =	rddreg [dreg:$0x7];
	[sflag:s7] =	ssyncadd.s32 $0xFFFF3CB0  }
0x65: {  	[tilespmem:s2], [sflag:$0x1] =	stream.linear.gather [hbm4b:s1+s2], $0xC350, $0x38;
	[tilespmem:$0x18700] =	vst v63  }
0x66: {  	_ =	swait.ge [sflag:s13], $0xC350  }
0x67: {  	[sflag:s13] =	ssyncset.done $0x0  }
0x68: {  	s1 =	rddreg [dreg:$0x8];
	[sflag:s13] =	ssyncadd.s32 $0xFFFF3CB0  }
0x69: {  	[hbm4b:s1+s2] =	stream.linear.scatter [tilespmem:s2], [sflag:$0x3], $0xC350, $0x38;
	[tilespmem:$0x18700] =	vst v63  }
0x6a: {  	_ =	swait.ge [sflag:s6], $0xC350  }
0x6b: {  	[sflag:s6] =	ssyncset.done $0x0  }
0x6c: {  	s1 =	rddreg [dreg:$0x9];
	[sflag:s6] =	ssyncadd.s32 $0xFFFF3CB0  }
0x6d: {  	[tilespmem:s9], [sflag:$0x2] =	stream.linear.gather [hbm4b:s1+s2], $0xC350, $0x38;
	[tilespmem:$0x18700] =	vst v63  }
0x6e: {  	_ =	swait.ge [sflag:s10], $0xC350  }
0x6f: {  	[sflag:s10] =	ssyncset.done $0x0  }
0x70: {  	s1 =	rddreg [dreg:$0xa];
	[sflag:s10] =	ssyncadd.s32 $0xFFFF3CB0  }
0x71: {  	[hbm4b:s1+s2] =	stream.linear.scatter [tilespmem:s9], [sflag:$0x4], $0xC350, $0x38;
	[tilespmem:$0x18700] =	vst v63  }
0x72: {  	_ =	swait.ge [sflag:s7], $0xC350  }
0x73: {  	[sflag:s7] =	ssyncset.done $0x0  }
0x74: {  	s1 =	rddreg [dreg:$0xb];
	[sflag:s7] =	ssyncadd.s32 $0xFFFF3CB0  }
0x75: {  	[tilespmem:s2], [sflag:$0x1] =	stream.linear.gather [hbm4b:s1+s2], $0xC350, $0x38;
	[tilespmem:$0x18700] =	vst v63  }
0x76: {  	_ =	swait.ge [sflag:s13], $0xC350  }
0x77: {  	[sflag:s13] =	ssyncset.done $0x0  }
0x78: {  	s1 =	rddreg [dreg:$0xc];
	[sflag:s13] =	ssyncadd.s32 $0xFFFF3CB0  }
0x79: {  	[hbm4b:s1+s2] =	stream.linear.scatter [tilespmem:s2], [sflag:$0x3], $0xC350, $0x38;
	[tilespmem:$0x18700] =	vst v63  }
0x7a: {  	_ =	swait.ge [sflag:s6], $0xC350  }
0x7b: {  	[sflag:s6] =	ssyncset.done $0x0  }
0x7c: {  	s1 =	rddreg [dreg:$0xd];
	[sflag:s6] =	ssyncadd.s32 $0xFFFF3CB0  }
0x7d: {  	[tilespmem:s9], [sflag:$0x2] =	stream.linear.gather [hbm4b:s1+s2], $0xC350, $0x38;
	[tilespmem:$0x18700] =	vst v63  }
0x7e: {  	_ =	swait.ge [sflag:s10], $0xC350  }
0x7f: {  	[sflag:s10] =	ssyncset.done $0x0  }
0x80: {  	s1 =	rddreg [dreg:$0xe];
	[sflag:s10] =	ssyncadd.s32 $0xFFFF3CB0  }
0x81: {  	[hbm4b:s1+s2] =	stream.linear.scatter [tilespmem:s9], [sflag:$0x4], $0xC350, $0x38;
	[tilespmem:$0x18700] =	vst v63  }
0x82: {  	_ =	swait.ge [sflag:s7], $0xC350  }
0x83: {  	[sflag:s7] =	ssyncset.done $0x0  }
0x84: {  	s1 =	rddreg [dreg:$0xf];
	[sflag:s7] =	ssyncadd.s32 $0xFFFF3CB0  }
0x85: {  	[tilespmem:s2], [sflag:$0x1] =	stream.linear.gather [hbm4b:s1+s2], $0xC350, $0x38;
	[tilespmem:$0x18700] =	vst v63  }
0x86: {  	_ =	swait.ge [sflag:s13], $0xC350  }
0x87: {  	[sflag:s13] =	ssyncset.done $0x0  }
0x88: {  	s1 =	rddreg [dreg:$0x10];
	[sflag:s13] =	ssyncadd.s32 $0xFFFF3CB0  }
0x89: {  	[hbm4b:s1+s2] =	stream.linear.scatter [tilespmem:s2], [sflag:$0x3], $0xC350, $0x38;
	[tilespmem:$0x18700] =	vst v63  }
0x8a: {  	_ =	swait.ge [sflag:s6], $0xC350  }
0x8b: {  	[sflag:s6] =	ssyncset.done $0x0  }
0x8c: {  	s1 =	rddreg [dreg:$0x11];
	[sflag:s6] =	ssyncadd.s32 $0xFFFF3CB0  }
0x8d: {  	[tilespmem:s9], [sflag:$0x2] =	stream.linear.gather [hbm4b:s1+s2], $0xC350, $0x38;
	[tilespmem:$0x18700] =	vst v63  }
0x8e: {  	_ =	swait.ge [sflag:s10], $0xC350  }
0x8f: {  	[sflag:s10] =	ssyncset.done $0x0  }
0x90: {  	s1 =	rddreg [dreg:$0x12];
	[sflag:s10] =	ssyncadd.s32 $0xFFFF3CB0  }
0x91: {  	[hbm4b:s1+s2] =	stream.linear.scatter [tilespmem:s9], [sflag:$0x4], $0xC350, $0x38;
	[tilespmem:$0x18700] =	vst v63  }
0x92: {  	_ =	swait.ge [sflag:s7], $0xC350  }
0x93: {  	[sflag:s7] =	ssyncset.done $0x0  }
0x94: {  	s1 =	rddreg [dreg:$0x13];
	[sflag:s7] =	ssyncadd.s32 $0xFFFF3CB0  }
0x95: {  	[tilespmem:s2], [sflag:$0x1] =	stream.linear.gather [hbm4b:s1+s2], $0xC350, $0x38;
	[tilespmem:$0x18700] =	vst v63  }
0x96: {  	_ =	swait.ge [sflag:s13], $0xC350  }
0x97: {  	[sflag:s13] =	ssyncset.done $0x0  }
0x98: {  	s1 =	rddreg [dreg:$0x14];
	[sflag:s13] =	ssyncadd.s32 $0xFFFF3CB0  }
0x99: {  	[hbm4b:s1+s2] =	stream.linear.scatter [tilespmem:s2], [sflag:$0x3], $0xC350, $0x38;
	[tilespmem:$0x18700] =	vst v63  }
0x9a: {  	_ =	swait.ge [sflag:s6], $0xC350  }
0x9b: {  	[sflag:s6] =	ssyncset.done $0x0  }
0x9c: {  	s1 =	rddreg [dreg:$0x15];
	[sflag:s6] =	ssyncadd.s32 $0xFFFF3CB0  }
0x9d: {  	[tilespmem:s9], [sflag:$0x2] =	stream.linear.gather [hbm4b:s1+s2], $0xC350, $0x38;
	[tilespmem:$0x18700] =	vst v63  }
0x9e: {  	_ =	swait.ge [sflag:s10], $0xC350  }
0x9f: {  	[sflag:s10] =	ssyncset.done $0x0  }
0xa0: {  	s1 =	rddreg [dreg:$0x16];
	[sflag:s10] =	ssyncadd.s32 $0xFFFF3CB0  }
0xa1: {  	[hbm4b:s1+s2] =	stream.linear.scatter [tilespmem:s9], [sflag:$0x4], $0xC350, $0x38;
	[tilespmem:$0x18700] =	vst v63  }
0xa2: {  	_ =	swait.ge [sflag:s7], $0xC350  }
0xa3: {  	[sflag:s7] =	ssyncset.done $0x0  }
0xa4: {  	s1 =	rddreg [dreg:$0x17];
	[sflag:s7] =	ssyncadd.s32 $0xFFFF3CB0  }
0xa5: {  	[tilespmem:s2], [sflag:$0x1] =	stream.linear.gather [hbm4b:s1+s2], $0xC350, $0x38;
	[tilespmem:$0x18700] =	vst v63  }
0xa6: {  	_ =	swait.ge [sflag:s13], $0xC350  }
0xa7: {  	[sflag:s13] =	ssyncset.done $0x0  }
0xa8: {  	s1 =	rddreg [dreg:$0x18];
	[sflag:s13] =	ssyncadd.s32 $0xFFFF3CB0  }
0xa9: {  	[hbm4b:s1+s2] =	stream.linear.scatter [tilespmem:s2], [sflag:$0x3], $0xC350, $0x38;
	[tilespmem:$0x18700] =	vst v63  }
0xaa: {  	_ =	swait.ge [sflag:s6], $0xC350  }
0xab: {  	[sflag:s6] =	ssyncset.done $0x0  }
0xac: {  	s1 =	rddreg [dreg:$0x19];
	[sflag:s6] =	ssyncadd.s32 $0xFFFF3CB0  }
0xad: {  	[tilespmem:s9], [sflag:$0x2] =	stream.linear.gather [hbm4b:s1+s2], $0xC350, $0x38;
	[tilespmem:$0x18700] =	vst v63  }
0xae: {  	_ =	swait.ge [sflag:s10], $0xC350  }
0xaf: {  	[sflag:s10] =	ssyncset.done $0x0  }
0xb0: {  	s1 =	rddreg [dreg:$0x1a];
	[sflag:s10] =	ssyncadd.s32 $0xFFFF3CB0  }
0xb1: {  	[hbm4b:s1+s2] =	stream.linear.scatter [tilespmem:s9], [sflag:$0x4], $0xC350, $0x38;
	[tilespmem:$0x18700] =	vst v63  }
0xb2: {  	_ =	swait.ge [sflag:s7], $0xC350  }
0xb3: {  	[sflag:s7] =	ssyncset.done $0x0  }
0xb4: {  	s1 =	rddreg [dreg:$0x1b];
	[sflag:s7] =	ssyncadd.s32 $0xFFFF3CB0  }
0xb5: {  	[tilespmem:s2], [sflag:$0x1] =	stream.linear.gather [hbm4b:s1+s2], $0xC350, $0x38;
	[tilespmem:$0x18700] =	vst v63  }
0xb6: {  	_ =	swait.ge [sflag:s13], $0xC350  }
0xb7: {  	[sflag:s13] =	ssyncset.done $0x0  }
0xb8: {  	s1 =	rddreg [dreg:$0x1c];
	[sflag:s13] =	ssyncadd.s32 $0xFFFF3CB0  }
0xb9: {  	[hbm4b:s1+s2] =	stream.linear.scatter [tilespmem:s2], [sflag:$0x3], $0xC350, $0x38;
	[tilespmem:$0x18700] =	vst v63  }
0xba: {  	_ =	swait.ge [sflag:s6], $0xC350  }
0xbb: {  	[sflag:s6] =	ssyncset.done $0x0  }
0xbc: {  	s1 =	rddreg [dreg:$0x1d];
	[sflag:s6] =	ssyncadd.s32 $0xFFFF3CB0  }
0xbd: {  	[tilespmem:s9], [sflag:$0x2] =	stream.linear.gather [hbm4b:s1+s2], $0xC350, $0x38;
	[tilespmem:$0x18700] =	vst v63  }
0xbe: {  	_ =	swait.ge [sflag:s10], $0xC350  }
0xbf: {  	[sflag:s10] =	ssyncset.done $0x0  }
0xc0: {  	s1 =	rddreg [dreg:$0x1e];
	[sflag:s10] =	ssyncadd.s32 $0xFFFF3CB0  }
0xc1: {  	[hbm4b:s1+s2] =	stream.linear.scatter [tilespmem:s9], [sflag:$0x4], $0xC350, $0x38;
	[tilespmem:$0x18700] =	vst v63  }
0xc2: {  	_ =	swait.ge [sflag:s7], $0xC350  }
0xc3: {  	[sflag:s7] =	ssyncset.done $0x0  }
0xc4: {  	s1 =	rddreg [dreg:$0x1f];
	[sflag:s7] =	ssyncadd.s32 $0xFFFF3CB0  }
0xc5: {  	[tilespmem:s2], [sflag:$0x1] =	stream.linear.gather [hbm4b:s1+s2], $0xC350, $0x38;
	[tilespmem:$0x18700] =	vst v63  }
0xc6: {  	_ =	swait.ge [sflag:s13], $0xC350  }
0xc7: {  	s1 =	sld [smem:$0x7DA]  }
0xc8: {  	[sflag:s13] =	ssyncset.done $0x0  }
0xc9: {  	[sflag:s13] =	ssyncadd.s32 $0xFFFF3CB0  }
0xca: {  	[hbm4b:s1+s2] =	stream.linear.scatter [tilespmem:s2], [sflag:$0x3], $0xC350, $0x38;
	[tilespmem:$0x18700] =	vst v63  }
0xcb: {  	_ =	swait.ge [sflag:s6], $0xC350  }
0xcc: {  	s1 =	sld [smem:$0x7DB]  }
0xcd: {  	[sflag:s6] =	ssyncset.done $0x0  }
0xce: {  	[sflag:s6] =	ssyncadd.s32 $0xFFFF3CB0  }
0xcf: {  	[tilespmem:s9], [sflag:$0x2] =	stream.linear.gather [hbm4b:s1+s2], $0xC350, $0x38;
	[tilespmem:$0x18700] =	vst v63  }
0xd0: {  	_ =	swait.ge [sflag:s10], $0xC350  }
0xd1: {  	s1 =	sld [smem:$0x7DC]  }
0xd2: {  	[sflag:s10] =	ssyncset.done $0x0  }
0xd3: {  	[sflag:s10] =	ssyncadd.s32 $0xFFFF3CB0  }
0xd4: {  	[hbm4b:s1+s2] =	stream.linear.scatter [tilespmem:s9], [sflag:$0x4], $0xC350, $0x38;
	[tilespmem:$0x18700] =	vst v63  }
0xd5: {  	_ =	swait.ge [sflag:s7], $0xC350  }
0xd6: {  	s1 =	sld [smem:$0x7DD]  }
0xd7: {  	[sflag:s7] =	ssyncset.done $0x0  }
0xd8: {  	[sflag:s7] =	ssyncadd.s32 $0xFFFF3CB0  }
0xd9: {  	[tilespmem:s2], [sflag:$0x1] =	stream.linear.gather [hbm4b:s1+s2], $0xC350, $0x38;
	[tilespmem:$0x18700] =	vst v63  }
0xda: {  	_ =	swait.ge [sflag:s13], $0xC350  }
0xdb: {  	s1 =	sld [smem:$0x7DE]  }
0xdc: {  	[sflag:s13] =	ssyncset.done $0x0  }
0xdd: {  	[sflag:s13] =	ssyncadd.s32 $0xFFFF3CB0  }
0xde: {  	[hbm4b:s1+s2] =	stream.linear.scatter [tilespmem:s2], [sflag:$0x3], $0xC350, $0x38;
	[tilespmem:$0x18700] =	vst v63  }
0xdf: {  	_ =	swait.ge [sflag:s6], $0xC350  }
0xe0: {  	s1 =	sld [smem:$0x7DF]  }
0xe1: {  	[sflag:s6] =	ssyncset.done $0x0  }
0xe2: {  	[sflag:s6] =	ssyncadd.s32 $0xFFFF3CB0  }
0xe3: {  	[tilespmem:s9], [sflag:$0x2] =	stream.linear.gather [hbm4b:s1+s2], $0xC350, $0x38;
	[tilespmem:$0x18700] =	vst v63  }
0xe4: {  	_ =	swait.ge [sflag:s10], $0xC350  }
0xe5: {  	s1 =	sld [smem:$0x7E0]  }
0xe6: {  	[sflag:s10] =	ssyncset.done $0x0  }
0xe7: {  	[sflag:s10] =	ssyncadd.s32 $0xFFFF3CB0  }
0xe8: {  	[hbm4b:s1+s2] =	stream.linear.scatter [tilespmem:s9], [sflag:$0x4], $0xC350, $0x38;
	[tilespmem:$0x18700] =	vst v63  }
0xe9: {  	_ =	swait.ge [sflag:s7], $0xC350  }
0xea: {  	s1 =	sld [smem:$0x7E1]  }
0xeb: {  	[sflag:s7] =	ssyncset.done $0x0  }
0xec: {  	[sflag:s7] =	ssyncadd.s32 $0xFFFF3CB0  }
0xed: {  	[tilespmem:s2], [sflag:$0x1] =	stream.linear.gather [hbm4b:s1+s2], $0xC350, $0x38;
	[tilespmem:$0x18700] =	vst v63  }
0xee: {  	_ =	swait.ge [sflag:s13], $0xC350  }
0xef: {  	s1 =	sld [smem:$0x7E2]  }
0xf0: {  	[sflag:s13] =	ssyncset.done $0x0  }
0xf1: {  	[sflag:s13] =	ssyncadd.s32 $0xFFFF3CB0  }
0xf2: {  	[hbm4b:s1+s2] =	stream.linear.scatter [tilespmem:s2], [sflag:$0x3], $0xC350, $0x38;
	[tilespmem:$0x18700] =	vst v63  }
0xf3: {  	_ =	swait.ge [sflag:s6], $0xC350  }
0xf4: {  	s1 =	sld [smem:$0x7E3]  }
0xf5: {  	[sflag:s6] =	ssyncset.done $0x0  }
0xf6: {  	[sflag:s6] =	ssyncadd.s32 $0xFFFF3CB0  }
0xf7: {  	[tilespmem:s9], [sflag:$0x2] =	stream.linear.gather [hbm4b:s1+s2], $0xC350, $0x38;
	[tilespmem:$0x18700] =	vst v63  }
0xf8: {  	_ =	swait.ge [sflag:s10], $0xC350  }
0xf9: {  	s1 =	sld [smem:$0x7E4]  }
0xfa: {  	[sflag:s10] =	ssyncset.done $0x0  }
0xfb: {  	[sflag:s10] =	ssyncadd.s32 $0xFFFF3CB0  }
0xfc: {  	[hbm4b:s1+s2] =	stream.linear.scatter [tilespmem:s9], [sflag:$0x4], $0xC350, $0x38;
	[tilespmem:$0x18700] =	vst v63  }
0xfd: {  	_ =	swait.ge [sflag:s7], $0xC350  }
0xfe: {  	s1 =	sld [smem:$0x7E5]  }
0xff: {  	[sflag:s7] =	ssyncset.done $0x0  }
0x100: {  	[sflag:s7] =	ssyncadd.s32 $0xFFFF3CB0  }
0x101: {  	[tilespmem:s2], [sflag:$0x1] =	stream.linear.gather [hbm4b:s1+s2], $0xC350, $0x38;
	[tilespmem:$0x18700] =	vst v63  }
0x102: {  	_ =	swait.ge [sflag:s13], $0xC350  }
0x103: {  	s1 =	sld [smem:$0x7E6]  }
0x104: {  	[sflag:s13] =	ssyncset.done $0x0  }
0x105: {  	[sflag:s13] =	ssyncadd.s32 $0xFFFF3CB0  }
0x106: {  	[hbm4b:s1+s2] =	stream.linear.scatter [tilespmem:s2], [sflag:$0x3], $0xC350, $0x38;
	[tilespmem:$0x18700] =	vst v63  }
0x107: {  	_ =	swait.ge [sflag:s6], $0xC350  }
0x108: {  	s1 =	sld [smem:$0x7E7]  }
0x109: {  	[sflag:s6] =	ssyncset.done $0x0  }
0x10a: {  	[sflag:s6] =	ssyncadd.s32 $0xFFFF3CB0  }
0x10b: {  	[tilespmem:s9], [sflag:$0x2] =	stream.linear.gather [hbm4b:s1+s2], $0xC350, $0x38;
	[tilespmem:$0x18700] =	vst v63  }
0x10c: {  	_ =	swait.ge [sflag:s10], $0xC350  }
0x10d: {  	s1 =	sld [smem:$0x7E8]  }
0x10e: {  	[sflag:s10] =	ssyncset.done $0x0  }
0x10f: {  	[sflag:s10] =	ssyncadd.s32 $0xFFFF3CB0  }
0x110: {  	[hbm4b:s1+s2] =	stream.linear.scatter [tilespmem:s9], [sflag:$0x4], $0xC350, $0x38;
	[tilespmem:$0x18700] =	vst v63  }
0x111: {  	_ =	swait.ge [sflag:s7], $0xC350  }
0x112: {  	s1 =	sld [smem:$0x7E9]  }
0x113: {  	[sflag:s7] =	ssyncset.done $0x0  }
0x114: {  	[sflag:s7] =	ssyncadd.s32 $0xFFFF3CB0  }
0x115: {  	[tilespmem:s2], [sflag:$0x1] =	stream.linear.gather [hbm4b:s1+s2], $0xC350, $0x38;
	[tilespmem:$0x18700] =	vst v63  }
0x116: {  	_ =	swait.ge [sflag:s13], $0xC350  }
0x117: {  	s1 =	sld [smem:$0x7EA]  }
0x118: {  	[sflag:s13] =	ssyncset.done $0x0  }
0x119: {  	[sflag:s13] =	ssyncadd.s32 $0xFFFF3CB0  }
0x11a: {  	[hbm4b:s1+s2] =	stream.linear.scatter [tilespmem:s2], [sflag:$0x3], $0xC350, $0x38;
	[tilespmem:$0x18700] =	vst v63  }
0x11b: {  	_ =	swait.ge [sflag:s6], $0xC350  }
0x11c: {  	s1 =	sld [smem:$0x7EB]  }
0x11d: {  	[sflag:s6] =	ssyncset.done $0x0  }
0x11e: {  	[sflag:s6] =	ssyncadd.s32 $0xFFFF3CB0  }
0x11f: {  	[tilespmem:s9], [sflag:$0x2] =	stream.linear.gather [hbm4b:s1+s2], $0xC350, $0x38;
	[tilespmem:$0x18700] =	vst v63  }
0x120: {  	_ =	swait.ge [sflag:s10], $0xC350  }
0x121: {  	s1 =	sld [smem:$0x7EC]  }
0x122: {  	[sflag:s10] =	ssyncset.done $0x0  }
0x123: {  	[sflag:s10] =	ssyncadd.s32 $0xFFFF3CB0  }
0x124: {  	[hbm4b:s1+s2] =	stream.linear.scatter [tilespmem:s9], [sflag:$0x4], $0xC350, $0x38;
	[tilespmem:$0x18700] =	vst v63  }
0x125: {  	_ =	swait.ge [sflag:s7], $0xC350  }
0x126: {  	s1 =	sld [smem:$0x7ED]  }
0x127: {  	[sflag:s7] =	ssyncset.done $0x0  }
0x128: {  	[sflag:s7] =	ssyncadd.s32 $0xFFFF3CB0  }
0x129: {  	[tilespmem:s2], [sflag:$0x1] =	stream.linear.gather [hbm4b:s1+s2], $0xC350, $0x38;
	[tilespmem:$0x18700] =	vst v63  }
0x12a: {  	_ =	swait.ge [sflag:s13], $0xC350  }
0x12b: {  	s1 =	sld [smem:$0x7EE]  }
0x12c: {  	[sflag:s13] =	ssyncset.done $0x0  }
0x12d: {  	[sflag:s13] =	ssyncadd.s32 $0xFFFF3CB0  }
0x12e: {  	[hbm4b:s1+s2] =	stream.linear.scatter [tilespmem:s2], [sflag:$0x3], $0xC350, $0x38;
	[tilespmem:$0x18700] =	vst v63  }
0x12f: {  	_ =	swait.ge [sflag:s6], $0xC350  }
0x130: {  	s1 =	sld [smem:$0x7EF]  }
0x131: {  	[sflag:s6] =	ssyncset.done $0x0  }
0x132: {  	[sflag:s6] =	ssyncadd.s32 $0xFFFF3CB0  }
0x133: {  	[tilespmem:s9], [sflag:$0x2] =	stream.linear.gather [hbm4b:s1+s2], $0xC350, $0x38;
	[tilespmem:$0x18700] =	vst v63  }
0x134: {  	_ =	swait.ge [sflag:s10], $0xC350  }
0x135: {  	s1 =	sld [smem:$0x7F0]  }
0x136: {  	[sflag:s10] =	ssyncset.done $0x0  }
0x137: {  	[sflag:s10] =	ssyncadd.s32 $0xFFFF3CB0  }
0x138: {  	[hbm4b:s1+s2] =	stream.linear.scatter [tilespmem:s9], [sflag:$0x4], $0xC350, $0x38;
	[tilespmem:$0x18700] =	vst v63  }
0x139: {  	_ =	swait.ge [sflag:s7], $0xC350  }
0x13a: {  	s1 =	sld [smem:$0x7F1]  }
0x13b: {  	[sflag:s7] =	ssyncset.done $0x0  }
0x13c: {  	[sflag:s7] =	ssyncadd.s32 $0xFFFF3CB0  }
0x13d: {  	[tilespmem:s2], [sflag:$0x1] =	stream.linear.gather [hbm4b:s1+s2], $0xC350, $0x38;
	[tilespmem:$0x18700] =	vst v63  }
0x13e: {  	_ =	swait.ge [sflag:s13], $0xC350  }
0x13f: {  	s1 =	sld [smem:$0x7F2]  }
0x140: {  	[sflag:s13] =	ssyncset.done $0x0  }
0x141: {  	[sflag:s13] =	ssyncadd.s32 $0xFFFF3CB0  }
0x142: {  	[hbm4b:s1+s2] =	stream.linear.scatter [tilespmem:s2], [sflag:$0x3], $0xC350, $0x38;
	[tilespmem:$0x18700] =	vst v63  }
0x143: {  	_ =	swait.ge [sflag:s6], $0xC350  }
0x144: {  	s1 =	sld [smem:$0x7F3]  }
0x145: {  	[sflag:s6] =	ssyncset.done $0x0  }
0x146: {  	[sflag:s6] =	ssyncadd.s32 $0xFFFF3CB0  }
0x147: {  	[tilespmem:s9], [sflag:$0x2] =	stream.linear.gather [hbm4b:s1+s2], $0xC350, $0x38;
	[tilespmem:$0x18700] =	vst v63  }
0x148: {  	_ =	swait.ge [sflag:s10], $0xC350  }
0x149: {  	s1 =	sld [smem:$0x7F4]  }
0x14a: {  	[sflag:s10] =	ssyncset.done $0x0  }
0x14b: {  	[sflag:s10] =	ssyncadd.s32 $0xFFFF3CB0  }
0x14c: {  	[hbm4b:s1+s2] =	stream.linear.scatter [tilespmem:s9], [sflag:$0x4], $0xC350, $0x38;
	[tilespmem:$0x18700] =	vst v63  }
0x14d: {  	_ =	swait.ge [sflag:s7], $0xC350  }
0x14e: {  	s1 =	sld [smem:$0x7F5]  }
0x14f: {  	[sflag:s7] =	ssyncset.done $0x0  }
0x150: {  	[sflag:s7] =	ssyncadd.s32 $0xFFFF3CB0  }
0x151: {  	[tilespmem:s2], [sflag:$0x1] =	stream.linear.gather [hbm4b:s1+s2], $0xC350, $0x38;
	[tilespmem:$0x18700] =	vst v63  }
0x152: {  	_ =	swait.ge [sflag:s13], $0xC350  }
0x153: {  	s1 =	sld [smem:$0x7F6]  }
0x154: {  	[sflag:s13] =	ssyncset.done $0x0  }
0x155: {  	[sflag:s13] =	ssyncadd.s32 $0xFFFF3CB0  }
0x156: {  	[hbm4b:s1+s2] =	stream.linear.scatter [tilespmem:s2], [sflag:$0x3], $0xC350, $0x38;
	[tilespmem:$0x18700] =	vst v63  }
0x157: {  	_ =	swait.ge [sflag:s6], $0xC350  }
0x158: {  	s1 =	sld [smem:$0x7F7]  }
0x159: {  	[sflag:s6] =	ssyncset.done $0x0  }
0x15a: {  	[sflag:s6] =	ssyncadd.s32 $0xFFFF3CB0  }
0x15b: {  	[tilespmem:s9], [sflag:$0x2] =	stream.linear.gather [hbm4b:s1+s2], $0xC350, $0x38;
	[tilespmem:$0x18700] =	vst v63  }
0x15c: {  	_ =	swait.ge [sflag:s10], $0xC350  }
0x15d: {  	s1 =	sld [smem:$0x7F8]  }
0x15e: {  	[sflag:s10] =	ssyncset.done $0x0  }
0x15f: {  	[sflag:s10] =	ssyncadd.s32 $0xFFFF3CB0  }
0x160: {  	[hbm4b:s1+s2] =	stream.linear.scatter [tilespmem:s9], [sflag:$0x4], $0xC350, $0x38;
	[tilespmem:$0x18700] =	vst v63  }
0x161: {  	_ =	swait.ge [sflag:s7], $0xC350  }
0x162: {  	s1 =	sld [smem:$0x7F9]  }
0x163: {  	[sflag:s7] =	ssyncset.done $0x0  }
0x164: {  	[sflag:s7] =	ssyncadd.s32 $0xFFFF3CB0  }
0x165: {  	[tilespmem:s2], [sflag:$0x1] =	stream.linear.gather [hbm4b:s1+s2], $0xC350, $0x38;
	[tilespmem:$0x18700] =	vst v63  }
0x166: {  	_ =	swait.ge [sflag:s13], $0xC350  }
0x167: {  	s1 =	sld [smem:$0x7FA]  }
0x168: {  	[sflag:s13] =	ssyncset.done $0x0  }
0x169: {  	[sflag:s13] =	ssyncadd.s32 $0xFFFF3CB0  }
0x16a: {  	[hbm4b:s1+s2] =	stream.linear.scatter [tilespmem:s2], [sflag:$0x3], $0xC350, $0x38;
	[tilespmem:$0x18700] =	vst v63  }
0x16b: {  	_ =	swait.ge [sflag:s6], $0xC350  }
0x16c: {  	s1 =	sld [smem:$0x7FB]  }
0x16d: {  	[sflag:s6] =	ssyncset.done $0x0  }
0x16e: {  	[sflag:s6] =	ssyncadd.s32 $0xFFFF3CB0  }
0x16f: {  	[tilespmem:s9], [sflag:$0x2] =	stream.linear.gather [hbm4b:s1+s2], $0xC350, $0x38;
	[tilespmem:$0x18700] =	vst v63  }
0x170: {  	_ =	swait.ge [sflag:s10], $0xC350  }
0x171: {  	s1 =	sld [smem:$0x7FC]  }
0x172: {  	[sflag:s10] =	ssyncset.done $0x0  }
0x173: {  	[sflag:s10] =	ssyncadd.s32 $0xFFFF3CB0  }
0x174: {  	[hbm4b:s1+s2] =	stream.linear.scatter [tilespmem:s9], [sflag:$0x4], $0xC350, $0x38;
	[tilespmem:$0x18700] =	vst v63  }
0x175: {  	_ =	swait.ge [sflag:s7], $0xC350  }
0x176: {  	s1 =	sld [smem:$0x7FD]  }
0x177: {  	[sflag:s7] =	ssyncset.done $0x0  }
0x178: {  	[sflag:s7] =	ssyncadd.s32 $0xFFFF3CB0  }
0x179: {  	[tilespmem:s2], [sflag:$0x1] =	stream.linear.gather [hbm4b:s1+s2], $0xC350, $0x38;
	[tilespmem:$0x18700] =	vst v63  }
0x17a: {  	_ =	swait.ge [sflag:s13], $0xC350  }
0x17b: {  	[sflag:s13] =	ssyncset.done $0x0  }
0x17c: {  	[sflag:s13] =	ssyncadd.s32 $0xFFFF3CB0  }
0x17d: {  	[hbm4b:s31+s2] =	stream.linear.scatter [tilespmem:s2], [sflag:$0x3], $0xC350, $0x38;
	[tilespmem:$0x18700] =	vst v63  }
0x17e: {  	_ =	swait.ge [sflag:s6], $0xC350  }
0x17f: {  	[sflag:s6] =	ssyncset.done $0x0  }
0x180: {  	[sflag:s6] =	ssyncadd.s32 $0xFFFF3CB0  }
0x181: {  	[tilespmem:s9], [sflag:$0x2] =	stream.linear.gather [hbm4b:s30+s2], $0xC350, $0x38;
	[tilespmem:$0x18700] =	vst v63  }
0x182: {  	_ =	swait.ge [sflag:s10], $0xC350  }
0x183: {  	[sflag:s10] =	ssyncset.done $0x0  }
0x184: {  	[sflag:s10] =	ssyncadd.s32 $0xFFFF3CB0  }
0x185: {  	[hbm4b:s29+s2] =	stream.linear.scatter [tilespmem:s9], [sflag:$0x4], $0xC350, $0x38;
	[tilespmem:$0x18700] =	vst v63  }
0x186: {  	_ =	swait.ge [sflag:s7], $0xC350  }
0x187: {  	[sflag:s7] =	ssyncset.done $0x0  }
0x188: {  	[sflag:s7] =	ssyncadd.s32 $0xFFFF3CB0  }
0x189: {  	[tilespmem:s2], [sflag:$0x1] =	stream.linear.gather [hbm4b:s28+s2], $0xC350, $0x38;
	[tilespmem:$0x18700] =	vst v63  }
0x18a: {  	_ =	swait.ge [sflag:s13], $0xC350  }
0x18b: {  	[sflag:s13] =	ssyncset.done $0x0  }
0x18c: {  	[sflag:s13] =	ssyncadd.s32 $0xFFFF3CB0  }
0x18d: {  	[hbm4b:s26+s2] =	stream.linear.scatter [tilespmem:s2], [sflag:$0x3], $0xC350, $0x38;
	[tilespmem:$0x18700] =	vst v63  }
0x18e: {  	_ =	swait.ge [sflag:s6], $0xC350  }
0x18f: {  	[sflag:s6] =	ssyncset.done $0x0  }
0x190: {  	[sflag:s6] =	ssyncadd.s32 $0xFFFF3CB0  }
0x191: {  	[tilespmem:s9], [sflag:$0x2] =	stream.linear.gather [hbm4b:s25+s2], $0xC350, $0x38;
	[tilespmem:$0x18700] =	vst v63  }
0x192: {  	_ =	swait.ge [sflag:s10], $0xC350  }
0x193: {  	[sflag:s10] =	ssyncset.done $0x0  }
0x194: {  	[sflag:s10] =	ssyncadd.s32 $0xFFFF3CB0  }
0x195: {  	[hbm4b:s24+s2] =	stream.linear.scatter [tilespmem:s9], [sflag:$0x4], $0xC350, $0x38;
	[tilespmem:$0x18700] =	vst v63  }
0x196: {  	_ =	swait.ge [sflag:s7], $0xC350  }
0x197: {  	[sflag:s7] =	ssyncset.done $0x0  }
0x198: {  	[sflag:s7] =	ssyncadd.s32 $0xFFFF3CB0  }
0x199: {  	[tilespmem:s2], [sflag:$0x1] =	stream.linear.gather [hbm4b:s23+s2], $0xC350, $0x38;
	[tilespmem:$0x18700] =	vst v63  }
0x19a: {  	_ =	swait.ge [sflag:s13], $0xC350  }
0x19b: {  	[sflag:s13] =	ssyncset.done $0x0  }
0x19c: {  	[sflag:s13] =	ssyncadd.s32 $0xFFFF3CB0  }
0x19d: {  	[hbm4b:s22+s2] =	stream.linear.scatter [tilespmem:s2], [sflag:$0x3], $0xC350, $0x38;
	[tilespmem:$0x18700] =	vst v63  }
0x19e: {  	_ =	swait.ge [sflag:s6], $0xC350  }
0x19f: {  	[sflag:s6] =	ssyncset.done $0x0  }
0x1a0: {  	[sflag:s6] =	ssyncadd.s32 $0xFFFF3CB0  }
0x1a1: {  	[tilespmem:s9], [sflag:$0x2] =	stream.linear.gather [hbm4b:s21+s2], $0xC350, $0x38;
	[tilespmem:$0x18700] =	vst v63  }
0x1a2: {  	_ =	swait.ge [sflag:s10], $0xC350  }
0x1a3: {  	[sflag:s10] =	ssyncset.done $0x0  }
0x1a4: {  	[sflag:s10] =	ssyncadd.s32 $0xFFFF3CB0  }
0x1a5: {  	[hbm4b:s20+s2] =	stream.linear.scatter [tilespmem:s9], [sflag:$0x4], $0xC350, $0x38;
	[tilespmem:$0x18700] =	vst v63  }
0x1a6: {  	_ =	swait.ge [sflag:s7], $0xC350  }
0x1a7: {  	[sflag:s7] =	ssyncset.done $0x0  }
0x1a8: {  	[sflag:s7] =	ssyncadd.s32 $0xFFFF3CB0  }
0x1a9: {  	[tilespmem:s2], [sflag:$0x1] =	stream.linear.gather [hbm4b:s19+s2], $0xC350, $0x38;
	[tilespmem:$0x18700] =	vst v63  }
0x1aa: {  	_ =	swait.ge [sflag:s13], $0xC350  }
0x1ab: {  	[sflag:s13] =	ssyncset.done $0x0  }
0x1ac: {  	[sflag:s13] =	ssyncadd.s32 $0xFFFF3CB0  }
0x1ad: {  	[hbm4b:s18+s2] =	stream.linear.scatter [tilespmem:s2], [sflag:$0x3], $0xC350, $0x38;
	[tilespmem:$0x18700] =	vst v63  }
0x1ae: {  	_ =	swait.ge [sflag:s6], $0xC350  }
0x1af: {  	[sflag:s6] =	ssyncset.done $0x0  }
0x1b0: {  	[sflag:s6] =	ssyncadd.s32 $0xFFFF3CB0  }
0x1b1: {  	[tilespmem:s9], [sflag:$0x2] =	stream.linear.gather [hbm4b:s17+s2], $0xC350, $0x38;
	[tilespmem:$0x18700] =	vst v63  }
0x1b2: {  	_ =	swait.ge [sflag:s10], $0xC350  }
0x1b3: {  	[sflag:s10] =	ssyncset.done $0x0  }
0x1b4: {  	[sflag:s10] =	ssyncadd.s32 $0xFFFF3CB0  }
0x1b5: {  	[hbm4b:s16+s2] =	stream.linear.scatter [tilespmem:s9], [sflag:$0x4], $0xC350, $0x38;
	[tilespmem:$0x18700] =	vst v63  }
0x1b6: {  	_ =	swait.ge [sflag:s7], $0xC350  }
0x1b7: {  	[sflag:s7] =	ssyncset.done $0x0  }
0x1b8: {  	[sflag:s7] =	ssyncadd.s32 $0xFFFF3CB0  }
0x1b9: {  	_ =	swait.ge [sflag:s6], $0xC350  }
0x1ba: {  	[sflag:s6] =	ssyncset.done $0x0  }
0x1bb: {  	[sflag:s6] =	ssyncadd.s32 $0xFFFF3CB0  }
0x1bc: {  	[tilespmem:s2], [sflag:$0x1] =	stream.linear.gather [hbm4b:s15+s2], $0xC350, $0x38;
	[tilespmem:$0x18700] =	vst v63  }
0x1bd: {  	_ =	swait.ge [sflag:s13], $0xC350  }
0x1be: {  	[sflag:s13] =	ssyncset.done $0x0  }
0x1bf: {  	[sflag:s13] =	ssyncadd.s32 $0xFFFF3CB0  }
0x1c0: {  	[hbm4b:s14+s2] =	stream.linear.scatter [tilespmem:s2], [sflag:$0x3], $0xC350, $0x38;
	[tilespmem:$0x18700] =	vst v63  }
0x1c1: {  	_ = 	snop  }
0x1c2: {  	[tilespmem:s9], [sflag:$0x2] =	stream.linear.gather [hbm4b:s12+s2], $0xC350, $0x38;
	[tilespmem:$0x18700] =	vst v63  }
0x1c3: {  	_ =	swait.ge [sflag:s10], $0xC350  }
0x1c4: {  	[sflag:s10] =	ssyncset.done $0x0  }
0x1c5: {  	[sflag:s10] =	ssyncadd.s32 $0xFFFF3CB0  }
0x1c6: {  	[hbm4b:s11+s2] =	stream.linear.scatter [tilespmem:s9], [sflag:$0x4], $0xC350, $0x38;
	[tilespmem:$0x18700] =	vst v63  }
0x1c7: {  	_ =	swait.ge [sflag:s7], $0xC350  }
0x1c8: {  	[sflag:s7] =	ssyncset.done $0x0  }
0x1c9: {  	[sflag:s7] =	ssyncadd.s32 $0xFFFF3CB0  }
0x1ca: {  	[tilespmem:s2], [sflag:$0x1] =	stream.linear.gather [hbm4b:s8+s2], $0xC350, $0x38;
	[tilespmem:$0x18700] =	vst v63  }
0x1cb: {  	_ =	swait.ge [sflag:s13], $0xC350  }
0x1cc: {  	[sflag:s13] =	ssyncset.done $0x0  }
0x1cd: {  	[sflag:s13] =	ssyncadd.s32 $0xFFFF3CB0  }
0x1ce: {  	[hbm4b:s4+s2] =	stream.linear.scatter [tilespmem:s2], [sflag:$0x3], $0xC350, $0x38;
	[tilespmem:$0x18700] =	vst v63  }
0x1cf: {  	_ =	swait.ge [sflag:s6], $0xC350  }
0x1d0: {  	[sflag:s6] =	ssyncset.done $0x0  }
0x1d1: {  	[sflag:s6] =	ssyncadd.s32 $0xFFFF3CB0  }
0x1d2: {  	[tilespmem:s9], [sflag:$0x2] =	stream.linear.gather [hbm4b:s5+s2], $0xC350, $0x38;
	[tilespmem:$0x18700] =	vst v63  }
0x1d3: {  	_ =	swait.ge [sflag:s10], $0xC350  }
0x1d4: {  	[sflag:s10] =	ssyncset.done $0x0  }
0x1d5: {  	[sflag:s10] =	ssyncadd.s32 $0xFFFF3CB0  }
0x1d6: {  	[hbm4b:s3+s2] =	stream.linear.scatter [tilespmem:s9], [sflag:$0x4], $0xC350, $0x38;
	[tilespmem:$0x18700] =	vst v63  }
0x1d7: {  	_ =	swait.ge [sflag:s7], $0xC350  }
0x1d8: {  	s1 =	sld [smem:$0x7D9];
	_ =	sdelay $0x2  }
0x1d9: {  	p1 =	sne.s32 s1, $0x1  }
.Ltmp1:
0x1da: {  	_ = 	snop;
	(pc) =	sbr.rel @!p1 .LBB2_3-.Ltmp1, $4  }
0x1db: {  	[sflag:s7] =	ssyncset.done $0x0  }
0x1dc: {  	[sflag:s7] =	ssyncadd.s32 $0xFFFF3CB0  }
0x1dd: {  	p0 =	por $0x1, $0x1;
	_ =	swait.ge [sflag:s6], $0xC350  }
0x1de: {  	s1 =	sadd.s32 $0xFFFFFFFF, s1;
	s0 =	rddreg [dreg:$0x3];
	[sflag:s6] =	ssyncset.done $0x0  }
.LBB2_2:
0x1df: {  	p1 =	sne.s32 s1, $0x1;
	s9 =	sadd.s32 $0xFFFFFFFF, s1  }
0x1e0: {  	[sflag:s6] =	ssyncadd.s32 $0xFFFF3CB0;
	s6 =	simm.s32 $0xC380;
	s1 =	smov.u32 s31  }
0x1e1: {  	s31 =	smov.u32 s30;
	s30 =	smov.u32 s29;
	s29 =	smov.u32 s28  }
0x1e2: {  	s28 =	smov.u32 s26;
	s26 =	smov.u32 s25;
	s25 =	smov.u32 s24  }
0x1e3: {  	s24 =	smov.u32 s23;
	s23 =	smov.u32 s22;
	s22 =	smov.u32 s21  }
0x1e4: {  	s21 =	smov.u32 s20;
	s20 =	smov.u32 s19;
	s19 =	smov.u32 s18  }
0x1e5: {  	s18 =	smov.u32 s17;
	s17 =	smov.u32 s16;
	s16 =	smov.u32 s15  }
0x1e6: {  	[tilespmem:s2], [sflag:$0x1] =	stream.linear.gather [hbm4b:s0+s2], $0xC350, $0x38;
	[tilespmem:$0x18700] =	vst v63  }
0x1e7: {  	s15 =	smov.u32 s14;
	s14 =	smov.u32 s12;
	_ =	swait.ge [sflag:s13], $0xC350  }
0x1e8: {  	s12 =	smov.u32 s11;
	s11 =	smov.u32 s8;
	[sflag:s13] =	ssyncset.done $0x0  }
0x1e9: {  	s8 =	smov.u32 s5;
	s0 =	rddreg [dreg:$0x4];
	[sflag:s13] =	ssyncadd.s32 $0xFFFF3CB0  }
0x1ea: {  	[hbm4b:s0+s2] =	stream.linear.scatter [tilespmem:s2], [sflag:$0x3], $0xC350, $0x38;
	[tilespmem:$0x18700] =	vst v63  }
0x1eb: {  	s5 =	smov.u32 s4;
	s4 =	smov.u32 s3;
	s3 =	rddreg [dreg:$0x5]  }
0x1ec: {  	[tilespmem:s6], [sflag:$0x2] =	stream.linear.gather [hbm4b:s3+s2], $0xC350, $0x38;
	[tilespmem:$0x18700] =	vst v63  }
0x1ed: {  	s3 =	smov.u32 s4;
	s4 =	smov.u32 s5  }
0x1ee: {  	s5 =	smov.u32 s8;
	s8 =	smov.u32 s11;
	s11 =	smov.u32 s12  }
0x1ef: {  	s12 =	smov.u32 s14;
	s14 =	smov.u32 s15;
	s15 =	smov.u32 s16  }
0x1f0: {  	s16 =	smov.u32 s17;
	s17 =	smov.u32 s18;
	s18 =	smov.u32 s19  }
0x1f1: {  	s19 =	smov.u32 s20;
	s20 =	smov.u32 s21;
	s21 =	smov.u32 s22  }
0x1f2: {  	s22 =	smov.u32 s23;
	s23 =	smov.u32 s24;
	s24 =	smov.u32 s25  }
0x1f3: {  	s25 =	smov.u32 s26;
	s26 =	smov.u32 s28;
	s28 =	smov.u32 s29  }
0x1f4: {  	s29 =	smov.u32 s30;
	s30 =	smov.u32 s31;
	_ =	swait.ge [sflag:s10], $0xC350  }
0x1f5: {  	s31 =	smov.u32 s1;
	s1 =	smov.u32 s9;
	[sflag:s10] =	ssyncset.done $0x0  }
0x1f6: {  	s9 =	simm.s32 $0xC380;
	s0 =	rddreg [dreg:$0x6];
	[sflag:s10] =	ssyncadd.s32 $0xFFFF3CB0  }
0x1f7: {  	[hbm4b:s0+s2] =	stream.linear.scatter [tilespmem:s9], [sflag:$0x4], $0xC350, $0x38;
	[tilespmem:$0x18700] =	vst v63  }
0x1f8: {  	_ =	swait.ge [sflag:s7], $0xC350  }
0x1f9: {  	[sflag:s7] =	ssyncset.done $0x0  }
0x1fa: {  	s0 =	rddreg [dreg:$0x7];
	[sflag:s7] =	ssyncadd.s32 $0xFFFF3CB0  }
0x1fb: {  	[tilespmem:s2], [sflag:$0x1] =	stream.linear.gather [hbm4b:s0+s2], $0xC350, $0x38;
	[tilespmem:$0x18700] =	vst v63  }
0x1fc: {  	_ =	swait.ge [sflag:s13], $0xC350  }
0x1fd: {  	[sflag:s13] =	ssyncset.done $0x0  }
0x1fe: {  	s6 =	simm.s32 $0x4;
	s0 =	rddreg [dreg:$0x8];
	[sflag:s13] =	ssyncadd.s32 $0xFFFF3CB0  }
0x1ff: {  	[hbm4b:s0+s2] =	stream.linear.scatter [tilespmem:s2], [sflag:$0x3], $0xC350, $0x38;
	[tilespmem:$0x18700] =	vst v63  }
0x200: {  	_ =	swait.ge [sflag:s6], $0xC350  }
0x201: {  	[sflag:s6] =	ssyncset.done $0x0  }
0x202: {  	s0 =	rddreg [dreg:$0x9];
	[sflag:s6] =	ssyncadd.s32 $0xFFFF3CB0  }
0x203: {  	[tilespmem:s9], [sflag:$0x2] =	stream.linear.gather [hbm4b:s0+s2], $0xC350, $0x38;
	[tilespmem:$0x18700] =	vst v63  }
0x204: {  	_ =	swait.ge [sflag:s10], $0xC350  }
0x205: {  	[sflag:s10] =	ssyncset.done $0x0  }
0x206: {  	s0 =	rddreg [dreg:$0xa];
	[sflag:s10] =	ssyncadd.s32 $0xFFFF3CB0  }
0x207: {  	[hbm4b:s0+s2] =	stream.linear.scatter [tilespmem:s9], [sflag:$0x4], $0xC350, $0x38;
	[tilespmem:$0x18700] =	vst v63  }
0x208: {  	_ =	swait.ge [sflag:s7], $0xC350  }
0x209: {  	[sflag:s7] =	ssyncset.done $0x0  }
0x20a: {  	s0 =	rddreg [dreg:$0xb];
	[sflag:s7] =	ssyncadd.s32 $0xFFFF3CB0  }
0x20b: {  	[tilespmem:s2], [sflag:$0x1] =	stream.linear.gather [hbm4b:s0+s2], $0xC350, $0x38;
	[tilespmem:$0x18700] =	vst v63  }
0x20c: {  	_ =	swait.ge [sflag:s13], $0xC350  }
0x20d: {  	[sflag:s13] =	ssyncset.done $0x0  }
0x20e: {  	s0 =	rddreg [dreg:$0xc];
	[sflag:s13] =	ssyncadd.s32 $0xFFFF3CB0  }
0x20f: {  	[hbm4b:s0+s2] =	stream.linear.scatter [tilespmem:s2], [sflag:$0x3], $0xC350, $0x38;
	[tilespmem:$0x18700] =	vst v63  }
0x210: {  	_ =	swait.ge [sflag:s6], $0xC350  }
0x211: {  	[sflag:s6] =	ssyncset.done $0x0  }
0x212: {  	s0 =	rddreg [dreg:$0xd];
	[sflag:s6] =	ssyncadd.s32 $0xFFFF3CB0  }
0x213: {  	[tilespmem:s9], [sflag:$0x2] =	stream.linear.gather [hbm4b:s0+s2], $0xC350, $0x38;
	[tilespmem:$0x18700] =	vst v63  }
0x214: {  	_ =	swait.ge [sflag:s10], $0xC350  }
0x215: {  	[sflag:s10] =	ssyncset.done $0x0  }
0x216: {  	s0 =	rddreg [dreg:$0xe];
	[sflag:s10] =	ssyncadd.s32 $0xFFFF3CB0  }
0x217: {  	[hbm4b:s0+s2] =	stream.linear.scatter [tilespmem:s9], [sflag:$0x4], $0xC350, $0x38;
	[tilespmem:$0x18700] =	vst v63  }
0x218: {  	_ =	swait.ge [sflag:s7], $0xC350  }
0x219: {  	[sflag:s7] =	ssyncset.done $0x0  }
0x21a: {  	s0 =	rddreg [dreg:$0xf];
	[sflag:s7] =	ssyncadd.s32 $0xFFFF3CB0  }
0x21b: {  	[tilespmem:s2], [sflag:$0x1] =	stream.linear.gather [hbm4b:s0+s2], $0xC350, $0x38;
	[tilespmem:$0x18700] =	vst v63  }
0x21c: {  	_ =	swait.ge [sflag:s13], $0xC350  }
0x21d: {  	[sflag:s13] =	ssyncset.done $0x0  }
0x21e: {  	s0 =	rddreg [dreg:$0x10];
	[sflag:s13] =	ssyncadd.s32 $0xFFFF3CB0  }
0x21f: {  	[hbm4b:s0+s2] =	stream.linear.scatter [tilespmem:s2], [sflag:$0x3], $0xC350, $0x38;
	[tilespmem:$0x18700] =	vst v63  }
0x220: {  	_ =	swait.ge [sflag:s6], $0xC350  }
0x221: {  	[sflag:s6] =	ssyncset.done $0x0  }
0x222: {  	s0 =	rddreg [dreg:$0x11];
	[sflag:s6] =	ssyncadd.s32 $0xFFFF3CB0  }
0x223: {  	[tilespmem:s9], [sflag:$0x2] =	stream.linear.gather [hbm4b:s0+s2], $0xC350, $0x38;
	[tilespmem:$0x18700] =	vst v63  }
0x224: {  	_ =	swait.ge [sflag:s10], $0xC350  }
0x225: {  	[sflag:s10] =	ssyncset.done $0x0  }
0x226: {  	s0 =	rddreg [dreg:$0x12];
	[sflag:s10] =	ssyncadd.s32 $0xFFFF3CB0  }
0x227: {  	[hbm4b:s0+s2] =	stream.linear.scatter [tilespmem:s9], [sflag:$0x4], $0xC350, $0x38;
	[tilespmem:$0x18700] =	vst v63  }
0x228: {  	_ =	swait.ge [sflag:s7], $0xC350  }
0x229: {  	[sflag:s7] =	ssyncset.done $0x0  }
0x22a: {  	s0 =	rddreg [dreg:$0x13];
	[sflag:s7] =	ssyncadd.s32 $0xFFFF3CB0  }
0x22b: {  	[tilespmem:s2], [sflag:$0x1] =	stream.linear.gather [hbm4b:s0+s2], $0xC350, $0x38;
	[tilespmem:$0x18700] =	vst v63  }
0x22c: {  	_ =	swait.ge [sflag:s13], $0xC350  }
0x22d: {  	[sflag:s13] =	ssyncset.done $0x0  }
0x22e: {  	s0 =	rddreg [dreg:$0x14];
	[sflag:s13] =	ssyncadd.s32 $0xFFFF3CB0  }
0x22f: {  	[hbm4b:s0+s2] =	stream.linear.scatter [tilespmem:s2], [sflag:$0x3], $0xC350, $0x38;
	[tilespmem:$0x18700] =	vst v63  }
0x230: {  	_ =	swait.ge [sflag:s6], $0xC350  }
0x231: {  	[sflag:s6] =	ssyncset.done $0x0  }
0x232: {  	s0 =	rddreg [dreg:$0x15];
	[sflag:s6] =	ssyncadd.s32 $0xFFFF3CB0  }
0x233: {  	[tilespmem:s9], [sflag:$0x2] =	stream.linear.gather [hbm4b:s0+s2], $0xC350, $0x38;
	[tilespmem:$0x18700] =	vst v63  }
0x234: {  	_ =	swait.ge [sflag:s10], $0xC350  }
0x235: {  	[sflag:s10] =	ssyncset.done $0x0  }
0x236: {  	s0 =	rddreg [dreg:$0x16];
	[sflag:s10] =	ssyncadd.s32 $0xFFFF3CB0  }
0x237: {  	[hbm4b:s0+s2] =	stream.linear.scatter [tilespmem:s9], [sflag:$0x4], $0xC350, $0x38;
	[tilespmem:$0x18700] =	vst v63  }
0x238: {  	_ =	swait.ge [sflag:s7], $0xC350  }
0x239: {  	[sflag:s7] =	ssyncset.done $0x0  }
0x23a: {  	s0 =	rddreg [dreg:$0x17];
	[sflag:s7] =	ssyncadd.s32 $0xFFFF3CB0  }
0x23b: {  	[tilespmem:s2], [sflag:$0x1] =	stream.linear.gather [hbm4b:s0+s2], $0xC350, $0x38;
	[tilespmem:$0x18700] =	vst v63  }
0x23c: {  	_ =	swait.ge [sflag:s13], $0xC350  }
0x23d: {  	[sflag:s13] =	ssyncset.done $0x0  }
0x23e: {  	s0 =	rddreg [dreg:$0x18];
	[sflag:s13] =	ssyncadd.s32 $0xFFFF3CB0  }
0x23f: {  	[hbm4b:s0+s2] =	stream.linear.scatter [tilespmem:s2], [sflag:$0x3], $0xC350, $0x38;
	[tilespmem:$0x18700] =	vst v63  }
0x240: {  	_ =	swait.ge [sflag:s6], $0xC350  }
0x241: {  	[sflag:s6] =	ssyncset.done $0x0  }
0x242: {  	s0 =	rddreg [dreg:$0x19];
	[sflag:s6] =	ssyncadd.s32 $0xFFFF3CB0  }
0x243: {  	[tilespmem:s9], [sflag:$0x2] =	stream.linear.gather [hbm4b:s0+s2], $0xC350, $0x38;
	[tilespmem:$0x18700] =	vst v63  }
0x244: {  	_ =	swait.ge [sflag:s10], $0xC350  }
0x245: {  	[sflag:s10] =	ssyncset.done $0x0  }
0x246: {  	s0 =	rddreg [dreg:$0x1a];
	[sflag:s10] =	ssyncadd.s32 $0xFFFF3CB0  }
0x247: {  	[hbm4b:s0+s2] =	stream.linear.scatter [tilespmem:s9], [sflag:$0x4], $0xC350, $0x38;
	[tilespmem:$0x18700] =	vst v63  }
0x248: {  	_ =	swait.ge [sflag:s7], $0xC350  }
0x249: {  	[sflag:s7] =	ssyncset.done $0x0  }
0x24a: {  	s0 =	rddreg [dreg:$0x1b];
	[sflag:s7] =	ssyncadd.s32 $0xFFFF3CB0  }
0x24b: {  	[tilespmem:s2], [sflag:$0x1] =	stream.linear.gather [hbm4b:s0+s2], $0xC350, $0x38;
	[tilespmem:$0x18700] =	vst v63  }
0x24c: {  	_ =	swait.ge [sflag:s13], $0xC350  }
0x24d: {  	[sflag:s13] =	ssyncset.done $0x0  }
0x24e: {  	s0 =	rddreg [dreg:$0x1c];
	[sflag:s13] =	ssyncadd.s32 $0xFFFF3CB0  }
0x24f: {  	[hbm4b:s0+s2] =	stream.linear.scatter [tilespmem:s2], [sflag:$0x3], $0xC350, $0x38;
	[tilespmem:$0x18700] =	vst v63  }
0x250: {  	_ =	swait.ge [sflag:s6], $0xC350  }
0x251: {  	[sflag:s6] =	ssyncset.done $0x0  }
0x252: {  	s0 =	rddreg [dreg:$0x1d];
	[sflag:s6] =	ssyncadd.s32 $0xFFFF3CB0  }
0x253: {  	[tilespmem:s9], [sflag:$0x2] =	stream.linear.gather [hbm4b:s0+s2], $0xC350, $0x38;
	[tilespmem:$0x18700] =	vst v63  }
0x254: {  	_ =	swait.ge [sflag:s10], $0xC350  }
0x255: {  	[sflag:s10] =	ssyncset.done $0x0  }
0x256: {  	s0 =	rddreg [dreg:$0x1e];
	[sflag:s10] =	ssyncadd.s32 $0xFFFF3CB0  }
0x257: {  	[hbm4b:s0+s2] =	stream.linear.scatter [tilespmem:s9], [sflag:$0x4], $0xC350, $0x38;
	[tilespmem:$0x18700] =	vst v63  }
0x258: {  	_ =	swait.ge [sflag:s7], $0xC350  }
0x259: {  	[sflag:s7] =	ssyncset.done $0x0  }
0x25a: {  	s0 =	rddreg [dreg:$0x1f];
	[sflag:s7] =	ssyncadd.s32 $0xFFFF3CB0  }
0x25b: {  	[tilespmem:s2], [sflag:$0x1] =	stream.linear.gather [hbm4b:s0+s2], $0xC350, $0x38;
	[tilespmem:$0x18700] =	vst v63  }
0x25c: {  	_ =	swait.ge [sflag:s13], $0xC350  }
0x25d: {  	s0 =	sld [smem:$0x7DA]  }
0x25e: {  	[sflag:s13] =	ssyncset.done $0x0  }
0x25f: {  	[sflag:s13] =	ssyncadd.s32 $0xFFFF3CB0  }
0x260: {  	[hbm4b:s0+s2] =	stream.linear.scatter [tilespmem:s2], [sflag:$0x3], $0xC350, $0x38;
	[tilespmem:$0x18700] =	vst v63  }
0x261: {  	_ =	swait.ge [sflag:s6], $0xC350  }
0x262: {  	s0 =	sld [smem:$0x7DB]  }
0x263: {  	[sflag:s6] =	ssyncset.done $0x0  }
0x264: {  	[sflag:s6] =	ssyncadd.s32 $0xFFFF3CB0  }
0x265: {  	[tilespmem:s9], [sflag:$0x2] =	stream.linear.gather [hbm4b:s0+s2], $0xC350, $0x38;
	[tilespmem:$0x18700] =	vst v63  }
0x266: {  	_ =	swait.ge [sflag:s10], $0xC350  }
0x267: {  	s0 =	sld [smem:$0x7DC]  }
0x268: {  	[sflag:s10] =	ssyncset.done $0x0  }
0x269: {  	[sflag:s10] =	ssyncadd.s32 $0xFFFF3CB0  }
0x26a: {  	[hbm4b:s0+s2] =	stream.linear.scatter [tilespmem:s9], [sflag:$0x4], $0xC350, $0x38;
	[tilespmem:$0x18700] =	vst v63  }
0x26b: {  	_ =	swait.ge [sflag:s7], $0xC350  }
0x26c: {  	s0 =	sld [smem:$0x7DD]  }
0x26d: {  	[sflag:s7] =	ssyncset.done $0x0  }
0x26e: {  	[sflag:s7] =	ssyncadd.s32 $0xFFFF3CB0  }
0x26f: {  	[tilespmem:s2], [sflag:$0x1] =	stream.linear.gather [hbm4b:s0+s2], $0xC350, $0x38;
	[tilespmem:$0x18700] =	vst v63  }
0x270: {  	_ =	swait.ge [sflag:s13], $0xC350  }
0x271: {  	s0 =	sld [smem:$0x7DE]  }
0x272: {  	[sflag:s13] =	ssyncset.done $0x0  }
0x273: {  	[sflag:s13] =	ssyncadd.s32 $0xFFFF3CB0  }
0x274: {  	[hbm4b:s0+s2] =	stream.linear.scatter [tilespmem:s2], [sflag:$0x3], $0xC350, $0x38;
	[tilespmem:$0x18700] =	vst v63  }
0x275: {  	_ =	swait.ge [sflag:s6], $0xC350  }
0x276: {  	s0 =	sld [smem:$0x7DF]  }
0x277: {  	[sflag:s6] =	ssyncset.done $0x0  }
0x278: {  	[sflag:s6] =	ssyncadd.s32 $0xFFFF3CB0  }
0x279: {  	[tilespmem:s9], [sflag:$0x2] =	stream.linear.gather [hbm4b:s0+s2], $0xC350, $0x38;
	[tilespmem:$0x18700] =	vst v63  }
0x27a: {  	_ =	swait.ge [sflag:s10], $0xC350  }
0x27b: {  	s0 =	sld [smem:$0x7E0]  }
0x27c: {  	[sflag:s10] =	ssyncset.done $0x0  }
0x27d: {  	[sflag:s10] =	ssyncadd.s32 $0xFFFF3CB0  }
0x27e: {  	[hbm4b:s0+s2] =	stream.linear.scatter [tilespmem:s9], [sflag:$0x4], $0xC350, $0x38;
	[tilespmem:$0x18700] =	vst v63  }
0x27f: {  	_ =	swait.ge [sflag:s7], $0xC350  }
0x280: {  	s0 =	sld [smem:$0x7E1]  }
0x281: {  	[sflag:s7] =	ssyncset.done $0x0  }
0x282: {  	[sflag:s7] =	ssyncadd.s32 $0xFFFF3CB0  }
0x283: {  	[tilespmem:s2], [sflag:$0x1] =	stream.linear.gather [hbm4b:s0+s2], $0xC350, $0x38;
	[tilespmem:$0x18700] =	vst v63  }
0x284: {  	_ =	swait.ge [sflag:s13], $0xC350  }
0x285: {  	s0 =	sld [smem:$0x7E2]  }
0x286: {  	[sflag:s13] =	ssyncset.done $0x0  }
0x287: {  	[sflag:s13] =	ssyncadd.s32 $0xFFFF3CB0  }
0x288: {  	[hbm4b:s0+s2] =	stream.linear.scatter [tilespmem:s2], [sflag:$0x3], $0xC350, $0x38;
	[tilespmem:$0x18700] =	vst v63  }
0x289: {  	_ =	swait.ge [sflag:s6], $0xC350  }
0x28a: {  	s0 =	sld [smem:$0x7E3]  }
0x28b: {  	[sflag:s6] =	ssyncset.done $0x0  }
0x28c: {  	[sflag:s6] =	ssyncadd.s32 $0xFFFF3CB0  }
0x28d: {  	[tilespmem:s9], [sflag:$0x2] =	stream.linear.gather [hbm4b:s0+s2], $0xC350, $0x38;
	[tilespmem:$0x18700] =	vst v63  }
0x28e: {  	_ =	swait.ge [sflag:s10], $0xC350  }
0x28f: {  	s0 =	sld [smem:$0x7E4]  }
0x290: {  	[sflag:s10] =	ssyncset.done $0x0  }
0x291: {  	[sflag:s10] =	ssyncadd.s32 $0xFFFF3CB0  }
0x292: {  	[hbm4b:s0+s2] =	stream.linear.scatter [tilespmem:s9], [sflag:$0x4], $0xC350, $0x38;
	[tilespmem:$0x18700] =	vst v63  }
0x293: {  	_ =	swait.ge [sflag:s7], $0xC350  }
0x294: {  	s0 =	sld [smem:$0x7E5]  }
0x295: {  	[sflag:s7] =	ssyncset.done $0x0  }
0x296: {  	[sflag:s7] =	ssyncadd.s32 $0xFFFF3CB0  }
0x297: {  	[tilespmem:s2], [sflag:$0x1] =	stream.linear.gather [hbm4b:s0+s2], $0xC350, $0x38;
	[tilespmem:$0x18700] =	vst v63  }
0x298: {  	_ =	swait.ge [sflag:s13], $0xC350  }
0x299: {  	s0 =	sld [smem:$0x7E6]  }
0x29a: {  	[sflag:s13] =	ssyncset.done $0x0  }
0x29b: {  	[sflag:s13] =	ssyncadd.s32 $0xFFFF3CB0  }
0x29c: {  	[hbm4b:s0+s2] =	stream.linear.scatter [tilespmem:s2], [sflag:$0x3], $0xC350, $0x38;
	[tilespmem:$0x18700] =	vst v63  }
0x29d: {  	_ =	swait.ge [sflag:s6], $0xC350  }
0x29e: {  	s0 =	sld [smem:$0x7E7]  }
0x29f: {  	[sflag:s6] =	ssyncset.done $0x0  }
0x2a0: {  	[sflag:s6] =	ssyncadd.s32 $0xFFFF3CB0  }
0x2a1: {  	[tilespmem:s9], [sflag:$0x2] =	stream.linear.gather [hbm4b:s0+s2], $0xC350, $0x38;
	[tilespmem:$0x18700] =	vst v63  }
0x2a2: {  	_ =	swait.ge [sflag:s10], $0xC350  }
0x2a3: {  	s0 =	sld [smem:$0x7E8]  }
0x2a4: {  	[sflag:s10] =	ssyncset.done $0x0  }
0x2a5: {  	[sflag:s10] =	ssyncadd.s32 $0xFFFF3CB0  }
0x2a6: {  	[hbm4b:s0+s2] =	stream.linear.scatter [tilespmem:s9], [sflag:$0x4], $0xC350, $0x38;
	[tilespmem:$0x18700] =	vst v63  }
0x2a7: {  	_ =	swait.ge [sflag:s7], $0xC350  }
0x2a8: {  	s0 =	sld [smem:$0x7E9]  }
0x2a9: {  	[sflag:s7] =	ssyncset.done $0x0  }
0x2aa: {  	[sflag:s7] =	ssyncadd.s32 $0xFFFF3CB0  }
0x2ab: {  	[tilespmem:s2], [sflag:$0x1] =	stream.linear.gather [hbm4b:s0+s2], $0xC350, $0x38;
	[tilespmem:$0x18700] =	vst v63  }
0x2ac: {  	_ =	swait.ge [sflag:s13], $0xC350  }
0x2ad: {  	s0 =	sld [smem:$0x7EA]  }
0x2ae: {  	[sflag:s13] =	ssyncset.done $0x0  }
0x2af: {  	[sflag:s13] =	ssyncadd.s32 $0xFFFF3CB0  }
0x2b0: {  	[hbm4b:s0+s2] =	stream.linear.scatter [tilespmem:s2], [sflag:$0x3], $0xC350, $0x38;
	[tilespmem:$0x18700] =	vst v63  }
0x2b1: {  	_ =	swait.ge [sflag:s6], $0xC350  }
0x2b2: {  	s0 =	sld [smem:$0x7EB]  }
0x2b3: {  	[sflag:s6] =	ssyncset.done $0x0  }
0x2b4: {  	[sflag:s6] =	ssyncadd.s32 $0xFFFF3CB0  }
0x2b5: {  	[tilespmem:s9], [sflag:$0x2] =	stream.linear.gather [hbm4b:s0+s2], $0xC350, $0x38;
	[tilespmem:$0x18700] =	vst v63  }
0x2b6: {  	_ =	swait.ge [sflag:s10], $0xC350  }
0x2b7: {  	s0 =	sld [smem:$0x7EC]  }
0x2b8: {  	[sflag:s10] =	ssyncset.done $0x0  }
0x2b9: {  	[sflag:s10] =	ssyncadd.s32 $0xFFFF3CB0  }
0x2ba: {  	[hbm4b:s0+s2] =	stream.linear.scatter [tilespmem:s9], [sflag:$0x4], $0xC350, $0x38;
	[tilespmem:$0x18700] =	vst v63  }
0x2bb: {  	_ =	swait.ge [sflag:s7], $0xC350  }
0x2bc: {  	s0 =	sld [smem:$0x7ED]  }
0x2bd: {  	[sflag:s7] =	ssyncset.done $0x0  }
0x2be: {  	[sflag:s7] =	ssyncadd.s32 $0xFFFF3CB0  }
0x2bf: {  	[tilespmem:s2], [sflag:$0x1] =	stream.linear.gather [hbm4b:s0+s2], $0xC350, $0x38;
	[tilespmem:$0x18700] =	vst v63  }
0x2c0: {  	_ =	swait.ge [sflag:s13], $0xC350  }
0x2c1: {  	s0 =	sld [smem:$0x7EE]  }
0x2c2: {  	[sflag:s13] =	ssyncset.done $0x0  }
0x2c3: {  	[sflag:s13] =	ssyncadd.s32 $0xFFFF3CB0  }
0x2c4: {  	[hbm4b:s0+s2] =	stream.linear.scatter [tilespmem:s2], [sflag:$0x3], $0xC350, $0x38;
	[tilespmem:$0x18700] =	vst v63  }
0x2c5: {  	_ =	swait.ge [sflag:s6], $0xC350  }
0x2c6: {  	s0 =	sld [smem:$0x7EF]  }
0x2c7: {  	[sflag:s6] =	ssyncset.done $0x0  }
0x2c8: {  	[sflag:s6] =	ssyncadd.s32 $0xFFFF3CB0  }
0x2c9: {  	[tilespmem:s9], [sflag:$0x2] =	stream.linear.gather [hbm4b:s0+s2], $0xC350, $0x38;
	[tilespmem:$0x18700] =	vst v63  }
0x2ca: {  	_ =	swait.ge [sflag:s10], $0xC350  }
0x2cb: {  	s0 =	sld [smem:$0x7F0]  }
0x2cc: {  	[sflag:s10] =	ssyncset.done $0x0  }
0x2cd: {  	[sflag:s10] =	ssyncadd.s32 $0xFFFF3CB0  }
0x2ce: {  	[hbm4b:s0+s2] =	stream.linear.scatter [tilespmem:s9], [sflag:$0x4], $0xC350, $0x38;
	[tilespmem:$0x18700] =	vst v63  }
0x2cf: {  	_ =	swait.ge [sflag:s7], $0xC350  }
0x2d0: {  	s0 =	sld [smem:$0x7F1]  }
0x2d1: {  	[sflag:s7] =	ssyncset.done $0x0  }
0x2d2: {  	[sflag:s7] =	ssyncadd.s32 $0xFFFF3CB0  }
0x2d3: {  	[tilespmem:s2], [sflag:$0x1] =	stream.linear.gather [hbm4b:s0+s2], $0xC350, $0x38;
	[tilespmem:$0x18700] =	vst v63  }
0x2d4: {  	_ =	swait.ge [sflag:s13], $0xC350  }
0x2d5: {  	s0 =	sld [smem:$0x7F2]  }
0x2d6: {  	[sflag:s13] =	ssyncset.done $0x0  }
0x2d7: {  	[sflag:s13] =	ssyncadd.s32 $0xFFFF3CB0  }
0x2d8: {  	[hbm4b:s0+s2] =	stream.linear.scatter [tilespmem:s2], [sflag:$0x3], $0xC350, $0x38;
	[tilespmem:$0x18700] =	vst v63  }
0x2d9: {  	_ =	swait.ge [sflag:s6], $0xC350  }
0x2da: {  	s0 =	sld [smem:$0x7F3]  }
0x2db: {  	[sflag:s6] =	ssyncset.done $0x0  }
0x2dc: {  	[sflag:s6] =	ssyncadd.s32 $0xFFFF3CB0  }
0x2dd: {  	[tilespmem:s9], [sflag:$0x2] =	stream.linear.gather [hbm4b:s0+s2], $0xC350, $0x38;
	[tilespmem:$0x18700] =	vst v63  }
0x2de: {  	_ =	swait.ge [sflag:s10], $0xC350  }
0x2df: {  	s0 =	sld [smem:$0x7F4]  }
0x2e0: {  	[sflag:s10] =	ssyncset.done $0x0  }
0x2e1: {  	[sflag:s10] =	ssyncadd.s32 $0xFFFF3CB0  }
0x2e2: {  	[hbm4b:s0+s2] =	stream.linear.scatter [tilespmem:s9], [sflag:$0x4], $0xC350, $0x38;
	[tilespmem:$0x18700] =	vst v63  }
0x2e3: {  	_ =	swait.ge [sflag:s7], $0xC350  }
0x2e4: {  	s0 =	sld [smem:$0x7F5]  }
0x2e5: {  	[sflag:s7] =	ssyncset.done $0x0  }
0x2e6: {  	[sflag:s7] =	ssyncadd.s32 $0xFFFF3CB0  }
0x2e7: {  	[tilespmem:s2], [sflag:$0x1] =	stream.linear.gather [hbm4b:s0+s2], $0xC350, $0x38;
	[tilespmem:$0x18700] =	vst v63  }
0x2e8: {  	_ =	swait.ge [sflag:s13], $0xC350  }
0x2e9: {  	s0 =	sld [smem:$0x7F6]  }
0x2ea: {  	[sflag:s13] =	ssyncset.done $0x0  }
0x2eb: {  	[sflag:s13] =	ssyncadd.s32 $0xFFFF3CB0  }
0x2ec: {  	[hbm4b:s0+s2] =	stream.linear.scatter [tilespmem:s2], [sflag:$0x3], $0xC350, $0x38;
	[tilespmem:$0x18700] =	vst v63  }
0x2ed: {  	_ =	swait.ge [sflag:s6], $0xC350  }
0x2ee: {  	s0 =	sld [smem:$0x7F7]  }
0x2ef: {  	[sflag:s6] =	ssyncset.done $0x0  }
0x2f0: {  	[sflag:s6] =	ssyncadd.s32 $0xFFFF3CB0  }
0x2f1: {  	[tilespmem:s9], [sflag:$0x2] =	stream.linear.gather [hbm4b:s0+s2], $0xC350, $0x38;
	[tilespmem:$0x18700] =	vst v63  }
0x2f2: {  	_ =	swait.ge [sflag:s10], $0xC350  }
0x2f3: {  	s0 =	sld [smem:$0x7F8]  }
0x2f4: {  	[sflag:s10] =	ssyncset.done $0x0  }
0x2f5: {  	[sflag:s10] =	ssyncadd.s32 $0xFFFF3CB0  }
0x2f6: {  	[hbm4b:s0+s2] =	stream.linear.scatter [tilespmem:s9], [sflag:$0x4], $0xC350, $0x38;
	[tilespmem:$0x18700] =	vst v63  }
0x2f7: {  	_ =	swait.ge [sflag:s7], $0xC350  }
0x2f8: {  	s0 =	sld [smem:$0x7F9]  }
0x2f9: {  	[sflag:s7] =	ssyncset.done $0x0  }
0x2fa: {  	[sflag:s7] =	ssyncadd.s32 $0xFFFF3CB0  }
0x2fb: {  	[tilespmem:s2], [sflag:$0x1] =	stream.linear.gather [hbm4b:s0+s2], $0xC350, $0x38;
	[tilespmem:$0x18700] =	vst v63  }
0x2fc: {  	_ =	swait.ge [sflag:s13], $0xC350  }
0x2fd: {  	s0 =	sld [smem:$0x7FA]  }
0x2fe: {  	[sflag:s13] =	ssyncset.done $0x0  }
0x2ff: {  	[sflag:s13] =	ssyncadd.s32 $0xFFFF3CB0  }
0x300: {  	[hbm4b:s0+s2] =	stream.linear.scatter [tilespmem:s2], [sflag:$0x3], $0xC350, $0x38;
	[tilespmem:$0x18700] =	vst v63  }
0x301: {  	_ =	swait.ge [sflag:s6], $0xC350  }
0x302: {  	s0 =	sld [smem:$0x7FB]  }
0x303: {  	[sflag:s6] =	ssyncset.done $0x0  }
0x304: {  	[sflag:s6] =	ssyncadd.s32 $0xFFFF3CB0  }
0x305: {  	[tilespmem:s9], [sflag:$0x2] =	stream.linear.gather [hbm4b:s0+s2], $0xC350, $0x38;
	[tilespmem:$0x18700] =	vst v63  }
0x306: {  	_ =	swait.ge [sflag:s10], $0xC350  }
0x307: {  	s0 =	sld [smem:$0x7FC]  }
0x308: {  	[sflag:s10] =	ssyncset.done $0x0  }
0x309: {  	[sflag:s10] =	ssyncadd.s32 $0xFFFF3CB0  }
0x30a: {  	[hbm4b:s0+s2] =	stream.linear.scatter [tilespmem:s9], [sflag:$0x4], $0xC350, $0x38;
	[tilespmem:$0x18700] =	vst v63  }
0x30b: {  	_ =	swait.ge [sflag:s7], $0xC350  }
0x30c: {  	s0 =	sld [smem:$0x7FD]  }
0x30d: {  	[sflag:s7] =	ssyncset.done $0x0  }
0x30e: {  	[sflag:s7] =	ssyncadd.s32 $0xFFFF3CB0  }
0x30f: {  	[tilespmem:s2], [sflag:$0x1] =	stream.linear.gather [hbm4b:s0+s2], $0xC350, $0x38;
	[tilespmem:$0x18700] =	vst v63  }
0x310: {  	_ =	swait.ge [sflag:s13], $0xC350  }
0x311: {  	[sflag:s13] =	ssyncset.done $0x0  }
0x312: {  	[sflag:s13] =	ssyncadd.s32 $0xFFFF3CB0  }
0x313: {  	[hbm4b:s31+s2] =	stream.linear.scatter [tilespmem:s2], [sflag:$0x3], $0xC350, $0x38;
	[tilespmem:$0x18700] =	vst v63  }
0x314: {  	_ =	swait.ge [sflag:s6], $0xC350  }
0x315: {  	[sflag:s6] =	ssyncset.done $0x0  }
0x316: {  	[sflag:s6] =	ssyncadd.s32 $0xFFFF3CB0  }
0x317: {  	[tilespmem:s9], [sflag:$0x2] =	stream.linear.gather [hbm4b:s30+s2], $0xC350, $0x38;
	[tilespmem:$0x18700] =	vst v63  }
0x318: {  	_ =	swait.ge [sflag:s10], $0xC350  }
0x319: {  	[sflag:s10] =	ssyncset.done $0x0  }
0x31a: {  	[sflag:s10] =	ssyncadd.s32 $0xFFFF3CB0  }
0x31b: {  	[hbm4b:s29+s2] =	stream.linear.scatter [tilespmem:s9], [sflag:$0x4], $0xC350, $0x38;
	[tilespmem:$0x18700] =	vst v63  }
0x31c: {  	_ =	swait.ge [sflag:s7], $0xC350  }
0x31d: {  	[sflag:s7] =	ssyncset.done $0x0  }
0x31e: {  	[sflag:s7] =	ssyncadd.s32 $0xFFFF3CB0  }
0x31f: {  	[tilespmem:s2], [sflag:$0x1] =	stream.linear.gather [hbm4b:s28+s2], $0xC350, $0x38;
	[tilespmem:$0x18700] =	vst v63  }
0x320: {  	_ =	swait.ge [sflag:s13], $0xC350  }
0x321: {  	[sflag:s13] =	ssyncset.done $0x0  }
0x322: {  	[sflag:s13] =	ssyncadd.s32 $0xFFFF3CB0  }
0x323: {  	[hbm4b:s26+s2] =	stream.linear.scatter [tilespmem:s2], [sflag:$0x3], $0xC350, $0x38;
	[tilespmem:$0x18700] =	vst v63  }
0x324: {  	_ =	swait.ge [sflag:s6], $0xC350  }
0x325: {  	[sflag:s6] =	ssyncset.done $0x0  }
0x326: {  	[sflag:s6] =	ssyncadd.s32 $0xFFFF3CB0  }
0x327: {  	[tilespmem:s9], [sflag:$0x2] =	stream.linear.gather [hbm4b:s25+s2], $0xC350, $0x38;
	[tilespmem:$0x18700] =	vst v63  }
0x328: {  	_ =	swait.ge [sflag:s10], $0xC350  }
0x329: {  	[sflag:s10] =	ssyncset.done $0x0  }
0x32a: {  	[sflag:s10] =	ssyncadd.s32 $0xFFFF3CB0  }
0x32b: {  	[hbm4b:s24+s2] =	stream.linear.scatter [tilespmem:s9], [sflag:$0x4], $0xC350, $0x38;
	[tilespmem:$0x18700] =	vst v63  }
0x32c: {  	_ =	swait.ge [sflag:s7], $0xC350  }
0x32d: {  	[sflag:s7] =	ssyncset.done $0x0  }
0x32e: {  	[sflag:s7] =	ssyncadd.s32 $0xFFFF3CB0  }
0x32f: {  	[tilespmem:s2], [sflag:$0x1] =	stream.linear.gather [hbm4b:s23+s2], $0xC350, $0x38;
	[tilespmem:$0x18700] =	vst v63  }
0x330: {  	_ =	swait.ge [sflag:s13], $0xC350  }
0x331: {  	[sflag:s13] =	ssyncset.done $0x0  }
0x332: {  	[sflag:s13] =	ssyncadd.s32 $0xFFFF3CB0  }
0x333: {  	[hbm4b:s22+s2] =	stream.linear.scatter [tilespmem:s2], [sflag:$0x3], $0xC350, $0x38;
	[tilespmem:$0x18700] =	vst v63  }
0x334: {  	_ =	swait.ge [sflag:s6], $0xC350  }
0x335: {  	[sflag:s6] =	ssyncset.done $0x0  }
0x336: {  	[sflag:s6] =	ssyncadd.s32 $0xFFFF3CB0  }
0x337: {  	[tilespmem:s9], [sflag:$0x2] =	stream.linear.gather [hbm4b:s21+s2], $0xC350, $0x38;
	[tilespmem:$0x18700] =	vst v63  }
0x338: {  	_ =	swait.ge [sflag:s10], $0xC350  }
0x339: {  	[sflag:s10] =	ssyncset.done $0x0  }
0x33a: {  	[sflag:s10] =	ssyncadd.s32 $0xFFFF3CB0  }
0x33b: {  	[hbm4b:s20+s2] =	stream.linear.scatter [tilespmem:s9], [sflag:$0x4], $0xC350, $0x38;
	[tilespmem:$0x18700] =	vst v63  }
0x33c: {  	_ =	swait.ge [sflag:s7], $0xC350  }
0x33d: {  	[sflag:s7] =	ssyncset.done $0x0  }
0x33e: {  	[sflag:s7] =	ssyncadd.s32 $0xFFFF3CB0  }
0x33f: {  	[tilespmem:s2], [sflag:$0x1] =	stream.linear.gather [hbm4b:s19+s2], $0xC350, $0x38;
	[tilespmem:$0x18700] =	vst v63  }
0x340: {  	_ =	swait.ge [sflag:s13], $0xC350  }
0x341: {  	[sflag:s13] =	ssyncset.done $0x0  }
0x342: {  	[sflag:s13] =	ssyncadd.s32 $0xFFFF3CB0  }
0x343: {  	[hbm4b:s18+s2] =	stream.linear.scatter [tilespmem:s2], [sflag:$0x3], $0xC350, $0x38;
	[tilespmem:$0x18700] =	vst v63  }
0x344: {  	_ =	swait.ge [sflag:s6], $0xC350  }
0x345: {  	[sflag:s6] =	ssyncset.done $0x0  }
0x346: {  	[sflag:s6] =	ssyncadd.s32 $0xFFFF3CB0  }
0x347: {  	[tilespmem:s9], [sflag:$0x2] =	stream.linear.gather [hbm4b:s17+s2], $0xC350, $0x38;
	[tilespmem:$0x18700] =	vst v63  }
0x348: {  	_ =	swait.ge [sflag:s10], $0xC350  }
0x349: {  	[sflag:s10] =	ssyncset.done $0x0  }
0x34a: {  	[sflag:s10] =	ssyncadd.s32 $0xFFFF3CB0  }
0x34b: {  	[hbm4b:s16+s2] =	stream.linear.scatter [tilespmem:s9], [sflag:$0x4], $0xC350, $0x38;
	[tilespmem:$0x18700] =	vst v63  }
0x34c: {  	_ =	swait.ge [sflag:s7], $0xC350  }
0x34d: {  	[sflag:s7] =	ssyncset.done $0x0  }
0x34e: {  	[sflag:s7] =	ssyncadd.s32 $0xFFFF3CB0  }
0x34f: {  	_ =	swait.ge [sflag:s6], $0xC350  }
0x350: {  	[sflag:s6] =	ssyncset.done $0x0  }
0x351: {  	[sflag:s6] =	ssyncadd.s32 $0xFFFF3CB0  }
0x352: {  	[tilespmem:s2], [sflag:$0x1] =	stream.linear.gather [hbm4b:s15+s2], $0xC350, $0x38;
	[tilespmem:$0x18700] =	vst v63  }
0x353: {  	_ =	swait.ge [sflag:s13], $0xC350  }
0x354: {  	[sflag:s13] =	ssyncset.done $0x0  }
0x355: {  	[sflag:s13] =	ssyncadd.s32 $0xFFFF3CB0  }
0x356: {  	[hbm4b:s14+s2] =	stream.linear.scatter [tilespmem:s2], [sflag:$0x3], $0xC350, $0x38;
	[tilespmem:$0x18700] =	vst v63  }
0x357: {  	_ = 	snop  }
0x358: {  	[tilespmem:s9], [sflag:$0x2] =	stream.linear.gather [hbm4b:s12+s2], $0xC350, $0x38;
	[tilespmem:$0x18700] =	vst v63  }
0x359: {  	_ =	swait.ge [sflag:s10], $0xC350  }
0x35a: {  	[sflag:s10] =	ssyncset.done $0x0  }
0x35b: {  	[sflag:s10] =	ssyncadd.s32 $0xFFFF3CB0  }
0x35c: {  	[hbm4b:s11+s2] =	stream.linear.scatter [tilespmem:s9], [sflag:$0x4], $0xC350, $0x38;
	[tilespmem:$0x18700] =	vst v63  }
0x35d: {  	_ =	swait.ge [sflag:s7], $0xC350  }
0x35e: {  	[sflag:s7] =	ssyncset.done $0x0  }
0x35f: {  	[sflag:s7] =	ssyncadd.s32 $0xFFFF3CB0  }
0x360: {  	[tilespmem:s2], [sflag:$0x1] =	stream.linear.gather [hbm4b:s8+s2], $0xC350, $0x38;
	[tilespmem:$0x18700] =	vst v63  }
0x361: {  	_ =	swait.ge [sflag:s13], $0xC350  }
0x362: {  	[sflag:s13] =	ssyncset.done $0x0  }
0x363: {  	[sflag:s13] =	ssyncadd.s32 $0xFFFF3CB0  }
0x364: {  	[hbm4b:s4+s2] =	stream.linear.scatter [tilespmem:s2], [sflag:$0x3], $0xC350, $0x38;
	[tilespmem:$0x18700] =	vst v63  }
0x365: {  	_ =	swait.ge [sflag:s6], $0xC350  }
0x366: {  	[sflag:s6] =	ssyncset.done $0x0  }
0x367: {  	[sflag:s6] =	ssyncadd.s32 $0xFFFF3CB0  }
0x368: {  	[tilespmem:s9], [sflag:$0x2] =	stream.linear.gather [hbm4b:s5+s2], $0xC350, $0x38;
	[tilespmem:$0x18700] =	vst v63  }
0x369: {  	_ =	swait.ge [sflag:s10], $0xC350  }
0x36a: {  	[sflag:s10] =	ssyncset.done $0x0  }
0x36b: {  	[sflag:s10] =	ssyncadd.s32 $0xFFFF3CB0  }
0x36c: {  	[hbm4b:s3+s2] =	stream.linear.scatter [tilespmem:s9], [sflag:$0x4], $0xC350, $0x38;
	[tilespmem:$0x18700] =	vst v63  }
.Ltmp2:
0x36d: {  	_ =	swait.ge [sflag:s7], $0xC350;
	(pc) =	sbr.rel @p1 .LBB2_2-.Ltmp2, $4  }
0x36e: {  	[sflag:s7] =	ssyncset.done $0x0  }
0x36f: {  	[sflag:s7] =	ssyncadd.s32 $0xFFFF3CB0  }
0x370: {  	_ =	swait.ge [sflag:s6], $0xC350  }
0x371: {  	s0 =	rddreg [dreg:$0x3];
	[sflag:s6] =	ssyncset.done $0x0  }
.LBB2_3:
0x372: {  	[sflag:s6] =	ssyncadd.s32 @p0 $0xFFFF3CB0  }
0x373: {  	[tilespmem:s2], [sflag:$0x1] =	stream.linear.gather [hbm4b:s0+s2], $0xC350, $0x38;
	[tilespmem:$0x18700] =	vst v63  }
0x374: {  	_ =	swait.ge [sflag:s13], $0xC350  }
0x375: {  	[sflag:s13] =	ssyncset.done $0x0  }
0x376: {  	s0 =	rddreg [dreg:$0x4];
	[sflag:s13] =	ssyncadd.s32 $0xFFFF3CB0  }
0x377: {  	[hbm4b:s0+s2] =	stream.linear.scatter [tilespmem:s2], [sflag:$0x3], $0xC350, $0x38;
	[tilespmem:$0x18700] =	vst v63  }
0x378: {  	s1 =	rddreg [dreg:$0x5]  }
0x379: {  	[tilespmem:s9], [sflag:$0x2] =	stream.linear.gather [hbm4b:s1+s2], $0xC350, $0x38;
	[tilespmem:$0x18700] =	vst v63  }
0x37a: {  	_ =	swait.ge [sflag:s10], $0xC350  }
0x37b: {  	[sflag:s10] =	ssyncset.done $0x0  }
0x37c: {  	s1 =	rddreg [dreg:$0x6];
	[sflag:s10] =	ssyncadd.s32 $0xFFFF3CB0  }
0x37d: {  	[hbm4b:s1+s2] =	stream.linear.scatter [tilespmem:s9], [sflag:$0x4], $0xC350, $0x38;
	[tilespmem:$0x18700] =	vst v63  }
0x37e: {  	_ =	swait.ge [sflag:s7], $0xC350  }
0x37f: {  	[sflag:s7] =	ssyncset.done $0x0  }
0x380: {  	s1 =	rddreg [dreg:$0x7];
	[sflag:s7] =	ssyncadd.s32 $0xFFFF3CB0  }
0x381: {  	[tilespmem:s2], [sflag:$0x1] =	stream.linear.gather [hbm4b:s1+s2], $0xC350, $0x38;
	[tilespmem:$0x18700] =	vst v63  }
0x382: {  	_ =	swait.ge [sflag:s13], $0xC350  }
0x383: {  	[sflag:s13] =	ssyncset.done $0x0  }
0x384: {  	s1 =	rddreg [dreg:$0x8];
	[sflag:s13] =	ssyncadd.s32 $0xFFFF3CB0  }
0x385: {  	[hbm4b:s1+s2] =	stream.linear.scatter [tilespmem:s2], [sflag:$0x3], $0xC350, $0x38;
	[tilespmem:$0x18700] =	vst v63  }
0x386: {  	_ =	swait.ge [sflag:s6], $0xC350  }
0x387: {  	[sflag:s6] =	ssyncset.done $0x0  }
0x388: {  	s1 =	rddreg [dreg:$0x9];
	[sflag:s6] =	ssyncadd.s32 $0xFFFF3CB0  }
0x389: {  	[tilespmem:s9], [sflag:$0x2] =	stream.linear.gather [hbm4b:s1+s2], $0xC350, $0x38;
	[tilespmem:$0x18700] =	vst v63  }
0x38a: {  	_ =	swait.ge [sflag:s10], $0xC350  }
0x38b: {  	[sflag:s10] =	ssyncset.done $0x0  }
0x38c: {  	s1 =	rddreg [dreg:$0xa];
	[sflag:s10] =	ssyncadd.s32 $0xFFFF3CB0  }
0x38d: {  	[hbm4b:s1+s2] =	stream.linear.scatter [tilespmem:s9], [sflag:$0x4], $0xC350, $0x38;
	[tilespmem:$0x18700] =	vst v63  }
0x38e: {  	_ =	swait.ge [sflag:s7], $0xC350  }
0x38f: {  	[sflag:s7] =	ssyncset.done $0x0  }
0x390: {  	s1 =	rddreg [dreg:$0xb];
	[sflag:s7] =	ssyncadd.s32 $0xFFFF3CB0  }
0x391: {  	[tilespmem:s2], [sflag:$0x1] =	stream.linear.gather [hbm4b:s1+s2], $0xC350, $0x38;
	[tilespmem:$0x18700] =	vst v63  }
0x392: {  	_ =	swait.ge [sflag:s13], $0xC350  }
0x393: {  	[sflag:s13] =	ssyncset.done $0x0  }
0x394: {  	s1 =	rddreg [dreg:$0xc];
	[sflag:s13] =	ssyncadd.s32 $0xFFFF3CB0  }
0x395: {  	[hbm4b:s1+s2] =	stream.linear.scatter [tilespmem:s2], [sflag:$0x3], $0xC350, $0x38;
	[tilespmem:$0x18700] =	vst v63  }
0x396: {  	_ =	swait.ge [sflag:s6], $0xC350  }
0x397: {  	[sflag:s6] =	ssyncset.done $0x0  }
0x398: {  	s1 =	rddreg [dreg:$0xd];
	[sflag:s6] =	ssyncadd.s32 $0xFFFF3CB0  }
0x399: {  	[tilespmem:s9], [sflag:$0x2] =	stream.linear.gather [hbm4b:s1+s2], $0xC350, $0x38;
	[tilespmem:$0x18700] =	vst v63  }
0x39a: {  	_ =	swait.ge [sflag:s10], $0xC350  }
0x39b: {  	[sflag:s10] =	ssyncset.done $0x0  }
0x39c: {  	s1 =	rddreg [dreg:$0xe];
	[sflag:s10] =	ssyncadd.s32 $0xFFFF3CB0  }
0x39d: {  	[hbm4b:s1+s2] =	stream.linear.scatter [tilespmem:s9], [sflag:$0x4], $0xC350, $0x38;
	[tilespmem:$0x18700] =	vst v63  }
0x39e: {  	_ =	swait.ge [sflag:s7], $0xC350  }
0x39f: {  	[sflag:s7] =	ssyncset.done $0x0  }
0x3a0: {  	s1 =	rddreg [dreg:$0xf];
	[sflag:s7] =	ssyncadd.s32 $0xFFFF3CB0  }
0x3a1: {  	[tilespmem:s2], [sflag:$0x1] =	stream.linear.gather [hbm4b:s1+s2], $0xC350, $0x38;
	[tilespmem:$0x18700] =	vst v63  }
0x3a2: {  	_ =	swait.ge [sflag:s13], $0xC350  }
0x3a3: {  	[sflag:s13] =	ssyncset.done $0x0  }
0x3a4: {  	s1 =	rddreg [dreg:$0x10];
	[sflag:s13] =	ssyncadd.s32 $0xFFFF3CB0  }
0x3a5: {  	[hbm4b:s1+s2] =	stream.linear.scatter [tilespmem:s2], [sflag:$0x3], $0xC350, $0x38;
	[tilespmem:$0x18700] =	vst v63  }
0x3a6: {  	_ =	swait.ge [sflag:s6], $0xC350  }
0x3a7: {  	[sflag:s6] =	ssyncset.done $0x0  }
0x3a8: {  	s1 =	rddreg [dreg:$0x11];
	[sflag:s6] =	ssyncadd.s32 $0xFFFF3CB0  }
0x3a9: {  	[tilespmem:s9], [sflag:$0x2] =	stream.linear.gather [hbm4b:s1+s2], $0xC350, $0x38;
	[tilespmem:$0x18700] =	vst v63  }
0x3aa: {  	_ =	swait.ge [sflag:s10], $0xC350  }
0x3ab: {  	[sflag:s10] =	ssyncset.done $0x0  }
0x3ac: {  	s1 =	rddreg [dreg:$0x12];
	[sflag:s10] =	ssyncadd.s32 $0xFFFF3CB0  }
0x3ad: {  	[hbm4b:s1+s2] =	stream.linear.scatter [tilespmem:s9], [sflag:$0x4], $0xC350, $0x38;
	[tilespmem:$0x18700] =	vst v63  }
0x3ae: {  	_ =	swait.ge [sflag:s7], $0xC350  }
0x3af: {  	[sflag:s7] =	ssyncset.done $0x0  }
0x3b0: {  	s1 =	rddreg [dreg:$0x13];
	[sflag:s7] =	ssyncadd.s32 $0xFFFF3CB0  }
0x3b1: {  	[tilespmem:s2], [sflag:$0x1] =	stream.linear.gather [hbm4b:s1+s2], $0xC350, $0x38;
	[tilespmem:$0x18700] =	vst v63  }
0x3b2: {  	_ =	swait.ge [sflag:s13], $0xC350  }
0x3b3: {  	[sflag:s13] =	ssyncset.done $0x0  }
0x3b4: {  	s1 =	rddreg [dreg:$0x14];
	[sflag:s13] =	ssyncadd.s32 $0xFFFF3CB0  }
0x3b5: {  	[hbm4b:s1+s2] =	stream.linear.scatter [tilespmem:s2], [sflag:$0x3], $0xC350, $0x38;
	[tilespmem:$0x18700] =	vst v63  }
0x3b6: {  	_ =	swait.ge [sflag:s6], $0xC350  }
0x3b7: {  	[sflag:s6] =	ssyncset.done $0x0  }
0x3b8: {  	s1 =	rddreg [dreg:$0x15];
	[sflag:s6] =	ssyncadd.s32 $0xFFFF3CB0  }
0x3b9: {  	[tilespmem:s9], [sflag:$0x2] =	stream.linear.gather [hbm4b:s1+s2], $0xC350, $0x38;
	[tilespmem:$0x18700] =	vst v63  }
0x3ba: {  	_ =	swait.ge [sflag:s10], $0xC350  }
0x3bb: {  	[sflag:s10] =	ssyncset.done $0x0  }
0x3bc: {  	s1 =	rddreg [dreg:$0x16];
	[sflag:s10] =	ssyncadd.s32 $0xFFFF3CB0  }
0x3bd: {  	[hbm4b:s1+s2] =	stream.linear.scatter [tilespmem:s9], [sflag:$0x4], $0xC350, $0x38;
	[tilespmem:$0x18700] =	vst v63  }
0x3be: {  	_ =	swait.ge [sflag:s7], $0xC350  }
0x3bf: {  	[sflag:s7] =	ssyncset.done $0x0  }
0x3c0: {  	s1 =	rddreg [dreg:$0x17];
	[sflag:s7] =	ssyncadd.s32 $0xFFFF3CB0  }
0x3c1: {  	[tilespmem:s2], [sflag:$0x1] =	stream.linear.gather [hbm4b:s1+s2], $0xC350, $0x38;
	[tilespmem:$0x18700] =	vst v63  }
0x3c2: {  	_ =	swait.ge [sflag:s13], $0xC350  }
0x3c3: {  	[sflag:s13] =	ssyncset.done $0x0  }
0x3c4: {  	s1 =	rddreg [dreg:$0x18];
	[sflag:s13] =	ssyncadd.s32 $0xFFFF3CB0  }
0x3c5: {  	[hbm4b:s1+s2] =	stream.linear.scatter [tilespmem:s2], [sflag:$0x3], $0xC350, $0x38;
	[tilespmem:$0x18700] =	vst v63  }
0x3c6: {  	_ =	swait.ge [sflag:s6], $0xC350  }
0x3c7: {  	[sflag:s6] =	ssyncset.done $0x0  }
0x3c8: {  	s1 =	rddreg [dreg:$0x19];
	[sflag:s6] =	ssyncadd.s32 $0xFFFF3CB0  }
0x3c9: {  	[tilespmem:s9], [sflag:$0x2] =	stream.linear.gather [hbm4b:s1+s2], $0xC350, $0x38;
	[tilespmem:$0x18700] =	vst v63  }
0x3ca: {  	_ =	swait.ge [sflag:s10], $0xC350  }
0x3cb: {  	[sflag:s10] =	ssyncset.done $0x0  }
0x3cc: {  	s1 =	rddreg [dreg:$0x1a];
	[sflag:s10] =	ssyncadd.s32 $0xFFFF3CB0  }
0x3cd: {  	[hbm4b:s1+s2] =	stream.linear.scatter [tilespmem:s9], [sflag:$0x4], $0xC350, $0x38;
	[tilespmem:$0x18700] =	vst v63  }
0x3ce: {  	_ =	swait.ge [sflag:s7], $0xC350  }
0x3cf: {  	[sflag:s7] =	ssyncset.done $0x0  }
0x3d0: {  	s1 =	rddreg [dreg:$0x1b];
	[sflag:s7] =	ssyncadd.s32 $0xFFFF3CB0  }
0x3d1: {  	[tilespmem:s2], [sflag:$0x1] =	stream.linear.gather [hbm4b:s1+s2], $0xC350, $0x38;
	[tilespmem:$0x18700] =	vst v63  }
0x3d2: {  	_ =	swait.ge [sflag:s13], $0xC350  }
0x3d3: {  	[sflag:s13] =	ssyncset.done $0x0  }
0x3d4: {  	s1 =	rddreg [dreg:$0x1c];
	[sflag:s13] =	ssyncadd.s32 $0xFFFF3CB0  }
0x3d5: {  	[hbm4b:s1+s2] =	stream.linear.scatter [tilespmem:s2], [sflag:$0x3], $0xC350, $0x38;
	[tilespmem:$0x18700] =	vst v63  }
0x3d6: {  	_ =	swait.ge [sflag:s6], $0xC350  }
0x3d7: {  	[sflag:s6] =	ssyncset.done $0x0  }
0x3d8: {  	s1 =	rddreg [dreg:$0x1d];
	[sflag:s6] =	ssyncadd.s32 $0xFFFF3CB0  }
0x3d9: {  	[tilespmem:s9], [sflag:$0x2] =	stream.linear.gather [hbm4b:s1+s2], $0xC350, $0x38;
	[tilespmem:$0x18700] =	vst v63  }
0x3da: {  	_ =	swait.ge [sflag:s10], $0xC350  }
0x3db: {  	[sflag:s10] =	ssyncset.done $0x0  }
0x3dc: {  	s1 =	rddreg [dreg:$0x1e];
	[sflag:s10] =	ssyncadd.s32 $0xFFFF3CB0  }
0x3dd: {  	[hbm4b:s1+s2] =	stream.linear.scatter [tilespmem:s9], [sflag:$0x4], $0xC350, $0x38;
	[tilespmem:$0x18700] =	vst v63  }
0x3de: {  	_ =	swait.ge [sflag:s7], $0xC350  }
0x3df: {  	[sflag:s7] =	ssyncset.done $0x0  }
0x3e0: {  	s1 =	rddreg [dreg:$0x1f];
	[sflag:s7] =	ssyncadd.s32 $0xFFFF3CB0  }
0x3e1: {  	[tilespmem:s2], [sflag:$0x1] =	stream.linear.gather [hbm4b:s1+s2], $0xC350, $0x38;
	[tilespmem:$0x18700] =	vst v63  }
0x3e2: {  	_ =	swait.ge [sflag:s13], $0xC350  }
0x3e3: {  	s1 =	sld [smem:$0x7DA]  }
0x3e4: {  	[sflag:s13] =	ssyncset.done $0x0  }
0x3e5: {  	[sflag:s13] =	ssyncadd.s32 $0xFFFF3CB0  }
0x3e6: {  	[hbm4b:s1+s2] =	stream.linear.scatter [tilespmem:s2], [sflag:$0x3], $0xC350, $0x38;
	[tilespmem:$0x18700] =	vst v63  }
0x3e7: {  	_ =	swait.ge [sflag:s6], $0xC350  }
0x3e8: {  	s1 =	sld [smem:$0x7DB]  }
0x3e9: {  	[sflag:s6] =	ssyncset.done $0x0  }
0x3ea: {  	[sflag:s6] =	ssyncadd.s32 $0xFFFF3CB0  }
0x3eb: {  	[tilespmem:s9], [sflag:$0x2] =	stream.linear.gather [hbm4b:s1+s2], $0xC350, $0x38;
	[tilespmem:$0x18700] =	vst v63  }
0x3ec: {  	_ =	swait.ge [sflag:s10], $0xC350  }
0x3ed: {  	s1 =	sld [smem:$0x7DC]  }
0x3ee: {  	[sflag:s10] =	ssyncset.done $0x0  }
0x3ef: {  	[sflag:s10] =	ssyncadd.s32 $0xFFFF3CB0  }
0x3f0: {  	[hbm4b:s1+s2] =	stream.linear.scatter [tilespmem:s9], [sflag:$0x4], $0xC350, $0x38;
	[tilespmem:$0x18700] =	vst v63  }
0x3f1: {  	_ =	swait.ge [sflag:s7], $0xC350  }
0x3f2: {  	s1 =	sld [smem:$0x7DD]  }
0x3f3: {  	[sflag:s7] =	ssyncset.done $0x0  }
0x3f4: {  	[sflag:s7] =	ssyncadd.s32 $0xFFFF3CB0  }
0x3f5: {  	[tilespmem:s2], [sflag:$0x1] =	stream.linear.gather [hbm4b:s1+s2], $0xC350, $0x38;
	[tilespmem:$0x18700] =	vst v63  }
0x3f6: {  	_ =	swait.ge [sflag:s13], $0xC350  }
0x3f7: {  	s1 =	sld [smem:$0x7DE]  }
0x3f8: {  	[sflag:s13] =	ssyncset.done $0x0  }
0x3f9: {  	[sflag:s13] =	ssyncadd.s32 $0xFFFF3CB0  }
0x3fa: {  	[hbm4b:s1+s2] =	stream.linear.scatter [tilespmem:s2], [sflag:$0x3], $0xC350, $0x38;
	[tilespmem:$0x18700] =	vst v63  }
0x3fb: {  	_ =	swait.ge [sflag:s6], $0xC350  }
0x3fc: {  	s1 =	sld [smem:$0x7DF]  }
0x3fd: {  	[sflag:s6] =	ssyncset.done $0x0  }
0x3fe: {  	[sflag:s6] =	ssyncadd.s32 $0xFFFF3CB0  }
0x3ff: {  	[tilespmem:s9], [sflag:$0x2] =	stream.linear.gather [hbm4b:s1+s2], $0xC350, $0x38;
	[tilespmem:$0x18700] =	vst v63  }
0x400: {  	_ =	swait.ge [sflag:s10], $0xC350  }
0x401: {  	s1 =	sld [smem:$0x7E0]  }
0x402: {  	[sflag:s10] =	ssyncset.done $0x0  }
0x403: {  	[sflag:s10] =	ssyncadd.s32 $0xFFFF3CB0  }
0x404: {  	[hbm4b:s1+s2] =	stream.linear.scatter [tilespmem:s9], [sflag:$0x4], $0xC350, $0x38;
	[tilespmem:$0x18700] =	vst v63  }
0x405: {  	_ =	swait.ge [sflag:s7], $0xC350  }
0x406: {  	s1 =	sld [smem:$0x7E1]  }
0x407: {  	[sflag:s7] =	ssyncset.done $0x0  }
0x408: {  	[sflag:s7] =	ssyncadd.s32 $0xFFFF3CB0  }
0x409: {  	[tilespmem:s2], [sflag:$0x1] =	stream.linear.gather [hbm4b:s1+s2], $0xC350, $0x38;
	[tilespmem:$0x18700] =	vst v63  }
0x40a: {  	_ =	swait.ge [sflag:s13], $0xC350  }
0x40b: {  	s1 =	sld [smem:$0x7E2]  }
0x40c: {  	[sflag:s13] =	ssyncset.done $0x0  }
0x40d: {  	[sflag:s13] =	ssyncadd.s32 $0xFFFF3CB0  }
0x40e: {  	[hbm4b:s1+s2] =	stream.linear.scatter [tilespmem:s2], [sflag:$0x3], $0xC350, $0x38;
	[tilespmem:$0x18700] =	vst v63  }
0x40f: {  	_ =	swait.ge [sflag:s6], $0xC350  }
0x410: {  	s1 =	sld [smem:$0x7E3]  }
0x411: {  	[sflag:s6] =	ssyncset.done $0x0  }
0x412: {  	[sflag:s6] =	ssyncadd.s32 $0xFFFF3CB0  }
0x413: {  	[tilespmem:s9], [sflag:$0x2] =	stream.linear.gather [hbm4b:s1+s2], $0xC350, $0x38;
	[tilespmem:$0x18700] =	vst v63  }
0x414: {  	_ =	swait.ge [sflag:s10], $0xC350  }
0x415: {  	s1 =	sld [smem:$0x7E4]  }
0x416: {  	[sflag:s10] =	ssyncset.done $0x0  }
0x417: {  	[sflag:s10] =	ssyncadd.s32 $0xFFFF3CB0  }
0x418: {  	[hbm4b:s1+s2] =	stream.linear.scatter [tilespmem:s9], [sflag:$0x4], $0xC350, $0x38;
	[tilespmem:$0x18700] =	vst v63  }
0x419: {  	_ =	swait.ge [sflag:s7], $0xC350  }
0x41a: {  	s1 =	sld [smem:$0x7E5]  }
0x41b: {  	[sflag:s7] =	ssyncset.done $0x0  }
0x41c: {  	[sflag:s7] =	ssyncadd.s32 $0xFFFF3CB0  }
0x41d: {  	[tilespmem:s2], [sflag:$0x1] =	stream.linear.gather [hbm4b:s1+s2], $0xC350, $0x38;
	[tilespmem:$0x18700] =	vst v63  }
0x41e: {  	_ =	swait.ge [sflag:s13], $0xC350  }
0x41f: {  	s1 =	sld [smem:$0x7E6]  }
0x420: {  	[sflag:s13] =	ssyncset.done $0x0  }
0x421: {  	[sflag:s13] =	ssyncadd.s32 $0xFFFF3CB0  }
0x422: {  	[hbm4b:s1+s2] =	stream.linear.scatter [tilespmem:s2], [sflag:$0x3], $0xC350, $0x38;
	[tilespmem:$0x18700] =	vst v63  }
0x423: {  	_ =	swait.ge [sflag:s6], $0xC350  }
0x424: {  	s1 =	sld [smem:$0x7E7]  }
0x425: {  	[sflag:s6] =	ssyncset.done $0x0  }
0x426: {  	[sflag:s6] =	ssyncadd.s32 $0xFFFF3CB0  }
0x427: {  	[tilespmem:s9], [sflag:$0x2] =	stream.linear.gather [hbm4b:s1+s2], $0xC350, $0x38;
	[tilespmem:$0x18700] =	vst v63  }
0x428: {  	_ =	swait.ge [sflag:s10], $0xC350  }
0x429: {  	s1 =	sld [smem:$0x7E8]  }
0x42a: {  	[sflag:s10] =	ssyncset.done $0x0  }
0x42b: {  	[sflag:s10] =	ssyncadd.s32 $0xFFFF3CB0  }
0x42c: {  	[hbm4b:s1+s2] =	stream.linear.scatter [tilespmem:s9], [sflag:$0x4], $0xC350, $0x38;
	[tilespmem:$0x18700] =	vst v63  }
0x42d: {  	_ =	swait.ge [sflag:s7], $0xC350  }
0x42e: {  	s1 =	sld [smem:$0x7E9]  }
0x42f: {  	[sflag:s7] =	ssyncset.done $0x0  }
0x430: {  	[sflag:s7] =	ssyncadd.s32 $0xFFFF3CB0  }
0x431: {  	[tilespmem:s2], [sflag:$0x1] =	stream.linear.gather [hbm4b:s1+s2], $0xC350, $0x38;
	[tilespmem:$0x18700] =	vst v63  }
0x432: {  	_ =	swait.ge [sflag:s13], $0xC350  }
0x433: {  	s1 =	sld [smem:$0x7EA]  }
0x434: {  	[sflag:s13] =	ssyncset.done $0x0  }
0x435: {  	[sflag:s13] =	ssyncadd.s32 $0xFFFF3CB0  }
0x436: {  	[hbm4b:s1+s2] =	stream.linear.scatter [tilespmem:s2], [sflag:$0x3], $0xC350, $0x38;
	[tilespmem:$0x18700] =	vst v63  }
0x437: {  	_ =	swait.ge [sflag:s6], $0xC350  }
0x438: {  	s1 =	sld [smem:$0x7EB]  }
0x439: {  	[sflag:s6] =	ssyncset.done $0x0  }
0x43a: {  	[sflag:s6] =	ssyncadd.s32 $0xFFFF3CB0  }
0x43b: {  	[tilespmem:s9], [sflag:$0x2] =	stream.linear.gather [hbm4b:s1+s2], $0xC350, $0x38;
	[tilespmem:$0x18700] =	vst v63  }
0x43c: {  	_ =	swait.ge [sflag:s10], $0xC350  }
0x43d: {  	s1 =	sld [smem:$0x7EC]  }
0x43e: {  	[sflag:s10] =	ssyncset.done $0x0  }
0x43f: {  	[sflag:s10] =	ssyncadd.s32 $0xFFFF3CB0  }
0x440: {  	[hbm4b:s1+s2] =	stream.linear.scatter [tilespmem:s9], [sflag:$0x4], $0xC350, $0x38;
	[tilespmem:$0x18700] =	vst v63  }
0x441: {  	_ =	swait.ge [sflag:s7], $0xC350  }
0x442: {  	s1 =	sld [smem:$0x7ED]  }
0x443: {  	[sflag:s7] =	ssyncset.done $0x0  }
0x444: {  	[sflag:s7] =	ssyncadd.s32 $0xFFFF3CB0  }
0x445: {  	[tilespmem:s2], [sflag:$0x1] =	stream.linear.gather [hbm4b:s1+s2], $0xC350, $0x38;
	[tilespmem:$0x18700] =	vst v63  }
0x446: {  	_ =	swait.ge [sflag:s13], $0xC350  }
0x447: {  	s1 =	sld [smem:$0x7EE]  }
0x448: {  	[sflag:s13] =	ssyncset.done $0x0  }
0x449: {  	[sflag:s13] =	ssyncadd.s32 $0xFFFF3CB0  }
0x44a: {  	[hbm4b:s1+s2] =	stream.linear.scatter [tilespmem:s2], [sflag:$0x3], $0xC350, $0x38;
	[tilespmem:$0x18700] =	vst v63  }
0x44b: {  	_ =	swait.ge [sflag:s6], $0xC350  }
0x44c: {  	s1 =	sld [smem:$0x7EF]  }
0x44d: {  	[sflag:s6] =	ssyncset.done $0x0  }
0x44e: {  	[sflag:s6] =	ssyncadd.s32 $0xFFFF3CB0  }
0x44f: {  	[tilespmem:s9], [sflag:$0x2] =	stream.linear.gather [hbm4b:s1+s2], $0xC350, $0x38;
	[tilespmem:$0x18700] =	vst v63  }
0x450: {  	_ =	swait.ge [sflag:s10], $0xC350  }
0x451: {  	s1 =	sld [smem:$0x7F0]  }
0x452: {  	[sflag:s10] =	ssyncset.done $0x0  }
0x453: {  	[sflag:s10] =	ssyncadd.s32 $0xFFFF3CB0  }
0x454: {  	[hbm4b:s1+s2] =	stream.linear.scatter [tilespmem:s9], [sflag:$0x4], $0xC350, $0x38;
	[tilespmem:$0x18700] =	vst v63  }
0x455: {  	_ =	swait.ge [sflag:s7], $0xC350  }
0x456: {  	s1 =	sld [smem:$0x7F1]  }
0x457: {  	[sflag:s7] =	ssyncset.done $0x0  }
0x458: {  	[sflag:s7] =	ssyncadd.s32 $0xFFFF3CB0  }
0x459: {  	[tilespmem:s2], [sflag:$0x1] =	stream.linear.gather [hbm4b:s1+s2], $0xC350, $0x38;
	[tilespmem:$0x18700] =	vst v63  }
0x45a: {  	_ =	swait.ge [sflag:s13], $0xC350  }
0x45b: {  	s1 =	sld [smem:$0x7F2]  }
0x45c: {  	[sflag:s13] =	ssyncset.done $0x0  }
0x45d: {  	[sflag:s13] =	ssyncadd.s32 $0xFFFF3CB0  }
0x45e: {  	[hbm4b:s1+s2] =	stream.linear.scatter [tilespmem:s2], [sflag:$0x3], $0xC350, $0x38;
	[tilespmem:$0x18700] =	vst v63  }
0x45f: {  	_ =	swait.ge [sflag:s6], $0xC350  }
0x460: {  	s1 =	sld [smem:$0x7F3]  }
0x461: {  	[sflag:s6] =	ssyncset.done $0x0  }
0x462: {  	[sflag:s6] =	ssyncadd.s32 $0xFFFF3CB0  }
0x463: {  	[tilespmem:s9], [sflag:$0x2] =	stream.linear.gather [hbm4b:s1+s2], $0xC350, $0x38;
	[tilespmem:$0x18700] =	vst v63  }
0x464: {  	_ =	swait.ge [sflag:s10], $0xC350  }
0x465: {  	s1 =	sld [smem:$0x7F4]  }
0x466: {  	[sflag:s10] =	ssyncset.done $0x0  }
0x467: {  	[sflag:s10] =	ssyncadd.s32 $0xFFFF3CB0  }
0x468: {  	[hbm4b:s1+s2] =	stream.linear.scatter [tilespmem:s9], [sflag:$0x4], $0xC350, $0x38;
	[tilespmem:$0x18700] =	vst v63  }
0x469: {  	_ =	swait.ge [sflag:s7], $0xC350  }
0x46a: {  	s1 =	sld [smem:$0x7F5]  }
0x46b: {  	[sflag:s7] =	ssyncset.done $0x0  }
0x46c: {  	[sflag:s7] =	ssyncadd.s32 $0xFFFF3CB0  }
0x46d: {  	[tilespmem:s2], [sflag:$0x1] =	stream.linear.gather [hbm4b:s1+s2], $0xC350, $0x38;
	[tilespmem:$0x18700] =	vst v63  }
0x46e: {  	_ =	swait.ge [sflag:s13], $0xC350  }
0x46f: {  	s1 =	sld [smem:$0x7F6]  }
0x470: {  	[sflag:s13] =	ssyncset.done $0x0  }
0x471: {  	[sflag:s13] =	ssyncadd.s32 $0xFFFF3CB0  }
0x472: {  	[hbm4b:s1+s2] =	stream.linear.scatter [tilespmem:s2], [sflag:$0x3], $0xC350, $0x38;
	[tilespmem:$0x18700] =	vst v63  }
0x473: {  	_ =	swait.ge [sflag:s6], $0xC350  }
0x474: {  	s1 =	sld [smem:$0x7F7]  }
0x475: {  	[sflag:s6] =	ssyncset.done $0x0  }
0x476: {  	[sflag:s6] =	ssyncadd.s32 $0xFFFF3CB0  }
0x477: {  	[tilespmem:s9], [sflag:$0x2] =	stream.linear.gather [hbm4b:s1+s2], $0xC350, $0x38;
	[tilespmem:$0x18700] =	vst v63  }
0x478: {  	_ =	swait.ge [sflag:s10], $0xC350  }
0x479: {  	s1 =	sld [smem:$0x7F8]  }
0x47a: {  	[sflag:s10] =	ssyncset.done $0x0  }
0x47b: {  	[sflag:s10] =	ssyncadd.s32 $0xFFFF3CB0  }
0x47c: {  	[hbm4b:s1+s2] =	stream.linear.scatter [tilespmem:s9], [sflag:$0x4], $0xC350, $0x38;
	[tilespmem:$0x18700] =	vst v63  }
0x47d: {  	_ =	swait.ge [sflag:s7], $0xC350  }
0x47e: {  	s1 =	sld [smem:$0x7F9]  }
0x47f: {  	[sflag:s7] =	ssyncset.done $0x0  }
0x480: {  	[sflag:s7] =	ssyncadd.s32 $0xFFFF3CB0  }
0x481: {  	[tilespmem:s2], [sflag:$0x1] =	stream.linear.gather [hbm4b:s1+s2], $0xC350, $0x38;
	[tilespmem:$0x18700] =	vst v63  }
0x482: {  	_ =	swait.ge [sflag:s13], $0xC350  }
0x483: {  	s1 =	sld [smem:$0x7FA]  }
0x484: {  	[sflag:s13] =	ssyncset.done $0x0  }
0x485: {  	[sflag:s13] =	ssyncadd.s32 $0xFFFF3CB0  }
0x486: {  	[hbm4b:s1+s2] =	stream.linear.scatter [tilespmem:s2], [sflag:$0x3], $0xC350, $0x38;
	[tilespmem:$0x18700] =	vst v63  }
0x487: {  	_ =	swait.ge [sflag:s6], $0xC350  }
0x488: {  	s1 =	sld [smem:$0x7FB]  }
0x489: {  	[sflag:s6] =	ssyncset.done $0x0  }
0x48a: {  	[sflag:s6] =	ssyncadd.s32 $0xFFFF3CB0  }
0x48b: {  	[tilespmem:s9], [sflag:$0x2] =	stream.linear.gather [hbm4b:s1+s2], $0xC350, $0x38;
	[tilespmem:$0x18700] =	vst v63  }
0x48c: {  	_ =	swait.ge [sflag:s10], $0xC350  }
0x48d: {  	s1 =	sld [smem:$0x7FC]  }
0x48e: {  	[sflag:s10] =	ssyncset.done $0x0  }
0x48f: {  	[sflag:s10] =	ssyncadd.s32 $0xFFFF3CB0  }
0x490: {  	[hbm4b:s1+s2] =	stream.linear.scatter [tilespmem:s9], [sflag:$0x4], $0xC350, $0x38;
	[tilespmem:$0x18700] =	vst v63  }
0x491: {  	_ =	swait.ge [sflag:s7], $0xC350  }
0x492: {  	s1 =	sld [smem:$0x7FD]  }
0x493: {  	[sflag:s7] =	ssyncset.done $0x0  }
0x494: {  	[sflag:s7] =	ssyncadd.s32 $0xFFFF3CB0  }
0x495: {  	[tilespmem:s2], [sflag:$0x1] =	stream.linear.gather [hbm4b:s1+s2], $0xC350, $0x38;
	[tilespmem:$0x18700] =	vst v63  }
0x496: {  	_ =	swait.ge [sflag:s13], $0xC350  }
0x497: {  	[sflag:s13] =	ssyncset.done $0x0  }
0x498: {  	[sflag:s13] =	ssyncadd.s32 $0xFFFF3CB0  }
0x499: {  	[hbm4b:s31+s2] =	stream.linear.scatter [tilespmem:s2], [sflag:$0x3], $0xC350, $0x38;
	[tilespmem:$0x18700] =	vst v63  }
0x49a: {  	_ =	swait.ge [sflag:s6], $0xC350  }
0x49b: {  	[sflag:s6] =	ssyncset.done $0x0  }
0x49c: {  	[sflag:s6] =	ssyncadd.s32 $0xFFFF3CB0  }
0x49d: {  	[tilespmem:s9], [sflag:$0x2] =	stream.linear.gather [hbm4b:s30+s2], $0xC350, $0x38;
	[tilespmem:$0x18700] =	vst v63  }
0x49e: {  	_ =	swait.ge [sflag:s10], $0xC350  }
0x49f: {  	[sflag:s10] =	ssyncset.done $0x0  }
0x4a0: {  	[sflag:s10] =	ssyncadd.s32 $0xFFFF3CB0  }
0x4a1: {  	[hbm4b:s29+s2] =	stream.linear.scatter [tilespmem:s9], [sflag:$0x4], $0xC350, $0x38;
	[tilespmem:$0x18700] =	vst v63  }
0x4a2: {  	_ =	swait.ge [sflag:s7], $0xC350  }
0x4a3: {  	[sflag:s7] =	ssyncset.done $0x0  }
0x4a4: {  	[sflag:s7] =	ssyncadd.s32 $0xFFFF3CB0  }
0x4a5: {  	[tilespmem:s2], [sflag:$0x1] =	stream.linear.gather [hbm4b:s28+s2], $0xC350, $0x38;
	[tilespmem:$0x18700] =	vst v63  }
0x4a6: {  	_ =	swait.ge [sflag:s13], $0xC350  }
0x4a7: {  	[sflag:s13] =	ssyncset.done $0x0  }
0x4a8: {  	[sflag:s13] =	ssyncadd.s32 $0xFFFF3CB0  }
0x4a9: {  	[hbm4b:s26+s2] =	stream.linear.scatter [tilespmem:s2], [sflag:$0x3], $0xC350, $0x38;
	[tilespmem:$0x18700] =	vst v63  }
0x4aa: {  	_ =	swait.ge [sflag:s6], $0xC350  }
0x4ab: {  	[sflag:s6] =	ssyncset.done $0x0  }
0x4ac: {  	[sflag:s6] =	ssyncadd.s32 $0xFFFF3CB0  }
0x4ad: {  	[tilespmem:s9], [sflag:$0x2] =	stream.linear.gather [hbm4b:s25+s2], $0xC350, $0x38;
	[tilespmem:$0x18700] =	vst v63  }
0x4ae: {  	_ =	swait.ge [sflag:s10], $0xC350  }
0x4af: {  	[sflag:s10] =	ssyncset.done $0x0  }
0x4b0: {  	[sflag:s10] =	ssyncadd.s32 $0xFFFF3CB0  }
0x4b1: {  	[hbm4b:s24+s2] =	stream.linear.scatter [tilespmem:s9], [sflag:$0x4], $0xC350, $0x38;
	[tilespmem:$0x18700] =	vst v63  }
0x4b2: {  	_ =	swait.ge [sflag:s7], $0xC350  }
0x4b3: {  	[sflag:s7] =	ssyncset.done $0x0  }
0x4b4: {  	[sflag:s7] =	ssyncadd.s32 $0xFFFF3CB0  }
0x4b5: {  	[tilespmem:s2], [sflag:$0x1] =	stream.linear.gather [hbm4b:s23+s2], $0xC350, $0x38;
	[tilespmem:$0x18700] =	vst v63  }
0x4b6: {  	_ =	swait.ge [sflag:s13], $0xC350  }
0x4b7: {  	[sflag:s13] =	ssyncset.done $0x0  }
0x4b8: {  	[sflag:s13] =	ssyncadd.s32 $0xFFFF3CB0  }
0x4b9: {  	[hbm4b:s22+s2] =	stream.linear.scatter [tilespmem:s2], [sflag:$0x3], $0xC350, $0x38;
	[tilespmem:$0x18700] =	vst v63  }
0x4ba: {  	_ =	swait.ge [sflag:s6], $0xC350  }
0x4bb: {  	[sflag:s6] =	ssyncset.done $0x0  }
0x4bc: {  	[sflag:s6] =	ssyncadd.s32 $0xFFFF3CB0  }
0x4bd: {  	[tilespmem:s9], [sflag:$0x2] =	stream.linear.gather [hbm4b:s21+s2], $0xC350, $0x38;
	[tilespmem:$0x18700] =	vst v63  }
0x4be: {  	_ =	swait.ge [sflag:s10], $0xC350  }
0x4bf: {  	[sflag:s10] =	ssyncset.done $0x0  }
0x4c0: {  	[sflag:s10] =	ssyncadd.s32 $0xFFFF3CB0  }
0x4c1: {  	[hbm4b:s20+s2] =	stream.linear.scatter [tilespmem:s9], [sflag:$0x4], $0xC350, $0x38;
	[tilespmem:$0x18700] =	vst v63  }
0x4c2: {  	_ =	swait.ge [sflag:s7], $0xC350  }
0x4c3: {  	[sflag:s7] =	ssyncset.done $0x0  }
0x4c4: {  	[sflag:s7] =	ssyncadd.s32 $0xFFFF3CB0  }
0x4c5: {  	[tilespmem:s2], [sflag:$0x1] =	stream.linear.gather [hbm4b:s19+s2], $0xC350, $0x38;
	[tilespmem:$0x18700] =	vst v63  }
0x4c6: {  	_ =	swait.ge [sflag:s13], $0xC350  }
0x4c7: {  	[sflag:s13] =	ssyncset.done $0x0  }
0x4c8: {  	[sflag:s13] =	ssyncadd.s32 $0xFFFF3CB0  }
0x4c9: {  	[hbm4b:s18+s2] =	stream.linear.scatter [tilespmem:s2], [sflag:$0x3], $0xC350, $0x38;
	[tilespmem:$0x18700] =	vst v63  }
0x4ca: {  	_ =	swait.ge [sflag:s6], $0xC350  }
0x4cb: {  	[sflag:s6] =	ssyncset.done $0x0  }
0x4cc: {  	[sflag:s6] =	ssyncadd.s32 $0xFFFF3CB0  }
0x4cd: {  	[tilespmem:s9], [sflag:$0x2] =	stream.linear.gather [hbm4b:s17+s2], $0xC350, $0x38;
	[tilespmem:$0x18700] =	vst v63  }
0x4ce: {  	_ =	swait.ge [sflag:s10], $0xC350  }
0x4cf: {  	[sflag:s10] =	ssyncset.done $0x0  }
0x4d0: {  	[sflag:s10] =	ssyncadd.s32 $0xFFFF3CB0  }
0x4d1: {  	[hbm4b:s16+s2] =	stream.linear.scatter [tilespmem:s9], [sflag:$0x4], $0xC350, $0x38;
	[tilespmem:$0x18700] =	vst v63  }
0x4d2: {  	_ =	swait.ge [sflag:s7], $0xC350  }
0x4d3: {  	[sflag:s7] =	ssyncset.done $0x0  }
0x4d4: {  	[sflag:s7] =	ssyncadd.s32 $0xFFFF3CB0  }
0x4d5: {  	_ =	swait.ge [sflag:s6], $0xC350  }
0x4d6: {  	[sflag:s6] =	ssyncset.done $0x0  }
0x4d7: {  	[sflag:s6] =	ssyncadd.s32 $0xFFFF3CB0  }
0x4d8: {  	[tilespmem:s2], [sflag:$0x1] =	stream.linear.gather [hbm4b:s15+s2], $0xC350, $0x38;
	[tilespmem:$0x18700] =	vst v63  }
0x4d9: {  	_ =	swait.ge [sflag:s13], $0xC350  }
0x4da: {  	[sflag:s13] =	ssyncset.done $0x0  }
0x4db: {  	[sflag:s13] =	ssyncadd.s32 $0xFFFF3CB0  }
0x4dc: {  	[hbm4b:s14+s2] =	stream.linear.scatter [tilespmem:s2], [sflag:$0x3], $0xC350, $0x38;
	[tilespmem:$0x18700] =	vst v63  }
0x4dd: {  	_ = 	snop  }
0x4de: {  	[tilespmem:s9], [sflag:$0x2] =	stream.linear.gather [hbm4b:s12+s2], $0xC350, $0x38;
	[tilespmem:$0x18700] =	vst v63  }
0x4df: {  	_ =	swait.ge [sflag:s10], $0xC350  }
0x4e0: {  	[sflag:s10] =	ssyncset.done $0x0  }
0x4e1: {  	[sflag:s10] =	ssyncadd.s32 $0xFFFF3CB0  }
0x4e2: {  	[hbm4b:s11+s2] =	stream.linear.scatter [tilespmem:s9], [sflag:$0x4], $0xC350, $0x38;
	[tilespmem:$0x18700] =	vst v63  }
0x4e3: {  	_ =	swait.ge [sflag:s7], $0xC350  }
0x4e4: {  	[sflag:s7] =	ssyncset.done $0x0  }
0x4e5: {  	[sflag:s7] =	ssyncadd.s32 $0xFFFF3CB0  }
0x4e6: {  	[tilespmem:s2], [sflag:$0x1] =	stream.linear.gather [hbm4b:s8+s2], $0xC350, $0x38;
	[tilespmem:$0x18700] =	vst v63  }
0x4e7: {  	_ =	swait.ge [sflag:s13], $0xC350  }
0x4e8: {  	[sflag:s13] =	ssyncset.done $0x0  }
0x4e9: {  	[sflag:s13] =	ssyncadd.s32 $0xFFFF3CB0  }
0x4ea: {  	[hbm4b:s4+s2] =	stream.linear.scatter [tilespmem:s2], [sflag:$0x3], $0xC350, $0x38;
	[tilespmem:$0x18700] =	vst v63  }
0x4eb: {  	_ =	swait.ge [sflag:s6], $0xC350  }
0x4ec: {  	[sflag:s6] =	ssyncset.done $0x0  }
0x4ed: {  	[sflag:s6] =	ssyncadd.s32 $0xFFFF3CB0  }
0x4ee: {  	[tilespmem:s9], [sflag:$0x2] =	stream.linear.gather [hbm4b:s5+s2], $0xC350, $0x38;
	[tilespmem:$0x18700] =	vst v63  }
0x4ef: {  	_ =	swait.ge [sflag:s10], $0xC350  }
0x4f0: {  	[sflag:s10] =	ssyncset.done $0x0  }
0x4f1: {  	[sflag:s10] =	ssyncadd.s32 $0xFFFF3CB0  }
0x4f2: {  	[hbm4b:s3+s2] =	stream.linear.scatter [tilespmem:s9], [sflag:$0x4], $0xC350, $0x38;
	[tilespmem:$0x18700] =	vst v63  }
0x4f3: {  	_ =	swait.ge [sflag:s7], $0xC350  }
0x4f4: {  	[sflag:s7] =	ssyncset.done $0x0  }
0x4f5: {  	[sflag:s7] =	ssyncadd.s32 $0xFFFF3CB0  }
0x4f6: {  	_ =	swait.ge [sflag:s6], $0xC350  }
0x4f7: {  	[sflag:s6] =	ssyncset.done $0x0  }
0x4f8: {  	[sflag:s6] =	ssyncadd.s32 $0xFFFF3CB0  }
0x4f9: {  	_ =	sfence.sel $0x180000  }
0x4fa: {  	[bflag:$0x0] =	sbarrier.arrive $0xFFFF  }
0x4fb: {  	_ =	strace $0x90000047  }
0x4fc: {  	s31 =	stileid.u32;
	[bflag:$0x2] =	sbarrier.arrive $0xFFFF  }
0x4fd: {  	p0 =	sne.s32 s31, $0x0;
	s0 =	rddreg [dreg:$0x2]  }
0x4fe: {  	s0 =	sadd.s32 @!p0 $0x100000, s0  }
0x4ff: {  	[sflag:s0] =	ssyncadd.tile.s32 @!p0 $0x1;
	_ =	shalt  }
.Lfunc_end2:
_tile_overlayer_lowered:
.L_overlay_start_2:
0x500: {  	(tag) =	ssettag $0x2  }
0x501: {  	s0 =	rddreg [dreg:$0x0];
	s2 =	stileid.u32  }
0x502: {  	s1 =	rddreg [dreg:$0x1];
	p0 =	sne.s32 s2, $0x0  }
0x503: {  	s3 =	rddreg [dreg:$0x2];
	[bflag:$0x3] =	sbarrier.arrive $0xFFFF;
	s2 =	simm.s32 @!p0 $0x1C05  }
0x504: {  	[timem:s3], [sflag:s2] =	dma.local @!p0 [hbm:s0], s1  }
0x505: {  	s0 =	simm.s32 @!p0 $0x5  }
0x506: {  	_ =	swait.ge @!p0 [sflag:s0], s1  }
0x507: {  	s1 =	ssub.s32 @!p0 $0x0, s1;
	[sflag:s0] =	ssyncset.done @!p0 $0x0  }
0x508: {  	[sflag:s0] =	ssyncadd.s32 @!p0 s1  }
0x509: {  	[bflag:$0x3] =	sbarrier.arrive $0xFFFF  }
0x50a: {  	_ =	shalt  }

</sc_bundles>
